<compile_context>
chip_gen: v7x
topology: tpu7x:2x2x1
jax: 0.10.2.dev20260603
libtpu: 0.0.44.dev20260713+nightly
codegen_flags: <defaults>
</compile_context>

<pallas_src>
import functools

import jax
import jax.numpy as jnp
from jax import lax
from jax.experimental import pallas as pl
from jax.experimental.pallas import tpu as pltpu
from jax.experimental.pallas import tpu_sc as plsc

D = 64
H_DEC = 96
TAU = 0.3

_NTILE = 16
_NCORE = 2
_CHUNK = 2048


def _sim_body(f_ref, zg_ref, dxyz_ref, w1a_ref, w1b_ref, w1c_ref, b1_ref,
              w2_ref, b2_ref, s_ref, bmax_ref):
    f = f_ref[...]
    zg = zg_ref[...]
    dx = dxyz_ref[...]
    h = (jnp.dot(f, w1a_ref[...], preferred_element_type=jnp.float32)
         + jnp.dot(zg, w1b_ref[...], preferred_element_type=jnp.float32)
         + jnp.dot(dx, w1c_ref[...], preferred_element_type=jnp.float32)
         + b1_ref[...])
    h = jnp.maximum(h, 0.0)
    s = jnp.dot(h, w2_ref[...], preferred_element_type=jnp.float32) + b2_ref[...]
    s_ref[...] = s
    i = pl.program_id(0)
    local = jnp.max(s)

    @pl.when(i == 0)
    def _():
        bmax_ref[0, 0] = local

    @pl.when(i > 0)
    def _():
        bmax_ref[0, 0] = jnp.maximum(bmax_ref[0, 0], local)


def _sim_scores(f_pts, z_g, delta_xyz, sim_w1, sim_b1, sim_w2, sim_b2):
    n = f_pts.shape[0]
    bn = 4096
    w1a = sim_w1[:D]
    w1b = sim_w1[D:2 * D]
    w1c = sim_w1[2 * D:]
    grid = (n // bn,)
    return pl.pallas_call(
        _sim_body,
        grid=grid,
        in_specs=[
            pl.BlockSpec((bn, D), lambda i: (i, 0)),
            pl.BlockSpec((bn, D), lambda i: (i, 0)),
            pl.BlockSpec((bn, 3), lambda i: (i, 0)),
            pl.BlockSpec((D, D), lambda i: (0, 0)),
            pl.BlockSpec((D, D), lambda i: (0, 0)),
            pl.BlockSpec((3, D), lambda i: (0, 0)),
            pl.BlockSpec((1, D), lambda i: (0, 0)),
            pl.BlockSpec((D, 1), lambda i: (0, 0)),
            pl.BlockSpec((1, 1), lambda i: (0, 0)),
        ],
        out_specs=[pl.BlockSpec((bn, 1), lambda i: (i, 0)),
                   pl.BlockSpec((1, 1), lambda i: (0, 0),
                                memory_space=pltpu.SMEM)],
        out_shape=[jax.ShapeDtypeStruct((n, 1), jnp.float32),
                   jax.ShapeDtypeStruct((1, 1), jnp.float32)],
    )(f_pts, z_g, delta_xyz, w1a, w1b, w1c, sim_b1.reshape(1, D),
      sim_w2, sim_b2.reshape(1, 1))


def _voxel_body(z_ref, smsg_ref, den_ref, cnt_ref,
                gw1a_ref, gw1b_ref, gb1_ref, gw2_ref, gb2_ref,
                wih_ref, whh_ref, bih_ref, bhh_ref,
                lng_ref, lnb_ref, fc1_ref, fb1_ref, fc2_ref, fb2_ref,
                fc3_ref, fb3_ref, out_ref):
    z = z_ref[...]
    msg = smsg_ref[...] / jnp.maximum(den_ref[...], 1e-30)
    cnt = cnt_ref[...]

    gh = (jnp.dot(z, gw1a_ref[...], preferred_element_type=jnp.float32)
          + jnp.dot(msg, gw1b_ref[...], preferred_element_type=jnp.float32)
          + gb1_ref[...])
    gh = jnp.maximum(gh, 0.0)
    gate = jax.nn.sigmoid(
        jnp.dot(gh, gw2_ref[...], preferred_element_type=jnp.float32)
        + gb2_ref[...])

    gi = jnp.dot(msg, wih_ref[...], preferred_element_type=jnp.float32) + bih_ref[...]
    gh2 = jnp.dot(z, whh_ref[...], preferred_element_type=jnp.float32) + bhh_ref[...]
    i_r = gi[:, :D]
    i_z = gi[:, D:2 * D]
    i_n = gi[:, 2 * D:]
    h_r = gh2[:, :D]
    h_z = gh2[:, D:2 * D]
    h_n = gh2[:, 2 * D:]
    r = jax.nn.sigmoid(i_r + h_r)
    u = jax.nn.sigmoid(i_z + h_z)
    nn_ = jnp.tanh(i_n + r * h_n)
    h_new = (1.0 - u) * nn_ + u * z
    z_cand = z + gate * (h_new - z)
    touched = cnt > 0.0
    z_out = jnp.where(touched, z_cand, z)

    mu = jnp.mean(z_out, axis=-1, keepdims=True)
    var = jnp.mean((z_out - mu) ** 2, axis=-1, keepdims=True)
    xn = (z_out - mu) * jax.lax.rsqrt(var + 1e-5) * lng_ref[...] + lnb_ref[...]
    hd = jnp.maximum(
        jnp.dot(xn, fc1_ref[...], preferred_element_type=jnp.float32)
        + fb1_ref[...], 0.0)
    hd = hd + jnp.maximum(
        jnp.dot(hd, fc2_ref[...], preferred_element_type=jnp.float32)
        + fb2_ref[...], 0.0)
    logit = (jnp.dot(hd, fc3_ref[...], preferred_element_type=jnp.float32)
             + fb3_ref[...])
    occ = jax.nn.sigmoid(logit)

    out_ref[:, :D] = z_out
    out_ref[:, D:] = occ


def _voxel_update(z_latent, s_msg, denom, count,
                  gate_w1, gate_b1, gate_w2, gate_b2,
                  gru_wih, gru_whh, gru_bih, gru_bhh,
                  ln_g, ln_b, fc1_w, fc1_b, fc2_w, fc2_b, fc3_w, fc3_b):
    m = z_latent.shape[0]
    bm = 2048
    grid = (m // bm,)
    full = lambda r, c: pl.BlockSpec((r, c), lambda i: (0, 0))
    return pl.pallas_call(
        _voxel_body,
        grid=grid,
        in_specs=[
            pl.BlockSpec((bm, D), lambda i: (i, 0)),
            pl.BlockSpec((bm, D), lambda i: (i, 0)),
            pl.BlockSpec((bm, 1), lambda i: (i, 0)),
            pl.BlockSpec((bm, 1), lambda i: (i, 0)),
            full(D, D), full(D, D), full(1, D), full(D, 1), full(1, 1),
            full(D, 3 * D), full(D, 3 * D), full(1, 3 * D), full(1, 3 * D),
            full(1, D), full(1, D),
            full(D, H_DEC), full(1, H_DEC), full(H_DEC, H_DEC), full(1, H_DEC),
            full(H_DEC, 1), full(1, 1),
        ],
        out_specs=pl.BlockSpec((bm, D + 1), lambda i: (i, 0)),
        out_shape=jax.ShapeDtypeStruct((m, D + 1), jnp.float32),
    )(z_latent, s_msg, denom, count,
      gate_w1[:D], gate_w1[D:], gate_b1.reshape(1, D), gate_w2,
      gate_b2.reshape(1, 1),
      gru_wih.T, gru_whh.T, gru_bih.reshape(1, 3 * D), gru_bhh.reshape(1, 3 * D),
      ln_g.reshape(1, D), ln_b.reshape(1, D),
      fc1_w, fc1_b.reshape(1, H_DEC), fc2_w, fc2_b.reshape(1, H_DEC),
      fc3_w, fc3_b.reshape(1, 1))



def _dc_scatter_body(idx_hbm, e_hbm, ones_hbm, zeros_hbm, den_out, cnt_out,
                     idx2d, e2d, ones2d, den_t, cnt_t, sem):
    m = den_t.shape[0]
    c = lax.axis_index("c")
    s = lax.axis_index("s")
    nrow = idx_hbm.shape[0]
    rows_per_w = nrow // (_NCORE * _NTILE)
    wid = s * _NCORE + c
    stripe = m // _NTILE

    pltpu.sync_copy(zeros_hbm.at[pl.ds(s * stripe, stripe)],
                    den_t.at[pl.ds(s * stripe, stripe)])
    pltpu.sync_copy(zeros_hbm.at[pl.ds(s * stripe, stripe)],
                    cnt_t.at[pl.ds(s * stripe, stripe)])
    pltpu.sync_copy(ones_hbm, ones2d)
    plsc.subcore_barrier()

    def chunk_body(ci, carry):
        r0 = wid * rows_per_w + ci * 16
        pltpu.sync_copy(idx_hbm.at[pl.ds(r0, 16), :], idx2d)
        pltpu.sync_copy(e_hbm.at[pl.ds(r0, 16), :], e2d)
        hs = []
        for j in range(16):
            hs.append(pltpu.async_copy(e2d.at[j], den_t.at[idx2d.at[j]],
                                       sem, add=True))
            hs.append(pltpu.async_copy(ones2d.at[j], cnt_t.at[idx2d.at[j]],
                                       sem, add=True))
        for h in hs:
            h.wait()
        return carry

    lax.fori_loop(0, rows_per_w // 16, chunk_body, 0)
    plsc.subcore_barrier()

    pltpu.sync_copy(den_t.at[pl.ds(s * stripe, stripe)],
                    den_out.at[c, pl.ds(s * stripe, stripe)])
    pltpu.sync_copy(cnt_t.at[pl.ds(s * stripe, stripe)],
                    cnt_out.at[c, pl.ds(s * stripe, stripe)])


def _dc_scatter(idx2, e2, m):
    ones = jnp.ones((16, 128), jnp.float32)
    zeros = jnp.zeros((m,), jnp.float32)
    mesh = plsc.VectorSubcoreMesh(core_axis_name="c", subcore_axis_name="s")
    f = pl.kernel(
        _dc_scatter_body,
        mesh=mesh,
        out_type=[jax.ShapeDtypeStruct((_NCORE, m), jnp.float32),
                  jax.ShapeDtypeStruct((_NCORE, m), jnp.float32)],
        scratch_types=[
            pltpu.VMEM((16, 128), jnp.int32),
            pltpu.VMEM((16, 128), jnp.float32),
            pltpu.VMEM((16, 128), jnp.float32),
            pltpu.VMEM_SHARED((m,), jnp.float32),
            pltpu.VMEM_SHARED((m,), jnp.float32),
            pltpu.SemaphoreType.DMA,
        ],
    )
    return f(idx2, e2, ones, zeros)


def kernel(f_pts, z_latent, delta_xyz, vox_idx, sim_w1, sim_b1, sim_w2, sim_b2,
           gate_w1, gate_b1, gate_w2, gate_b2, gru_wih, gru_whh, gru_bih,
           gru_bhh, ln_g, ln_b, fc1_w, fc1_b, fc2_w, fc2_b, fc3_w, fc3_b):
    m = z_latent.shape[0]

    z_g = jnp.take(z_latent, vox_idx, axis=0)
    s, bmax = _sim_scores(f_pts, z_g, delta_xyz, sim_w1, sim_b1, sim_w2, sim_b2)
    s = s[:, 0]

    gmax = jnp.max(bmax)
    e = jnp.exp(jnp.maximum((s - gmax) / TAU, -80.0))

    n = f_pts.shape[0]
    den_p, cnt_p = _dc_scatter(vox_idx.reshape(n // 128, 128),
                               e.reshape(n // 128, 128), m)
    denom = den_p[0] + den_p[1]
    count = cnt_p[0] + cnt_p[1]
    s_msg = jax.ops.segment_sum(e[:, None] * f_pts, vox_idx, num_segments=m)

    return _voxel_update(z_latent, s_msg, denom[:, None], count[:, None],
                         gate_w1, gate_b1, gate_w2, gate_b2,
                         gru_wih, gru_whh, gru_bih, gru_bhh,
                         ln_g, ln_b, fc1_w, fc1_b, fc2_w, fc2_b, fc3_w, fc3_b)

# --- scband reference (transcript-rebuilt; emitter-appended) ---
"""Pipeline reference for scband-latent-voxel-grid-85186381348960 (READ-ONLY COPY).

The authoritative reference and input builder live on the scoring server;
editing this copy changes nothing except your own understanding.
"""

import jax, jax.numpy as jnp
import numpy as np

D = 64
M = 262144
N = 131072
H_SIM = 64
H_DEC = 96
TAU = 0.3


def _forward(f_pts, z_latent, delta_xyz, vox_idx, sim_w1, sim_b1, sim_w2, sim_b2, gate_w1, gate_b1, gate_w2, gate_b2, gru_wih, gru_whh, gru_bih, gru_bhh, ln_g, ln_b, fc1_w, fc1_b, fc2_w, fc2_b, fc3_w, fc3_b):
    m = z_latent.shape[0]
    # gather voxel latents for each point (FeatureVoxelSimilarity flat mode)
    z_g = jnp.take(z_latent, vox_idx, axis=0)
    x = jnp.concatenate([f_pts, z_g, delta_xyz], axis=-1)
    h = jax.nn.relu(x @ sim_w1 + sim_b1)
    sim = (h @ sim_w2 + sim_b2)[:, 0]
    # low-temperature routing: segment softmax over points per voxel
    s = sim / TAU
    seg_max = jax.ops.segment_max(s, vox_idx, num_segments=m)
    seg_max = jnp.where(jnp.isfinite(seg_max), seg_max, 0.0)
    seg_max = jax.lax.stop_gradient(seg_max)
    e = jnp.exp(s - jnp.take(seg_max, vox_idx))
    denom = jax.ops.segment_sum(e, vox_idx, num_segments=m)
    w = e / (jnp.take(denom, vox_idx) + 1e-9)
    # scatter-add weighted point features into voxel messages
    msg = jax.ops.segment_sum(w[:, None] * f_pts, vox_idx, num_segments=m)
    counts = jax.ops.segment_sum(jnp.ones_like(s), vox_idx, num_segments=m)
    touched = counts > 0
    # per-voxel gate
    g_in = jnp.concatenate([z_latent, msg], axis=-1)
    gh = jax.nn.relu(g_in @ gate_w1 + gate_b1)
    gate = jax.nn.sigmoid(gh @ gate_w2 + gate_b2)
    # GRUCell fusion (PyTorch convention)
    gi = msg @ gru_wih.T + gru_bih
    gh2 = z_latent @ gru_whh.T + gru_bhh
    i_r, i_z, i_n = jnp.split(gi, 3, axis=-1)
    h_r, h_z, h_n = jnp.split(gh2, 3, axis=-1)
    r = jax.nn.sigmoid(i_r + h_r)
    u = jax.nn.sigmoid(i_z + h_z)
    nn_ = jnp.tanh(i_n + r * h_n)
    h_new = (1.0 - u) * nn_ + u * z_latent
    z_cand = z_latent + gate * (h_new - z_latent)
    z_out = jnp.where(touched[:, None], z_cand, z_latent)
    # LatentToOccupancyDecoder (cond=None)
    mu = jnp.mean(z_out, axis=-1, keepdims=True)
    var = jnp.var(z_out, axis=-1, keepdims=True)
    xn = (z_out - mu) / jnp.sqrt(var + 1e-5) * ln_g + ln_b
    hd = jax.nn.relu(xn @ fc1_w + fc1_b)
    hd = hd + jax.nn.relu(hd @ fc2_w + fc2_b)
    logit = (hd @ fc3_w + fc3_b)[:, 0]
    occ = jax.nn.sigmoid(logit)
    return jnp.concatenate([z_out, occ[:, None]], axis=-1)


def setup_inputs(seed: int = 0):
    key = jax.random.key(seed)
    ks = [jax.random.fold_in(key, i) for i in range(16)]

    def lin(k, fi, fo):
        return (jax.random.normal(k, (fi, fo), jnp.float32) / np.sqrt(fi)).astype(jnp.float32)

    inp = {}
    inp["f_pts"] = jax.random.normal(ks[0], (N, D), jnp.float32)
    inp["z_latent"] = jax.random.normal(ks[1], (M, D), jnp.float32)
    inp["delta_xyz"] = jax.random.normal(ks[2], (N, 3), jnp.float32) * 0.05
    inp["vox_idx"] = jax.random.randint(ks[3], (N,), 0, M, jnp.int32)
    inp["sim_w1"] = lin(ks[4], 2 * D + 3, H_SIM)
    inp["sim_b1"] = jnp.zeros((H_SIM,), jnp.float32)
    inp["sim_w2"] = lin(ks[5], H_SIM, 1)
    inp["sim_b2"] = jnp.zeros((1,), jnp.float32)
    inp["gate_w1"] = lin(ks[6], 2 * D, D)
    inp["gate_b1"] = jnp.zeros((D,), jnp.float32)
    inp["gate_w2"] = lin(ks[7], D, 1)
    inp["gate_b2"] = jnp.zeros((1,), jnp.float32)
    inp["gru_wih"] = (jax.random.normal(ks[8], (3 * D, D), jnp.float32) / np.sqrt(D)).astype(jnp.float32)
    inp["gru_whh"] = (jax.random.normal(ks[9], (3 * D, D), jnp.float32) / np.sqrt(D)).astype(jnp.float32)
    inp["gru_bih"] = jnp.zeros((3 * D,), jnp.float32)
    inp["gru_bhh"] = jnp.zeros((3 * D,), jnp.float32)
    inp["ln_g"] = jnp.ones((D,), jnp.float32)
    inp["ln_b"] = jnp.zeros((D,), jnp.float32)
    inp["fc1_w"] = lin(ks[10], D, H_DEC)
    inp["fc1_b"] = jnp.zeros((H_DEC,), jnp.float32)
    inp["fc2_w"] = lin(ks[11], H_DEC, H_DEC)
    inp["fc2_b"] = jnp.zeros((H_DEC,), jnp.float32)
    inp["fc3_w"] = lin(ks[12], H_DEC, 1)
    inp["fc3_b"] = jnp.zeros((1,), jnp.float32)
    return inp


def reference(f_pts, z_latent, delta_xyz, vox_idx, sim_w1, sim_b1, sim_w2, sim_b2, gate_w1, gate_b1, gate_w2, gate_b2, gru_wih, gru_whh, gru_bih, gru_bhh, ln_g, ln_b, fc1_w, fc1_b, fc2_w, fc2_b, fc3_w, fc3_b):
    return _forward(f_pts, z_latent, delta_xyz, vox_idx, sim_w1, sim_b1, sim_w2, sim_b2, gate_w1, gate_b1, gate_w2, gate_b2, gru_wih, gru_whh, gru_bih, gru_bhh, ln_g, ln_b, fc1_w, fc1_b, fc2_w, fc2_b, fc3_w, fc3_b)

if __name__ == "__main__":
    import jax
    _d = setup_inputs()
    print(jax.jit(kernel)(*tuple(_d.values())))

</pallas_src>

<mosaic_0001>
#map = affine_map<(d0, d1) -> (0, 0)>
#map1 = affine_map<(d0, d1) -> (0)>
module attributes {stable_mosaic.version = 14 : i64} {
  func.func @_dc_scatter_body(%arg0: i32, %arg1: i32, %arg2: memref<1024x128xi32, #tpu.memory_space<hbm>>, %arg3: memref<1024x128xf32, #tpu.memory_space<hbm>>, %arg4: memref<16x128xf32, #tpu.memory_space<hbm>>, %arg5: memref<262144xf32, #tpu.memory_space<hbm>>, %arg6: memref<2x262144xf32, #tpu.memory_space<hbm>>, %arg7: memref<2x262144xf32, #tpu.memory_space<hbm>>, %arg8: memref<16x128xi32, #tpu.memory_space<vmem>>, %arg9: memref<16x128xf32, #tpu.memory_space<vmem>>, %arg10: memref<16x128xf32, #tpu.memory_space<vmem>>, %arg11: memref<262144xf32, #tpu.memory_space<vmem_shared>>, %arg12: memref<262144xf32, #tpu.memory_space<vmem_shared>>, %arg13: memref<!tpu.dma_semaphore, #tpu.memory_space<semaphore_mem>>) attributes {dimension_semantics = [#tpu.dimension_semantics<core_parallel>, #tpu.dimension_semantics<subcore_parallel>], iteration_bounds = array<i64: 2, 16>, scalar_prefetch = 0 : i64, scratch_operands = 6 : i64, tpu.core_type = #tpu.core_type<sc_vector_subcore>, window_params = [{transform_indices = #map}, {transform_indices = #map}, {transform_indices = #map}, {transform_indices = #map1}, {transform_indices = #map}, {transform_indices = #map}]} {
    %mul3A = arith.constant 2 : i32
    %mul3A_0 = arith.muli %arg1, %mul3A : i32
    %add3A = arith.addi %mul3A_0, %arg0 : i32
    %mul3A_1 = arith.constant 16384 : i32
    %mul3A_2 = arith.muli %arg1, %mul3A_1 : i32
    %mul3A_3 = arith.constant 16384 : i32
    %mul3A_4 = arith.muli %arg1, %mul3A_3 : i32
    "tpu.region"() ({
      %run_scoped3A = tpu.sem_alloc : memref<!tpu.dma_semaphore, #tpu.memory_space<semaphore_mem>>
      %dma_start3A = tpu.memref_slice %arg11[%mul3A_4] : memref<262144xf32, #tpu.memory_space<vmem_shared>> -> memref<16384xf32, #tpu.memory_space<vmem_shared>>
      %dma_start3A_23 = tpu.memref_slice %arg5[%mul3A_2] : memref<262144xf32, #tpu.memory_space<hbm>> -> memref<16384xf32, #tpu.memory_space<hbm>>
      tpu.enqueue_dma source(%dma_start3A_23 : memref<16384xf32, #tpu.memory_space<hbm>>) target(%dma_start3A : memref<16384xf32, #tpu.memory_space<vmem_shared>>) target_semaphore(%run_scoped3A : memref<!tpu.dma_semaphore, #tpu.memory_space<semaphore_mem>>)
      %dma_wait3A = tpu.memref_slice %arg11[%mul3A_4] : memref<262144xf32, #tpu.memory_space<vmem_shared>> -> memref<16384xf32, #tpu.memory_space<vmem_shared>>
      %dma_wait3A_24 = tpu.memref_slice %arg5[%mul3A_2] : memref<262144xf32, #tpu.memory_space<hbm>> -> memref<16384xf32, #tpu.memory_space<hbm>>
      tpu.wait_dma2 semaphore(%run_scoped3A : memref<!tpu.dma_semaphore, #tpu.memory_space<semaphore_mem>>) src(%dma_wait3A_24 : memref<16384xf32, #tpu.memory_space<hbm>>) dst(%dma_wait3A : memref<16384xf32, #tpu.memory_space<vmem_shared>>)
      tpu.yield
    }) : () -> ()
    %mul3A_5 = arith.constant 16384 : i32
    %mul3A_6 = arith.muli %arg1, %mul3A_5 : i32
    %mul3A_7 = arith.constant 16384 : i32
    %mul3A_8 = arith.muli %arg1, %mul3A_7 : i32
    "tpu.region"() ({
      %run_scoped3A = tpu.sem_alloc : memref<!tpu.dma_semaphore, #tpu.memory_space<semaphore_mem>>
      %dma_start3A = tpu.memref_slice %arg12[%mul3A_8] : memref<262144xf32, #tpu.memory_space<vmem_shared>> -> memref<16384xf32, #tpu.memory_space<vmem_shared>>
      %dma_start3A_23 = tpu.memref_slice %arg5[%mul3A_6] : memref<262144xf32, #tpu.memory_space<hbm>> -> memref<16384xf32, #tpu.memory_space<hbm>>
      tpu.enqueue_dma source(%dma_start3A_23 : memref<16384xf32, #tpu.memory_space<hbm>>) target(%dma_start3A : memref<16384xf32, #tpu.memory_space<vmem_shared>>) target_semaphore(%run_scoped3A : memref<!tpu.dma_semaphore, #tpu.memory_space<semaphore_mem>>)
      %dma_wait3A = tpu.memref_slice %arg12[%mul3A_8] : memref<262144xf32, #tpu.memory_space<vmem_shared>> -> memref<16384xf32, #tpu.memory_space<vmem_shared>>
      %dma_wait3A_24 = tpu.memref_slice %arg5[%mul3A_6] : memref<262144xf32, #tpu.memory_space<hbm>> -> memref<16384xf32, #tpu.memory_space<hbm>>
      tpu.wait_dma2 semaphore(%run_scoped3A : memref<!tpu.dma_semaphore, #tpu.memory_space<semaphore_mem>>) src(%dma_wait3A_24 : memref<16384xf32, #tpu.memory_space<hbm>>) dst(%dma_wait3A : memref<16384xf32, #tpu.memory_space<vmem_shared>>)
      tpu.yield
    }) : () -> ()
    "tpu.region"() ({
      %run_scoped3A = tpu.sem_alloc : memref<!tpu.dma_semaphore, #tpu.memory_space<semaphore_mem>>
      tpu.enqueue_dma source(%arg4 : memref<16x128xf32, #tpu.memory_space<hbm>>) target(%arg10 : memref<16x128xf32, #tpu.memory_space<vmem>>) target_semaphore(%run_scoped3A : memref<!tpu.dma_semaphore, #tpu.memory_space<semaphore_mem>>)
      tpu.wait_dma2 semaphore(%run_scoped3A : memref<!tpu.dma_semaphore, #tpu.memory_space<semaphore_mem>>) src(%arg4 : memref<16x128xf32, #tpu.memory_space<hbm>>) dst(%arg10 : memref<16x128xf32, #tpu.memory_space<vmem>>)
      tpu.yield
    }) : () -> ()
    %barrier3A = arith.constant 0 : index
    tpu.barrier barrier_id(%barrier3A)
    %scan3A = arith.constant 0 : i32
    %scan3A_9 = arith.constant 0 : i32
    %scan3A_10 = arith.constant 2 : i32
    %scan3A_11 = arith.addi %scan3A_9, %scan3A_10 : i32
    %scan3A_12 = arith.constant 1 : i32
    scf.for %scan3A_23 = %scan3A_9 to %scan3A_11 step %scan3A_12  : i32 {
      %mul3A_24 = arith.constant 32 : i32
      %mul3A_25 = arith.muli %add3A, %mul3A_24 : i32
      %mul3A_26 = arith.constant 16 : i32
      %mul3A_27 = arith.muli %scan3A_23, %mul3A_26 : i32
      %add3A_28 = arith.addi %mul3A_25, %mul3A_27 : i32
      "tpu.region"() ({
        %run_scoped3A = tpu.sem_alloc : memref<!tpu.dma_semaphore, #tpu.memory_space<semaphore_mem>>
        %dma_start3A_667 = arith.constant 0 : i32
        %dma_start3A_668 = tpu.memref_slice %arg2[%add3A_28, %dma_start3A_667] : memref<1024x128xi32, #tpu.memory_space<hbm>> -> memref<16x128xi32, #tpu.memory_space<hbm>>
        %dma_start3A_669 = arith.constant 0 : i32
        %dma_start3A_670 = tpu.memref_slice %arg2[%add3A_28, %dma_start3A_669] : memref<1024x128xi32, #tpu.memory_space<hbm>> -> memref<16x128xi32, #tpu.memory_space<hbm>>
        tpu.enqueue_dma source(%dma_start3A_670 : memref<16x128xi32, #tpu.memory_space<hbm>>) target(%arg8 : memref<16x128xi32, #tpu.memory_space<vmem>>) target_semaphore(%run_scoped3A : memref<!tpu.dma_semaphore, #tpu.memory_space<semaphore_mem>>)
        %dma_wait3A_671 = arith.constant 0 : i32
        %dma_wait3A_672 = tpu.memref_slice %arg2[%add3A_28, %dma_wait3A_671] : memref<1024x128xi32, #tpu.memory_space<hbm>> -> memref<16x128xi32, #tpu.memory_space<hbm>>
        %dma_wait3A_673 = arith.constant 0 : i32
        %dma_wait3A_674 = tpu.memref_slice %arg2[%add3A_28, %dma_wait3A_673] : memref<1024x128xi32, #tpu.memory_space<hbm>> -> memref<16x128xi32, #tpu.memory_space<hbm>>
        tpu.wait_dma2 semaphore(%run_scoped3A : memref<!tpu.dma_semaphore, #tpu.memory_space<semaphore_mem>>) src(%dma_wait3A_674 : memref<16x128xi32, #tpu.memory_space<hbm>>) dst(%arg8 : memref<16x128xi32, #tpu.memory_space<vmem>>)
        tpu.yield
      }) : () -> ()
      "tpu.region"() ({
        %run_scoped3A = tpu.sem_alloc : memref<!tpu.dma_semaphore, #tpu.memory_space<semaphore_mem>>
        %dma_start3A_667 = arith.constant 0 : i32
        %dma_start3A_668 = tpu.memref_slice %arg3[%add3A_28, %dma_start3A_667] : memref<1024x128xf32, #tpu.memory_space<hbm>> -> memref<16x128xf32, #tpu.memory_space<hbm>>
        %dma_start3A_669 = arith.constant 0 : i32
        %dma_start3A_670 = tpu.memref_slice %arg3[%add3A_28, %dma_start3A_669] : memref<1024x128xf32, #tpu.memory_space<hbm>> -> memref<16x128xf32, #tpu.memory_space<hbm>>
        tpu.enqueue_dma source(%dma_start3A_670 : memref<16x128xf32, #tpu.memory_space<hbm>>) target(%arg9 : memref<16x128xf32, #tpu.memory_space<vmem>>) target_semaphore(%run_scoped3A : memref<!tpu.dma_semaphore, #tpu.memory_space<semaphore_mem>>)
        %dma_wait3A_671 = arith.constant 0 : i32
        %dma_wait3A_672 = tpu.memref_slice %arg3[%add3A_28, %dma_wait3A_671] : memref<1024x128xf32, #tpu.memory_space<hbm>> -> memref<16x128xf32, #tpu.memory_space<hbm>>
        %dma_wait3A_673 = arith.constant 0 : i32
        %dma_wait3A_674 = tpu.memref_slice %arg3[%add3A_28, %dma_wait3A_673] : memref<1024x128xf32, #tpu.memory_space<hbm>> -> memref<16x128xf32, #tpu.memory_space<hbm>>
        tpu.wait_dma2 semaphore(%run_scoped3A : memref<!tpu.dma_semaphore, #tpu.memory_space<semaphore_mem>>) src(%dma_wait3A_674 : memref<16x128xf32, #tpu.memory_space<hbm>>) dst(%arg9 : memref<16x128xf32, #tpu.memory_space<vmem>>)
        tpu.yield
      }) : () -> ()
      %dma_start3A = arith.constant 0 : i32
      %dma_start3A_29 = arith.constant 0 : i32
      %dma_start3A_30 = arith.constant 0 : i32
      %dma_start3A_31 = tpu.memref_slice %arg9[%dma_start3A, %dma_start3A_30] : memref<16x128xf32, #tpu.memory_space<vmem>> -> memref<1x128xf32, #tpu.memory_space<vmem>>
      %dma_start3A_32 = tpu.memref_squeeze %dma_start3A_31 : memref<1x128xf32, #tpu.memory_space<vmem>> -> memref<128xf32, #tpu.memory_space<vmem>>
      %dma_start3A_33 = arith.constant 0 : i32
      %dma_start3A_34 = tpu.memref_slice %arg8[%dma_start3A_29, %dma_start3A_33] : memref<16x128xi32, #tpu.memory_space<vmem>> -> memref<1x128xi32, #tpu.memory_space<vmem>>
      %dma_start3A_35 = tpu.memref_squeeze %dma_start3A_34 : memref<1x128xi32, #tpu.memory_space<vmem>> -> memref<128xi32, #tpu.memory_space<vmem>>
      %dma_start3A_36 = arith.constant 0 : i32
      %dma_start3A_37 = tpu.memref_slice %arg11[%dma_start3A_36] : memref<262144xf32, #tpu.memory_space<vmem_shared>> -> memref<262144xf32, #tpu.memory_space<vmem_shared>>
      tpu.enqueue_indirect_dma source(%dma_start3A_32 : memref<128xf32, #tpu.memory_space<vmem>>) target(%dma_start3A_37 : memref<262144xf32, #tpu.memory_space<vmem_shared>>) offsets(%dma_start3A_35 : memref<128xi32, #tpu.memory_space<vmem>>) semaphore(%arg13 : memref<!tpu.dma_semaphore, #tpu.memory_space<semaphore_mem>>) {add = true}
      %dma_start3A_38 = arith.constant 0 : i32
      %dma_start3A_39 = arith.constant 0 : i32
      %dma_start3A_40 = arith.constant 0 : i32
      %dma_start3A_41 = tpu.memref_slice %arg10[%dma_start3A_38, %dma_start3A_40] : memref<16x128xf32, #tpu.memory_space<vmem>> -> memref<1x128xf32, #tpu.memory_space<vmem>>
      %dma_start3A_42 = tpu.memref_squeeze %dma_start3A_41 : memref<1x128xf32, #tpu.memory_space<vmem>> -> memref<128xf32, #tpu.memory_space<vmem>>
      %dma_start3A_43 = arith.constant 0 : i32
      %dma_start3A_44 = tpu.memref_slice %arg8[%dma_start3A_39, %dma_start3A_43] : memref<16x128xi32, #tpu.memory_space<vmem>> -> memref<1x128xi32, #tpu.memory_space<vmem>>
      %dma_start3A_45 = tpu.memref_squeeze %dma_start3A_44 : memref<1x128xi32, #tpu.memory_space<vmem>> -> memref<128xi32, #tpu.memory_space<vmem>>
      %dma_start3A_46 = arith.constant 0 : i32
      %dma_start3A_47 = tpu.memref_slice %arg12[%dma_start3A_46] : memref<262144xf32, #tpu.memory_space<vmem_shared>> -> memref<262144xf32, #tpu.memory_space<vmem_shared>>
      tpu.enqueue_indirect_dma source(%dma_start3A_42 : memref<128xf32, #tpu.memory_space<vmem>>) target(%dma_start3A_47 : memref<262144xf32, #tpu.memory_space<vmem_shared>>) offsets(%dma_start3A_45 : memref<128xi32, #tpu.memory_space<vmem>>) semaphore(%arg13 : memref<!tpu.dma_semaphore, #tpu.memory_space<semaphore_mem>>) {add = true}
      %dma_start3A_48 = arith.constant 1 : i32
      %dma_start3A_49 = arith.constant 1 : i32
      %dma_start3A_50 = arith.constant 0 : i32
      %dma_start3A_51 = tpu.memref_slice %arg9[%dma_start3A_48, %dma_start3A_50] : memref<16x128xf32, #tpu.memory_space<vmem>> -> memref<1x128xf32, #tpu.memory_space<vmem>>
      %dma_start3A_52 = tpu.memref_squeeze %dma_start3A_51 : memref<1x128xf32, #tpu.memory_space<vmem>> -> memref<128xf32, #tpu.memory_space<vmem>>
      %dma_start3A_53 = arith.constant 0 : i32
      %dma_start3A_54 = tpu.memref_slice %arg8[%dma_start3A_49, %dma_start3A_53] : memref<16x128xi32, #tpu.memory_space<vmem>> -> memref<1x128xi32, #tpu.memory_space<vmem>>
      %dma_start3A_55 = tpu.memref_squeeze %dma_start3A_54 : memref<1x128xi32, #tpu.memory_space<vmem>> -> memref<128xi32, #tpu.memory_space<vmem>>
      %dma_start3A_56 = arith.constant 0 : i32
      %dma_start3A_57 = tpu.memref_slice %arg11[%dma_start3A_56] : memref<262144xf32, #tpu.memory_space<vmem_shared>> -> memref<262144xf32, #tpu.memory_space<vmem_shared>>
      tpu.enqueue_indirect_dma source(%dma_start3A_52 : memref<128xf32, #tpu.memory_space<vmem>>) target(%dma_start3A_57 : memref<262144xf32, #tpu.memory_space<vmem_shared>>) offsets(%dma_start3A_55 : memref<128xi32, #tpu.memory_space<vmem>>) semaphore(%arg13 : memref<!tpu.dma_semaphore, #tpu.memory_space<semaphore_mem>>) {add = true}
      %dma_start3A_58 = arith.constant 1 : i32
      %dma_start3A_59 = arith.constant 1 : i32
      %dma_start3A_60 = arith.constant 0 : i32
      %dma_start3A_61 = tpu.memref_slice %arg10[%dma_start3A_58, %dma_start3A_60] : memref<16x128xf32, #tpu.memory_space<vmem>> -> memref<1x128xf32, #tpu.memory_space<vmem>>
      %dma_start3A_62 = tpu.memref_squeeze %dma_start3A_61 : memref<1x128xf32, #tpu.memory_space<vmem>> -> memref<128xf32, #tpu.memory_space<vmem>>
      %dma_start3A_63 = arith.constant 0 : i32
      %dma_start3A_64 = tpu.memref_slice %arg8[%dma_start3A_59, %dma_start3A_63] : memref<16x128xi32, #tpu.memory_space<vmem>> -> memref<1x128xi32, #tpu.memory_space<vmem>>
      %dma_start3A_65 = tpu.memref_squeeze %dma_start3A_64 : memref<1x128xi32, #tpu.memory_space<vmem>> -> memref<128xi32, #tpu.memory_space<vmem>>
      %dma_start3A_66 = arith.constant 0 : i32
      %dma_start3A_67 = tpu.memref_slice %arg12[%dma_start3A_66] : memref<262144xf32, #tpu.memory_space<vmem_shared>> -> memref<262144xf32, #tpu.memory_space<vmem_shared>>
      tpu.enqueue_indirect_dma source(%dma_start3A_62 : memref<128xf32, #tpu.memory_space<vmem>>) target(%dma_start3A_67 : memref<262144xf32, #tpu.memory_space<vmem_shared>>) offsets(%dma_start3A_65 : memref<128xi32, #tpu.memory_space<vmem>>) semaphore(%arg13 : memref<!tpu.dma_semaphore, #tpu.memory_space<semaphore_mem>>) {add = true}
      %dma_start3A_68 = arith.constant 2 : i32
      %dma_start3A_69 = arith.constant 2 : i32
      %dma_start3A_70 = arith.constant 0 : i32
      %dma_start3A_71 = tpu.memref_slice %arg9[%dma_start3A_68, %dma_start3A_70] : memref<16x128xf32, #tpu.memory_space<vmem>> -> memref<1x128xf32, #tpu.memory_space<vmem>>
      %dma_start3A_72 = tpu.memref_squeeze %dma_start3A_71 : memref<1x128xf32, #tpu.memory_space<vmem>> -> memref<128xf32, #tpu.memory_space<vmem>>
      %dma_start3A_73 = arith.constant 0 : i32
      %dma_start3A_74 = tpu.memref_slice %arg8[%dma_start3A_69, %dma_start3A_73] : memref<16x128xi32, #tpu.memory_space<vmem>> -> memref<1x128xi32, #tpu.memory_space<vmem>>
      %dma_start3A_75 = tpu.memref_squeeze %dma_start3A_74 : memref<1x128xi32, #tpu.memory_space<vmem>> -> memref<128xi32, #tpu.memory_space<vmem>>
      %dma_start3A_76 = arith.constant 0 : i32
      %dma_start3A_77 = tpu.memref_slice %arg11[%dma_start3A_76] : memref<262144xf32, #tpu.memory_space<vmem_shared>> -> memref<262144xf32, #tpu.memory_space<vmem_shared>>
      tpu.enqueue_indirect_dma source(%dma_start3A_72 : memref<128xf32, #tpu.memory_space<vmem>>) target(%dma_start3A_77 : memref<262144xf32, #tpu.memory_space<vmem_shared>>) offsets(%dma_start3A_75 : memref<128xi32, #tpu.memory_space<vmem>>) semaphore(%arg13 : memref<!tpu.dma_semaphore, #tpu.memory_space<semaphore_mem>>) {add = true}
      %dma_start3A_78 = arith.constant 2 : i32
      %dma_start3A_79 = arith.constant 2 : i32
      %dma_start3A_80 = arith.constant 0 : i32
      %dma_start3A_81 = tpu.memref_slice %arg10[%dma_start3A_78, %dma_start3A_80] : memref<16x128xf32, #tpu.memory_space<vmem>> -> memref<1x128xf32, #tpu.memory_space<vmem>>
      %dma_start3A_82 = tpu.memref_squeeze %dma_start3A_81 : memref<1x128xf32, #tpu.memory_space<vmem>> -> memref<128xf32, #tpu.memory_space<vmem>>
      %dma_start3A_83 = arith.constant 0 : i32
      %dma_start3A_84 = tpu.memref_slice %arg8[%dma_start3A_79, %dma_start3A_83] : memref<16x128xi32, #tpu.memory_space<vmem>> -> memref<1x128xi32, #tpu.memory_space<vmem>>
      %dma_start3A_85 = tpu.memref_squeeze %dma_start3A_84 : memref<1x128xi32, #tpu.memory_space<vmem>> -> memref<128xi32, #tpu.memory_space<vmem>>
      %dma_start3A_86 = arith.constant 0 : i32
      %dma_start3A_87 = tpu.memref_slice %arg12[%dma_start3A_86] : memref<262144xf32, #tpu.memory_space<vmem_shared>> -> memref<262144xf32, #tpu.memory_space<vmem_shared>>
      tpu.enqueue_indirect_dma source(%dma_start3A_82 : memref<128xf32, #tpu.memory_space<vmem>>) target(%dma_start3A_87 : memref<262144xf32, #tpu.memory_space<vmem_shared>>) offsets(%dma_start3A_85 : memref<128xi32, #tpu.memory_space<vmem>>) semaphore(%arg13 : memref<!tpu.dma_semaphore, #tpu.memory_space<semaphore_mem>>) {add = true}
      %dma_start3A_88 = arith.constant 3 : i32
      %dma_start3A_89 = arith.constant 3 : i32
      %dma_start3A_90 = arith.constant 0 : i32
      %dma_start3A_91 = tpu.memref_slice %arg9[%dma_start3A_88, %dma_start3A_90] : memref<16x128xf32, #tpu.memory_space<vmem>> -> memref<1x128xf32, #tpu.memory_space<vmem>>
      %dma_start3A_92 = tpu.memref_squeeze %dma_start3A_91 : memref<1x128xf32, #tpu.memory_space<vmem>> -> memref<128xf32, #tpu.memory_space<vmem>>
      %dma_start3A_93 = arith.constant 0 : i32
      %dma_start3A_94 = tpu.memref_slice %arg8[%dma_start3A_89, %dma_start3A_93] : memref<16x128xi32, #tpu.memory_space<vmem>> -> memref<1x128xi32, #tpu.memory_space<vmem>>
      %dma_start3A_95 = tpu.memref_squeeze %dma_start3A_94 : memref<1x128xi32, #tpu.memory_space<vmem>> -> memref<128xi32, #tpu.memory_space<vmem>>
      %dma_start3A_96 = arith.constant 0 : i32
      %dma_start3A_97 = tpu.memref_slice %arg11[%dma_start3A_96] : memref<262144xf32, #tpu.memory_space<vmem_shared>> -> memref<262144xf32, #tpu.memory_space<vmem_shared>>
      tpu.enqueue_indirect_dma source(%dma_start3A_92 : memref<128xf32, #tpu.memory_space<vmem>>) target(%dma_start3A_97 : memref<262144xf32, #tpu.memory_space<vmem_shared>>) offsets(%dma_start3A_95 : memref<128xi32, #tpu.memory_space<vmem>>) semaphore(%arg13 : memref<!tpu.dma_semaphore, #tpu.memory_space<semaphore_mem>>) {add = true}
      %dma_start3A_98 = arith.constant 3 : i32
      %dma_start3A_99 = arith.constant 3 : i32
      %dma_start3A_100 = arith.constant 0 : i32
      %dma_start3A_101 = tpu.memref_slice %arg10[%dma_start3A_98, %dma_start3A_100] : memref<16x128xf32, #tpu.memory_space<vmem>> -> memref<1x128xf32, #tpu.memory_space<vmem>>
      %dma_start3A_102 = tpu.memref_squeeze %dma_start3A_101 : memref<1x128xf32, #tpu.memory_space<vmem>> -> memref<128xf32, #tpu.memory_space<vmem>>
      %dma_start3A_103 = arith.constant 0 : i32
      %dma_start3A_104 = tpu.memref_slice %arg8[%dma_start3A_99, %dma_start3A_103] : memref<16x128xi32, #tpu.memory_space<vmem>> -> memref<1x128xi32, #tpu.memory_space<vmem>>
      %dma_start3A_105 = tpu.memref_squeeze %dma_start3A_104 : memref<1x128xi32, #tpu.memory_space<vmem>> -> memref<128xi32, #tpu.memory_space<vmem>>
      %dma_start3A_106 = arith.constant 0 : i32
      %dma_start3A_107 = tpu.memref_slice %arg12[%dma_start3A_106] : memref<262144xf32, #tpu.memory_space<vmem_shared>> -> memref<262144xf32, #tpu.memory_space<vmem_shared>>
      tpu.enqueue_indirect_dma source(%dma_start3A_102 : memref<128xf32, #tpu.memory_space<vmem>>) target(%dma_start3A_107 : memref<262144xf32, #tpu.memory_space<vmem_shared>>) offsets(%dma_start3A_105 : memref<128xi32, #tpu.memory_space<vmem>>) semaphore(%arg13 : memref<!tpu.dma_semaphore, #tpu.memory_space<semaphore_mem>>) {add = true}
      %dma_start3A_108 = arith.constant 4 : i32
      %dma_start3A_109 = arith.constant 4 : i32
      %dma_start3A_110 = arith.constant 0 : i32
      %dma_start3A_111 = tpu.memref_slice %arg9[%dma_start3A_108, %dma_start3A_110] : memref<16x128xf32, #tpu.memory_space<vmem>> -> memref<1x128xf32, #tpu.memory_space<vmem>>
      %dma_start3A_112 = tpu.memref_squeeze %dma_start3A_111 : memref<1x128xf32, #tpu.memory_space<vmem>> -> memref<128xf32, #tpu.memory_space<vmem>>
      %dma_start3A_113 = arith.constant 0 : i32
      %dma_start3A_114 = tpu.memref_slice %arg8[%dma_start3A_109, %dma_start3A_113] : memref<16x128xi32, #tpu.memory_space<vmem>> -> memref<1x128xi32, #tpu.memory_space<vmem>>
      %dma_start3A_115 = tpu.memref_squeeze %dma_start3A_114 : memref<1x128xi32, #tpu.memory_space<vmem>> -> memref<128xi32, #tpu.memory_space<vmem>>
      %dma_start3A_116 = arith.constant 0 : i32
      %dma_start3A_117 = tpu.memref_slice %arg11[%dma_start3A_116] : memref<262144xf32, #tpu.memory_space<vmem_shared>> -> memref<262144xf32, #tpu.memory_space<vmem_shared>>
      tpu.enqueue_indirect_dma source(%dma_start3A_112 : memref<128xf32, #tpu.memory_space<vmem>>) target(%dma_start3A_117 : memref<262144xf32, #tpu.memory_space<vmem_shared>>) offsets(%dma_start3A_115 : memref<128xi32, #tpu.memory_space<vmem>>) semaphore(%arg13 : memref<!tpu.dma_semaphore, #tpu.memory_space<semaphore_mem>>) {add = true}
      %dma_start3A_118 = arith.constant 4 : i32
      %dma_start3A_119 = arith.constant 4 : i32
      %dma_start3A_120 = arith.constant 0 : i32
      %dma_start3A_121 = tpu.memref_slice %arg10[%dma_start3A_118, %dma_start3A_120] : memref<16x128xf32, #tpu.memory_space<vmem>> -> memref<1x128xf32, #tpu.memory_space<vmem>>
      %dma_start3A_122 = tpu.memref_squeeze %dma_start3A_121 : memref<1x128xf32, #tpu.memory_space<vmem>> -> memref<128xf32, #tpu.memory_space<vmem>>
      %dma_start3A_123 = arith.constant 0 : i32
      %dma_start3A_124 = tpu.memref_slice %arg8[%dma_start3A_119, %dma_start3A_123] : memref<16x128xi32, #tpu.memory_space<vmem>> -> memref<1x128xi32, #tpu.memory_space<vmem>>
      %dma_start3A_125 = tpu.memref_squeeze %dma_start3A_124 : memref<1x128xi32, #tpu.memory_space<vmem>> -> memref<128xi32, #tpu.memory_space<vmem>>
      %dma_start3A_126 = arith.constant 0 : i32
      %dma_start3A_127 = tpu.memref_slice %arg12[%dma_start3A_126] : memref<262144xf32, #tpu.memory_space<vmem_shared>> -> memref<262144xf32, #tpu.memory_space<vmem_shared>>
      tpu.enqueue_indirect_dma source(%dma_start3A_122 : memref<128xf32, #tpu.memory_space<vmem>>) target(%dma_start3A_127 : memref<262144xf32, #tpu.memory_space<vmem_shared>>) offsets(%dma_start3A_125 : memref<128xi32, #tpu.memory_space<vmem>>) semaphore(%arg13 : memref<!tpu.dma_semaphore, #tpu.memory_space<semaphore_mem>>) {add = true}
      %dma_start3A_128 = arith.constant 5 : i32
      %dma_start3A_129 = arith.constant 5 : i32
      %dma_start3A_130 = arith.constant 0 : i32
      %dma_start3A_131 = tpu.memref_slice %arg9[%dma_start3A_128, %dma_start3A_130] : memref<16x128xf32, #tpu.memory_space<vmem>> -> memref<1x128xf32, #tpu.memory_space<vmem>>
      %dma_start3A_132 = tpu.memref_squeeze %dma_start3A_131 : memref<1x128xf32, #tpu.memory_space<vmem>> -> memref<128xf32, #tpu.memory_space<vmem>>
      %dma_start3A_133 = arith.constant 0 : i32
      %dma_start3A_134 = tpu.memref_slice %arg8[%dma_start3A_129, %dma_start3A_133] : memref<16x128xi32, #tpu.memory_space<vmem>> -> memref<1x128xi32, #tpu.memory_space<vmem>>
      %dma_start3A_135 = tpu.memref_squeeze %dma_start3A_134 : memref<1x128xi32, #tpu.memory_space<vmem>> -> memref<128xi32, #tpu.memory_space<vmem>>
      %dma_start3A_136 = arith.constant 0 : i32
      %dma_start3A_137 = tpu.memref_slice %arg11[%dma_start3A_136] : memref<262144xf32, #tpu.memory_space<vmem_shared>> -> memref<262144xf32, #tpu.memory_space<vmem_shared>>
      tpu.enqueue_indirect_dma source(%dma_start3A_132 : memref<128xf32, #tpu.memory_space<vmem>>) target(%dma_start3A_137 : memref<262144xf32, #tpu.memory_space<vmem_shared>>) offsets(%dma_start3A_135 : memref<128xi32, #tpu.memory_space<vmem>>) semaphore(%arg13 : memref<!tpu.dma_semaphore, #tpu.memory_space<semaphore_mem>>) {add = true}
      %dma_start3A_138 = arith.constant 5 : i32
      %dma_start3A_139 = arith.constant 5 : i32
      %dma_start3A_140 = arith.constant 0 : i32
      %dma_start3A_141 = tpu.memref_slice %arg10[%dma_start3A_138, %dma_start3A_140] : memref<16x128xf32, #tpu.memory_space<vmem>> -> memref<1x128xf32, #tpu.memory_space<vmem>>
      %dma_start3A_142 = tpu.memref_squeeze %dma_start3A_141 : memref<1x128xf32, #tpu.memory_space<vmem>> -> memref<128xf32, #tpu.memory_space<vmem>>
      %dma_start3A_143 = arith.constant 0 : i32
      %dma_start3A_144 = tpu.memref_slice %arg8[%dma_start3A_139, %dma_start3A_143] : memref<16x128xi32, #tpu.memory_space<vmem>> -> memref<1x128xi32, #tpu.memory_space<vmem>>
      %dma_start3A_145 = tpu.memref_squeeze %dma_start3A_144 : memref<1x128xi32, #tpu.memory_space<vmem>> -> memref<128xi32, #tpu.memory_space<vmem>>
      %dma_start3A_146 = arith.constant 0 : i32
      %dma_start3A_147 = tpu.memref_slice %arg12[%dma_start3A_146] : memref<262144xf32, #tpu.memory_space<vmem_shared>> -> memref<262144xf32, #tpu.memory_space<vmem_shared>>
      tpu.enqueue_indirect_dma source(%dma_start3A_142 : memref<128xf32, #tpu.memory_space<vmem>>) target(%dma_start3A_147 : memref<262144xf32, #tpu.memory_space<vmem_shared>>) offsets(%dma_start3A_145 : memref<128xi32, #tpu.memory_space<vmem>>) semaphore(%arg13 : memref<!tpu.dma_semaphore, #tpu.memory_space<semaphore_mem>>) {add = true}
      %dma_start3A_148 = arith.constant 6 : i32
      %dma_start3A_149 = arith.constant 6 : i32
      %dma_start3A_150 = arith.constant 0 : i32
      %dma_start3A_151 = tpu.memref_slice %arg9[%dma_start3A_148, %dma_start3A_150] : memref<16x128xf32, #tpu.memory_space<vmem>> -> memref<1x128xf32, #tpu.memory_space<vmem>>
      %dma_start3A_152 = tpu.memref_squeeze %dma_start3A_151 : memref<1x128xf32, #tpu.memory_space<vmem>> -> memref<128xf32, #tpu.memory_space<vmem>>
      %dma_start3A_153 = arith.constant 0 : i32
      %dma_start3A_154 = tpu.memref_slice %arg8[%dma_start3A_149, %dma_start3A_153] : memref<16x128xi32, #tpu.memory_space<vmem>> -> memref<1x128xi32, #tpu.memory_space<vmem>>
      %dma_start3A_155 = tpu.memref_squeeze %dma_start3A_154 : memref<1x128xi32, #tpu.memory_space<vmem>> -> memref<128xi32, #tpu.memory_space<vmem>>
      %dma_start3A_156 = arith.constant 0 : i32
      %dma_start3A_157 = tpu.memref_slice %arg11[%dma_start3A_156] : memref<262144xf32, #tpu.memory_space<vmem_shared>> -> memref<262144xf32, #tpu.memory_space<vmem_shared>>
      tpu.enqueue_indirect_dma source(%dma_start3A_152 : memref<128xf32, #tpu.memory_space<vmem>>) target(%dma_start3A_157 : memref<262144xf32, #tpu.memory_space<vmem_shared>>) offsets(%dma_start3A_155 : memref<128xi32, #tpu.memory_space<vmem>>) semaphore(%arg13 : memref<!tpu.dma_semaphore, #tpu.memory_space<semaphore_mem>>) {add = true}
      %dma_start3A_158 = arith.constant 6 : i32
      %dma_start3A_159 = arith.constant 6 : i32
      %dma_start3A_160 = arith.constant 0 : i32
      %dma_start3A_161 = tpu.memref_slice %arg10[%dma_start3A_158, %dma_start3A_160] : memref<16x128xf32, #tpu.memory_space<vmem>> -> memref<1x128xf32, #tpu.memory_space<vmem>>
      %dma_start3A_162 = tpu.memref_squeeze %dma_start3A_161 : memref<1x128xf32, #tpu.memory_space<vmem>> -> memref<128xf32, #tpu.memory_space<vmem>>
      %dma_start3A_163 = arith.constant 0 : i32
      %dma_start3A_164 = tpu.memref_slice %arg8[%dma_start3A_159, %dma_start3A_163] : memref<16x128xi32, #tpu.memory_space<vmem>> -> memref<1x128xi32, #tpu.memory_space<vmem>>
      %dma_start3A_165 = tpu.memref_squeeze %dma_start3A_164 : memref<1x128xi32, #tpu.memory_space<vmem>> -> memref<128xi32, #tpu.memory_space<vmem>>
      %dma_start3A_166 = arith.constant 0 : i32
      %dma_start3A_167 = tpu.memref_slice %arg12[%dma_start3A_166] : memref<262144xf32, #tpu.memory_space<vmem_shared>> -> memref<262144xf32, #tpu.memory_space<vmem_shared>>
      tpu.enqueue_indirect_dma source(%dma_start3A_162 : memref<128xf32, #tpu.memory_space<vmem>>) target(%dma_start3A_167 : memref<262144xf32, #tpu.memory_space<vmem_shared>>) offsets(%dma_start3A_165 : memref<128xi32, #tpu.memory_space<vmem>>) semaphore(%arg13 : memref<!tpu.dma_semaphore, #tpu.memory_space<semaphore_mem>>) {add = true}
      %dma_start3A_168 = arith.constant 7 : i32
      %dma_start3A_169 = arith.constant 7 : i32
      %dma_start3A_170 = arith.constant 0 : i32
      %dma_start3A_171 = tpu.memref_slice %arg9[%dma_start3A_168, %dma_start3A_170] : memref<16x128xf32, #tpu.memory_space<vmem>> -> memref<1x128xf32, #tpu.memory_space<vmem>>
      %dma_start3A_172 = tpu.memref_squeeze %dma_start3A_171 : memref<1x128xf32, #tpu.memory_space<vmem>> -> memref<128xf32, #tpu.memory_space<vmem>>
      %dma_start3A_173 = arith.constant 0 : i32
      %dma_start3A_174 = tpu.memref_slice %arg8[%dma_start3A_169, %dma_start3A_173] : memref<16x128xi32, #tpu.memory_space<vmem>> -> memref<1x128xi32, #tpu.memory_space<vmem>>
      %dma_start3A_175 = tpu.memref_squeeze %dma_start3A_174 : memref<1x128xi32, #tpu.memory_space<vmem>> -> memref<128xi32, #tpu.memory_space<vmem>>
      %dma_start3A_176 = arith.constant 0 : i32
      %dma_start3A_177 = tpu.memref_slice %arg11[%dma_start3A_176] : memref<262144xf32, #tpu.memory_space<vmem_shared>> -> memref<262144xf32, #tpu.memory_space<vmem_shared>>
      tpu.enqueue_indirect_dma source(%dma_start3A_172 : memref<128xf32, #tpu.memory_space<vmem>>) target(%dma_start3A_177 : memref<262144xf32, #tpu.memory_space<vmem_shared>>) offsets(%dma_start3A_175 : memref<128xi32, #tpu.memory_space<vmem>>) semaphore(%arg13 : memref<!tpu.dma_semaphore, #tpu.memory_space<semaphore_mem>>) {add = true}
      %dma_start3A_178 = arith.constant 7 : i32
      %dma_start3A_179 = arith.constant 7 : i32
      %dma_start3A_180 = arith.constant 0 : i32
      %dma_start3A_181 = tpu.memref_slice %arg10[%dma_start3A_178, %dma_start3A_180] : memref<16x128xf32, #tpu.memory_space<vmem>> -> memref<1x128xf32, #tpu.memory_space<vmem>>
      %dma_start3A_182 = tpu.memref_squeeze %dma_start3A_181 : memref<1x128xf32, #tpu.memory_space<vmem>> -> memref<128xf32, #tpu.memory_space<vmem>>
      %dma_start3A_183 = arith.constant 0 : i32
      %dma_start3A_184 = tpu.memref_slice %arg8[%dma_start3A_179, %dma_start3A_183] : memref<16x128xi32, #tpu.memory_space<vmem>> -> memref<1x128xi32, #tpu.memory_space<vmem>>
      %dma_start3A_185 = tpu.memref_squeeze %dma_start3A_184 : memref<1x128xi32, #tpu.memory_space<vmem>> -> memref<128xi32, #tpu.memory_space<vmem>>
      %dma_start3A_186 = arith.constant 0 : i32
      %dma_start3A_187 = tpu.memref_slice %arg12[%dma_start3A_186] : memref<262144xf32, #tpu.memory_space<vmem_shared>> -> memref<262144xf32, #tpu.memory_space<vmem_shared>>
      tpu.enqueue_indirect_dma source(%dma_start3A_182 : memref<128xf32, #tpu.memory_space<vmem>>) target(%dma_start3A_187 : memref<262144xf32, #tpu.memory_space<vmem_shared>>) offsets(%dma_start3A_185 : memref<128xi32, #tpu.memory_space<vmem>>) semaphore(%arg13 : memref<!tpu.dma_semaphore, #tpu.memory_space<semaphore_mem>>) {add = true}
      %dma_start3A_188 = arith.constant 8 : i32
      %dma_start3A_189 = arith.constant 8 : i32
      %dma_start3A_190 = arith.constant 0 : i32
      %dma_start3A_191 = tpu.memref_slice %arg9[%dma_start3A_188, %dma_start3A_190] : memref<16x128xf32, #tpu.memory_space<vmem>> -> memref<1x128xf32, #tpu.memory_space<vmem>>
      %dma_start3A_192 = tpu.memref_squeeze %dma_start3A_191 : memref<1x128xf32, #tpu.memory_space<vmem>> -> memref<128xf32, #tpu.memory_space<vmem>>
      %dma_start3A_193 = arith.constant 0 : i32
      %dma_start3A_194 = tpu.memref_slice %arg8[%dma_start3A_189, %dma_start3A_193] : memref<16x128xi32, #tpu.memory_space<vmem>> -> memref<1x128xi32, #tpu.memory_space<vmem>>
      %dma_start3A_195 = tpu.memref_squeeze %dma_start3A_194 : memref<1x128xi32, #tpu.memory_space<vmem>> -> memref<128xi32, #tpu.memory_space<vmem>>
      %dma_start3A_196 = arith.constant 0 : i32
      %dma_start3A_197 = tpu.memref_slice %arg11[%dma_start3A_196] : memref<262144xf32, #tpu.memory_space<vmem_shared>> -> memref<262144xf32, #tpu.memory_space<vmem_shared>>
      tpu.enqueue_indirect_dma source(%dma_start3A_192 : memref<128xf32, #tpu.memory_space<vmem>>) target(%dma_start3A_197 : memref<262144xf32, #tpu.memory_space<vmem_shared>>) offsets(%dma_start3A_195 : memref<128xi32, #tpu.memory_space<vmem>>) semaphore(%arg13 : memref<!tpu.dma_semaphore, #tpu.memory_space<semaphore_mem>>) {add = true}
      %dma_start3A_198 = arith.constant 8 : i32
      %dma_start3A_199 = arith.constant 8 : i32
      %dma_start3A_200 = arith.constant 0 : i32
      %dma_start3A_201 = tpu.memref_slice %arg10[%dma_start3A_198, %dma_start3A_200] : memref<16x128xf32, #tpu.memory_space<vmem>> -> memref<1x128xf32, #tpu.memory_space<vmem>>
      %dma_start3A_202 = tpu.memref_squeeze %dma_start3A_201 : memref<1x128xf32, #tpu.memory_space<vmem>> -> memref<128xf32, #tpu.memory_space<vmem>>
      %dma_start3A_203 = arith.constant 0 : i32
      %dma_start3A_204 = tpu.memref_slice %arg8[%dma_start3A_199, %dma_start3A_203] : memref<16x128xi32, #tpu.memory_space<vmem>> -> memref<1x128xi32, #tpu.memory_space<vmem>>
      %dma_start3A_205 = tpu.memref_squeeze %dma_start3A_204 : memref<1x128xi32, #tpu.memory_space<vmem>> -> memref<128xi32, #tpu.memory_space<vmem>>
      %dma_start3A_206 = arith.constant 0 : i32
      %dma_start3A_207 = tpu.memref_slice %arg12[%dma_start3A_206] : memref<262144xf32, #tpu.memory_space<vmem_shared>> -> memref<262144xf32, #tpu.memory_space<vmem_shared>>
      tpu.enqueue_indirect_dma source(%dma_start3A_202 : memref<128xf32, #tpu.memory_space<vmem>>) target(%dma_start3A_207 : memref<262144xf32, #tpu.memory_space<vmem_shared>>) offsets(%dma_start3A_205 : memref<128xi32, #tpu.memory_space<vmem>>) semaphore(%arg13 : memref<!tpu.dma_semaphore, #tpu.memory_space<semaphore_mem>>) {add = true}
      %dma_start3A_208 = arith.constant 9 : i32
      %dma_start3A_209 = arith.constant 9 : i32
      %dma_start3A_210 = arith.constant 0 : i32
      %dma_start3A_211 = tpu.memref_slice %arg9[%dma_start3A_208, %dma_start3A_210] : memref<16x128xf32, #tpu.memory_space<vmem>> -> memref<1x128xf32, #tpu.memory_space<vmem>>
      %dma_start3A_212 = tpu.memref_squeeze %dma_start3A_211 : memref<1x128xf32, #tpu.memory_space<vmem>> -> memref<128xf32, #tpu.memory_space<vmem>>
      %dma_start3A_213 = arith.constant 0 : i32
      %dma_start3A_214 = tpu.memref_slice %arg8[%dma_start3A_209, %dma_start3A_213] : memref<16x128xi32, #tpu.memory_space<vmem>> -> memref<1x128xi32, #tpu.memory_space<vmem>>
      %dma_start3A_215 = tpu.memref_squeeze %dma_start3A_214 : memref<1x128xi32, #tpu.memory_space<vmem>> -> memref<128xi32, #tpu.memory_space<vmem>>
      %dma_start3A_216 = arith.constant 0 : i32
      %dma_start3A_217 = tpu.memref_slice %arg11[%dma_start3A_216] : memref<262144xf32, #tpu.memory_space<vmem_shared>> -> memref<262144xf32, #tpu.memory_space<vmem_shared>>
      tpu.enqueue_indirect_dma source(%dma_start3A_212 : memref<128xf32, #tpu.memory_space<vmem>>) target(%dma_start3A_217 : memref<262144xf32, #tpu.memory_space<vmem_shared>>) offsets(%dma_start3A_215 : memref<128xi32, #tpu.memory_space<vmem>>) semaphore(%arg13 : memref<!tpu.dma_semaphore, #tpu.memory_space<semaphore_mem>>) {add = true}
      %dma_start3A_218 = arith.constant 9 : i32
      %dma_start3A_219 = arith.constant 9 : i32
      %dma_start3A_220 = arith.constant 0 : i32
      %dma_start3A_221 = tpu.memref_slice %arg10[%dma_start3A_218, %dma_start3A_220] : memref<16x128xf32, #tpu.memory_space<vmem>> -> memref<1x128xf32, #tpu.memory_space<vmem>>
      %dma_start3A_222 = tpu.memref_squeeze %dma_start3A_221 : memref<1x128xf32, #tpu.memory_space<vmem>> -> memref<128xf32, #tpu.memory_space<vmem>>
      %dma_start3A_223 = arith.constant 0 : i32
      %dma_start3A_224 = tpu.memref_slice %arg8[%dma_start3A_219, %dma_start3A_223] : memref<16x128xi32, #tpu.memory_space<vmem>> -> memref<1x128xi32, #tpu.memory_space<vmem>>
      %dma_start3A_225 = tpu.memref_squeeze %dma_start3A_224 : memref<1x128xi32, #tpu.memory_space<vmem>> -> memref<128xi32, #tpu.memory_space<vmem>>
      %dma_start3A_226 = arith.constant 0 : i32
      %dma_start3A_227 = tpu.memref_slice %arg12[%dma_start3A_226] : memref<262144xf32, #tpu.memory_space<vmem_shared>> -> memref<262144xf32, #tpu.memory_space<vmem_shared>>
      tpu.enqueue_indirect_dma source(%dma_start3A_222 : memref<128xf32, #tpu.memory_space<vmem>>) target(%dma_start3A_227 : memref<262144xf32, #tpu.memory_space<vmem_shared>>) offsets(%dma_start3A_225 : memref<128xi32, #tpu.memory_space<vmem>>) semaphore(%arg13 : memref<!tpu.dma_semaphore, #tpu.memory_space<semaphore_mem>>) {add = true}
      %dma_start3A_228 = arith.constant 10 : i32
      %dma_start3A_229 = arith.constant 10 : i32
      %dma_start3A_230 = arith.constant 0 : i32
      %dma_start3A_231 = tpu.memref_slice %arg9[%dma_start3A_228, %dma_start3A_230] : memref<16x128xf32, #tpu.memory_space<vmem>> -> memref<1x128xf32, #tpu.memory_space<vmem>>
      %dma_start3A_232 = tpu.memref_squeeze %dma_start3A_231 : memref<1x128xf32, #tpu.memory_space<vmem>> -> memref<128xf32, #tpu.memory_space<vmem>>
      %dma_start3A_233 = arith.constant 0 : i32
      %dma_start3A_234 = tpu.memref_slice %arg8[%dma_start3A_229, %dma_start3A_233] : memref<16x128xi32, #tpu.memory_space<vmem>> -> memref<1x128xi32, #tpu.memory_space<vmem>>
      %dma_start3A_235 = tpu.memref_squeeze %dma_start3A_234 : memref<1x128xi32, #tpu.memory_space<vmem>> -> memref<128xi32, #tpu.memory_space<vmem>>
      %dma_start3A_236 = arith.constant 0 : i32
      %dma_start3A_237 = tpu.memref_slice %arg11[%dma_start3A_236] : memref<262144xf32, #tpu.memory_space<vmem_shared>> -> memref<262144xf32, #tpu.memory_space<vmem_shared>>
      tpu.enqueue_indirect_dma source(%dma_start3A_232 : memref<128xf32, #tpu.memory_space<vmem>>) target(%dma_start3A_237 : memref<262144xf32, #tpu.memory_space<vmem_shared>>) offsets(%dma_start3A_235 : memref<128xi32, #tpu.memory_space<vmem>>) semaphore(%arg13 : memref<!tpu.dma_semaphore, #tpu.memory_space<semaphore_mem>>) {add = true}
      %dma_start3A_238 = arith.constant 10 : i32
      %dma_start3A_239 = arith.constant 10 : i32
      %dma_start3A_240 = arith.constant 0 : i32
      %dma_start3A_241 = tpu.memref_slice %arg10[%dma_start3A_238, %dma_start3A_240] : memref<16x128xf32, #tpu.memory_space<vmem>> -> memref<1x128xf32, #tpu.memory_space<vmem>>
      %dma_start3A_242 = tpu.memref_squeeze %dma_start3A_241 : memref<1x128xf32, #tpu.memory_space<vmem>> -> memref<128xf32, #tpu.memory_space<vmem>>
      %dma_start3A_243 = arith.constant 0 : i32
      %dma_start3A_244 = tpu.memref_slice %arg8[%dma_start3A_239, %dma_start3A_243] : memref<16x128xi32, #tpu.memory_space<vmem>> -> memref<1x128xi32, #tpu.memory_space<vmem>>
      %dma_start3A_245 = tpu.memref_squeeze %dma_start3A_244 : memref<1x128xi32, #tpu.memory_space<vmem>> -> memref<128xi32, #tpu.memory_space<vmem>>
      %dma_start3A_246 = arith.constant 0 : i32
      %dma_start3A_247 = tpu.memref_slice %arg12[%dma_start3A_246] : memref<262144xf32, #tpu.memory_space<vmem_shared>> -> memref<262144xf32, #tpu.memory_space<vmem_shared>>
      tpu.enqueue_indirect_dma source(%dma_start3A_242 : memref<128xf32, #tpu.memory_space<vmem>>) target(%dma_start3A_247 : memref<262144xf32, #tpu.memory_space<vmem_shared>>) offsets(%dma_start3A_245 : memref<128xi32, #tpu.memory_space<vmem>>) semaphore(%arg13 : memref<!tpu.dma_semaphore, #tpu.memory_space<semaphore_mem>>) {add = true}
      %dma_start3A_248 = arith.constant 11 : i32
      %dma_start3A_249 = arith.constant 11 : i32
      %dma_start3A_250 = arith.constant 0 : i32
      %dma_start3A_251 = tpu.memref_slice %arg9[%dma_start3A_248, %dma_start3A_250] : memref<16x128xf32, #tpu.memory_space<vmem>> -> memref<1x128xf32, #tpu.memory_space<vmem>>
      %dma_start3A_252 = tpu.memref_squeeze %dma_start3A_251 : memref<1x128xf32, #tpu.memory_space<vmem>> -> memref<128xf32, #tpu.memory_space<vmem>>
      %dma_start3A_253 = arith.constant 0 : i32
      %dma_start3A_254 = tpu.memref_slice %arg8[%dma_start3A_249, %dma_start3A_253] : memref<16x128xi32, #tpu.memory_space<vmem>> -> memref<1x128xi32, #tpu.memory_space<vmem>>
      %dma_start3A_255 = tpu.memref_squeeze %dma_start3A_254 : memref<1x128xi32, #tpu.memory_space<vmem>> -> memref<128xi32, #tpu.memory_space<vmem>>
      %dma_start3A_256 = arith.constant 0 : i32
      %dma_start3A_257 = tpu.memref_slice %arg11[%dma_start3A_256] : memref<262144xf32, #tpu.memory_space<vmem_shared>> -> memref<262144xf32, #tpu.memory_space<vmem_shared>>
      tpu.enqueue_indirect_dma source(%dma_start3A_252 : memref<128xf32, #tpu.memory_space<vmem>>) target(%dma_start3A_257 : memref<262144xf32, #tpu.memory_space<vmem_shared>>) offsets(%dma_start3A_255 : memref<128xi32, #tpu.memory_space<vmem>>) semaphore(%arg13 : memref<!tpu.dma_semaphore, #tpu.memory_space<semaphore_mem>>) {add = true}
      %dma_start3A_258 = arith.constant 11 : i32
      %dma_start3A_259 = arith.constant 11 : i32
      %dma_start3A_260 = arith.constant 0 : i32
      %dma_start3A_261 = tpu.memref_slice %arg10[%dma_start3A_258, %dma_start3A_260] : memref<16x128xf32, #tpu.memory_space<vmem>> -> memref<1x128xf32, #tpu.memory_space<vmem>>
      %dma_start3A_262 = tpu.memref_squeeze %dma_start3A_261 : memref<1x128xf32, #tpu.memory_space<vmem>> -> memref<128xf32, #tpu.memory_space<vmem>>
      %dma_start3A_263 = arith.constant 0 : i32
      %dma_start3A_264 = tpu.memref_slice %arg8[%dma_start3A_259, %dma_start3A_263] : memref<16x128xi32, #tpu.memory_space<vmem>> -> memref<1x128xi32, #tpu.memory_space<vmem>>
      %dma_start3A_265 = tpu.memref_squeeze %dma_start3A_264 : memref<1x128xi32, #tpu.memory_space<vmem>> -> memref<128xi32, #tpu.memory_space<vmem>>
      %dma_start3A_266 = arith.constant 0 : i32
      %dma_start3A_267 = tpu.memref_slice %arg12[%dma_start3A_266] : memref<262144xf32, #tpu.memory_space<vmem_shared>> -> memref<262144xf32, #tpu.memory_space<vmem_shared>>
      tpu.enqueue_indirect_dma source(%dma_start3A_262 : memref<128xf32, #tpu.memory_space<vmem>>) target(%dma_start3A_267 : memref<262144xf32, #tpu.memory_space<vmem_shared>>) offsets(%dma_start3A_265 : memref<128xi32, #tpu.memory_space<vmem>>) semaphore(%arg13 : memref<!tpu.dma_semaphore, #tpu.memory_space<semaphore_mem>>) {add = true}
      %dma_start3A_268 = arith.constant 12 : i32
      %dma_start3A_269 = arith.constant 12 : i32
      %dma_start3A_270 = arith.constant 0 : i32
      %dma_start3A_271 = tpu.memref_slice %arg9[%dma_start3A_268, %dma_start3A_270] : memref<16x128xf32, #tpu.memory_space<vmem>> -> memref<1x128xf32, #tpu.memory_space<vmem>>
      %dma_start3A_272 = tpu.memref_squeeze %dma_start3A_271 : memref<1x128xf32, #tpu.memory_space<vmem>> -> memref<128xf32, #tpu.memory_space<vmem>>
      %dma_start3A_273 = arith.constant 0 : i32
      %dma_start3A_274 = tpu.memref_slice %arg8[%dma_start3A_269, %dma_start3A_273] : memref<16x128xi32, #tpu.memory_space<vmem>> -> memref<1x128xi32, #tpu.memory_space<vmem>>
      %dma_start3A_275 = tpu.memref_squeeze %dma_start3A_274 : memref<1x128xi32, #tpu.memory_space<vmem>> -> memref<128xi32, #tpu.memory_space<vmem>>
      %dma_start3A_276 = arith.constant 0 : i32
      %dma_start3A_277 = tpu.memref_slice %arg11[%dma_start3A_276] : memref<262144xf32, #tpu.memory_space<vmem_shared>> -> memref<262144xf32, #tpu.memory_space<vmem_shared>>
      tpu.enqueue_indirect_dma source(%dma_start3A_272 : memref<128xf32, #tpu.memory_space<vmem>>) target(%dma_start3A_277 : memref<262144xf32, #tpu.memory_space<vmem_shared>>) offsets(%dma_start3A_275 : memref<128xi32, #tpu.memory_space<vmem>>) semaphore(%arg13 : memref<!tpu.dma_semaphore, #tpu.memory_space<semaphore_mem>>) {add = true}
      %dma_start3A_278 = arith.constant 12 : i32
      %dma_start3A_279 = arith.constant 12 : i32
      %dma_start3A_280 = arith.constant 0 : i32
      %dma_start3A_281 = tpu.memref_slice %arg10[%dma_start3A_278, %dma_start3A_280] : memref<16x128xf32, #tpu.memory_space<vmem>> -> memref<1x128xf32, #tpu.memory_space<vmem>>
      %dma_start3A_282 = tpu.memref_squeeze %dma_start3A_281 : memref<1x128xf32, #tpu.memory_space<vmem>> -> memref<128xf32, #tpu.memory_space<vmem>>
      %dma_start3A_283 = arith.constant 0 : i32
      %dma_start3A_284 = tpu.memref_slice %arg8[%dma_start3A_279, %dma_start3A_283] : memref<16x128xi32, #tpu.memory_space<vmem>> -> memref<1x128xi32, #tpu.memory_space<vmem>>
      %dma_start3A_285 = tpu.memref_squeeze %dma_start3A_284 : memref<1x128xi32, #tpu.memory_space<vmem>> -> memref<128xi32, #tpu.memory_space<vmem>>
      %dma_start3A_286 = arith.constant 0 : i32
      %dma_start3A_287 = tpu.memref_slice %arg12[%dma_start3A_286] : memref<262144xf32, #tpu.memory_space<vmem_shared>> -> memref<262144xf32, #tpu.memory_space<vmem_shared>>
      tpu.enqueue_indirect_dma source(%dma_start3A_282 : memref<128xf32, #tpu.memory_space<vmem>>) target(%dma_start3A_287 : memref<262144xf32, #tpu.memory_space<vmem_shared>>) offsets(%dma_start3A_285 : memref<128xi32, #tpu.memory_space<vmem>>) semaphore(%arg13 : memref<!tpu.dma_semaphore, #tpu.memory_space<semaphore_mem>>) {add = true}
      %dma_start3A_288 = arith.constant 13 : i32
      %dma_start3A_289 = arith.constant 13 : i32
      %dma_start3A_290 = arith.constant 0 : i32
      %dma_start3A_291 = tpu.memref_slice %arg9[%dma_start3A_288, %dma_start3A_290] : memref<16x128xf32, #tpu.memory_space<vmem>> -> memref<1x128xf32, #tpu.memory_space<vmem>>
      %dma_start3A_292 = tpu.memref_squeeze %dma_start3A_291 : memref<1x128xf32, #tpu.memory_space<vmem>> -> memref<128xf32, #tpu.memory_space<vmem>>
      %dma_start3A_293 = arith.constant 0 : i32
      %dma_start3A_294 = tpu.memref_slice %arg8[%dma_start3A_289, %dma_start3A_293] : memref<16x128xi32, #tpu.memory_space<vmem>> -> memref<1x128xi32, #tpu.memory_space<vmem>>
      %dma_start3A_295 = tpu.memref_squeeze %dma_start3A_294 : memref<1x128xi32, #tpu.memory_space<vmem>> -> memref<128xi32, #tpu.memory_space<vmem>>
      %dma_start3A_296 = arith.constant 0 : i32
      %dma_start3A_297 = tpu.memref_slice %arg11[%dma_start3A_296] : memref<262144xf32, #tpu.memory_space<vmem_shared>> -> memref<262144xf32, #tpu.memory_space<vmem_shared>>
      tpu.enqueue_indirect_dma source(%dma_start3A_292 : memref<128xf32, #tpu.memory_space<vmem>>) target(%dma_start3A_297 : memref<262144xf32, #tpu.memory_space<vmem_shared>>) offsets(%dma_start3A_295 : memref<128xi32, #tpu.memory_space<vmem>>) semaphore(%arg13 : memref<!tpu.dma_semaphore, #tpu.memory_space<semaphore_mem>>) {add = true}
      %dma_start3A_298 = arith.constant 13 : i32
      %dma_start3A_299 = arith.constant 13 : i32
      %dma_start3A_300 = arith.constant 0 : i32
      %dma_start3A_301 = tpu.memref_slice %arg10[%dma_start3A_298, %dma_start3A_300] : memref<16x128xf32, #tpu.memory_space<vmem>> -> memref<1x128xf32, #tpu.memory_space<vmem>>
      %dma_start3A_302 = tpu.memref_squeeze %dma_start3A_301 : memref<1x128xf32, #tpu.memory_space<vmem>> -> memref<128xf32, #tpu.memory_space<vmem>>
      %dma_start3A_303 = arith.constant 0 : i32
      %dma_start3A_304 = tpu.memref_slice %arg8[%dma_start3A_299, %dma_start3A_303] : memref<16x128xi32, #tpu.memory_space<vmem>> -> memref<1x128xi32, #tpu.memory_space<vmem>>
      %dma_start3A_305 = tpu.memref_squeeze %dma_start3A_304 : memref<1x128xi32, #tpu.memory_space<vmem>> -> memref<128xi32, #tpu.memory_space<vmem>>
      %dma_start3A_306 = arith.constant 0 : i32
      %dma_start3A_307 = tpu.memref_slice %arg12[%dma_start3A_306] : memref<262144xf32, #tpu.memory_space<vmem_shared>> -> memref<262144xf32, #tpu.memory_space<vmem_shared>>
      tpu.enqueue_indirect_dma source(%dma_start3A_302 : memref<128xf32, #tpu.memory_space<vmem>>) target(%dma_start3A_307 : memref<262144xf32, #tpu.memory_space<vmem_shared>>) offsets(%dma_start3A_305 : memref<128xi32, #tpu.memory_space<vmem>>) semaphore(%arg13 : memref<!tpu.dma_semaphore, #tpu.memory_space<semaphore_mem>>) {add = true}
      %dma_start3A_308 = arith.constant 14 : i32
      %dma_start3A_309 = arith.constant 14 : i32
      %dma_start3A_310 = arith.constant 0 : i32
      %dma_start3A_311 = tpu.memref_slice %arg9[%dma_start3A_308, %dma_start3A_310] : memref<16x128xf32, #tpu.memory_space<vmem>> -> memref<1x128xf32, #tpu.memory_space<vmem>>
      %dma_start3A_312 = tpu.memref_squeeze %dma_start3A_311 : memref<1x128xf32, #tpu.memory_space<vmem>> -> memref<128xf32, #tpu.memory_space<vmem>>
      %dma_start3A_313 = arith.constant 0 : i32
      %dma_start3A_314 = tpu.memref_slice %arg8[%dma_start3A_309, %dma_start3A_313] : memref<16x128xi32, #tpu.memory_space<vmem>> -> memref<1x128xi32, #tpu.memory_space<vmem>>
      %dma_start3A_315 = tpu.memref_squeeze %dma_start3A_314 : memref<1x128xi32, #tpu.memory_space<vmem>> -> memref<128xi32, #tpu.memory_space<vmem>>
      %dma_start3A_316 = arith.constant 0 : i32
      %dma_start3A_317 = tpu.memref_slice %arg11[%dma_start3A_316] : memref<262144xf32, #tpu.memory_space<vmem_shared>> -> memref<262144xf32, #tpu.memory_space<vmem_shared>>
      tpu.enqueue_indirect_dma source(%dma_start3A_312 : memref<128xf32, #tpu.memory_space<vmem>>) target(%dma_start3A_317 : memref<262144xf32, #tpu.memory_space<vmem_shared>>) offsets(%dma_start3A_315 : memref<128xi32, #tpu.memory_space<vmem>>) semaphore(%arg13 : memref<!tpu.dma_semaphore, #tpu.memory_space<semaphore_mem>>) {add = true}
      %dma_start3A_318 = arith.constant 14 : i32
      %dma_start3A_319 = arith.constant 14 : i32
      %dma_start3A_320 = arith.constant 0 : i32
      %dma_start3A_321 = tpu.memref_slice %arg10[%dma_start3A_318, %dma_start3A_320] : memref<16x128xf32, #tpu.memory_space<vmem>> -> memref<1x128xf32, #tpu.memory_space<vmem>>
      %dma_start3A_322 = tpu.memref_squeeze %dma_start3A_321 : memref<1x128xf32, #tpu.memory_space<vmem>> -> memref<128xf32, #tpu.memory_space<vmem>>
      %dma_start3A_323 = arith.constant 0 : i32
      %dma_start3A_324 = tpu.memref_slice %arg8[%dma_start3A_319, %dma_start3A_323] : memref<16x128xi32, #tpu.memory_space<vmem>> -> memref<1x128xi32, #tpu.memory_space<vmem>>
      %dma_start3A_325 = tpu.memref_squeeze %dma_start3A_324 : memref<1x128xi32, #tpu.memory_space<vmem>> -> memref<128xi32, #tpu.memory_space<vmem>>
      %dma_start3A_326 = arith.constant 0 : i32
      %dma_start3A_327 = tpu.memref_slice %arg12[%dma_start3A_326] : memref<262144xf32, #tpu.memory_space<vmem_shared>> -> memref<262144xf32, #tpu.memory_space<vmem_shared>>
      tpu.enqueue_indirect_dma source(%dma_start3A_322 : memref<128xf32, #tpu.memory_space<vmem>>) target(%dma_start3A_327 : memref<262144xf32, #tpu.memory_space<vmem_shared>>) offsets(%dma_start3A_325 : memref<128xi32, #tpu.memory_space<vmem>>) semaphore(%arg13 : memref<!tpu.dma_semaphore, #tpu.memory_space<semaphore_mem>>) {add = true}
      %dma_start3A_328 = arith.constant 15 : i32
      %dma_start3A_329 = arith.constant 15 : i32
      %dma_start3A_330 = arith.constant 0 : i32
      %dma_start3A_331 = tpu.memref_slice %arg9[%dma_start3A_328, %dma_start3A_330] : memref<16x128xf32, #tpu.memory_space<vmem>> -> memref<1x128xf32, #tpu.memory_space<vmem>>
      %dma_start3A_332 = tpu.memref_squeeze %dma_start3A_331 : memref<1x128xf32, #tpu.memory_space<vmem>> -> memref<128xf32, #tpu.memory_space<vmem>>
      %dma_start3A_333 = arith.constant 0 : i32
      %dma_start3A_334 = tpu.memref_slice %arg8[%dma_start3A_329, %dma_start3A_333] : memref<16x128xi32, #tpu.memory_space<vmem>> -> memref<1x128xi32, #tpu.memory_space<vmem>>
      %dma_start3A_335 = tpu.memref_squeeze %dma_start3A_334 : memref<1x128xi32, #tpu.memory_space<vmem>> -> memref<128xi32, #tpu.memory_space<vmem>>
      %dma_start3A_336 = arith.constant 0 : i32
      %dma_start3A_337 = tpu.memref_slice %arg11[%dma_start3A_336] : memref<262144xf32, #tpu.memory_space<vmem_shared>> -> memref<262144xf32, #tpu.memory_space<vmem_shared>>
      tpu.enqueue_indirect_dma source(%dma_start3A_332 : memref<128xf32, #tpu.memory_space<vmem>>) target(%dma_start3A_337 : memref<262144xf32, #tpu.memory_space<vmem_shared>>) offsets(%dma_start3A_335 : memref<128xi32, #tpu.memory_space<vmem>>) semaphore(%arg13 : memref<!tpu.dma_semaphore, #tpu.memory_space<semaphore_mem>>) {add = true}
      %dma_start3A_338 = arith.constant 15 : i32
      %dma_start3A_339 = arith.constant 15 : i32
      %dma_start3A_340 = arith.constant 0 : i32
      %dma_start3A_341 = tpu.memref_slice %arg10[%dma_start3A_338, %dma_start3A_340] : memref<16x128xf32, #tpu.memory_space<vmem>> -> memref<1x128xf32, #tpu.memory_space<vmem>>
      %dma_start3A_342 = tpu.memref_squeeze %dma_start3A_341 : memref<1x128xf32, #tpu.memory_space<vmem>> -> memref<128xf32, #tpu.memory_space<vmem>>
      %dma_start3A_343 = arith.constant 0 : i32
      %dma_start3A_344 = tpu.memref_slice %arg8[%dma_start3A_339, %dma_start3A_343] : memref<16x128xi32, #tpu.memory_space<vmem>> -> memref<1x128xi32, #tpu.memory_space<vmem>>
      %dma_start3A_345 = tpu.memref_squeeze %dma_start3A_344 : memref<1x128xi32, #tpu.memory_space<vmem>> -> memref<128xi32, #tpu.memory_space<vmem>>
      %dma_start3A_346 = arith.constant 0 : i32
      %dma_start3A_347 = tpu.memref_slice %arg12[%dma_start3A_346] : memref<262144xf32, #tpu.memory_space<vmem_shared>> -> memref<262144xf32, #tpu.memory_space<vmem_shared>>
      tpu.enqueue_indirect_dma source(%dma_start3A_342 : memref<128xf32, #tpu.memory_space<vmem>>) target(%dma_start3A_347 : memref<262144xf32, #tpu.memory_space<vmem_shared>>) offsets(%dma_start3A_345 : memref<128xi32, #tpu.memory_space<vmem>>) semaphore(%arg13 : memref<!tpu.dma_semaphore, #tpu.memory_space<semaphore_mem>>) {add = true}
      %dma_wait3A = arith.constant 0 : i32
      %dma_wait3A_348 = arith.constant 0 : i32
      %dma_wait3A_349 = arith.constant 0 : i32
      %dma_wait3A_350 = tpu.memref_slice %arg9[%dma_wait3A, %dma_wait3A_349] : memref<16x128xf32, #tpu.memory_space<vmem>> -> memref<1x128xf32, #tpu.memory_space<vmem>>
      %dma_wait3A_351 = tpu.memref_squeeze %dma_wait3A_350 : memref<1x128xf32, #tpu.memory_space<vmem>> -> memref<128xf32, #tpu.memory_space<vmem>>
      %dma_wait3A_352 = arith.constant 0 : i32
      %dma_wait3A_353 = tpu.memref_slice %arg8[%dma_wait3A_348, %dma_wait3A_352] : memref<16x128xi32, #tpu.memory_space<vmem>> -> memref<1x128xi32, #tpu.memory_space<vmem>>
      %dma_wait3A_354 = tpu.memref_squeeze %dma_wait3A_353 : memref<1x128xi32, #tpu.memory_space<vmem>> -> memref<128xi32, #tpu.memory_space<vmem>>
      %dma_wait3A_355 = arith.constant 0 : i32
      %dma_wait3A_356 = tpu.memref_slice %arg11[%dma_wait3A_355] : memref<262144xf32, #tpu.memory_space<vmem_shared>> -> memref<262144xf32, #tpu.memory_space<vmem_shared>>
      tpu.wait_indirect_dma semaphore(%arg13 : memref<!tpu.dma_semaphore, #tpu.memory_space<semaphore_mem>>) src(%dma_wait3A_351 : memref<128xf32, #tpu.memory_space<vmem>>) dst(%dma_wait3A_356 : memref<262144xf32, #tpu.memory_space<vmem_shared>>)
      %dma_wait3A_357 = arith.constant 0 : i32
      %dma_wait3A_358 = arith.constant 0 : i32
      %dma_wait3A_359 = arith.constant 0 : i32
      %dma_wait3A_360 = tpu.memref_slice %arg10[%dma_wait3A_357, %dma_wait3A_359] : memref<16x128xf32, #tpu.memory_space<vmem>> -> memref<1x128xf32, #tpu.memory_space<vmem>>
      %dma_wait3A_361 = tpu.memref_squeeze %dma_wait3A_360 : memref<1x128xf32, #tpu.memory_space<vmem>> -> memref<128xf32, #tpu.memory_space<vmem>>
      %dma_wait3A_362 = arith.constant 0 : i32
      %dma_wait3A_363 = tpu.memref_slice %arg8[%dma_wait3A_358, %dma_wait3A_362] : memref<16x128xi32, #tpu.memory_space<vmem>> -> memref<1x128xi32, #tpu.memory_space<vmem>>
      %dma_wait3A_364 = tpu.memref_squeeze %dma_wait3A_363 : memref<1x128xi32, #tpu.memory_space<vmem>> -> memref<128xi32, #tpu.memory_space<vmem>>
      %dma_wait3A_365 = arith.constant 0 : i32
      %dma_wait3A_366 = tpu.memref_slice %arg12[%dma_wait3A_365] : memref<262144xf32, #tpu.memory_space<vmem_shared>> -> memref<262144xf32, #tpu.memory_space<vmem_shared>>
      tpu.wait_indirect_dma semaphore(%arg13 : memref<!tpu.dma_semaphore, #tpu.memory_space<semaphore_mem>>) src(%dma_wait3A_361 : memref<128xf32, #tpu.memory_space<vmem>>) dst(%dma_wait3A_366 : memref<262144xf32, #tpu.memory_space<vmem_shared>>)
      %dma_wait3A_367 = arith.constant 1 : i32
      %dma_wait3A_368 = arith.constant 1 : i32
      %dma_wait3A_369 = arith.constant 0 : i32
      %dma_wait3A_370 = tpu.memref_slice %arg9[%dma_wait3A_367, %dma_wait3A_369] : memref<16x128xf32, #tpu.memory_space<vmem>> -> memref<1x128xf32, #tpu.memory_space<vmem>>
      %dma_wait3A_371 = tpu.memref_squeeze %dma_wait3A_370 : memref<1x128xf32, #tpu.memory_space<vmem>> -> memref<128xf32, #tpu.memory_space<vmem>>
      %dma_wait3A_372 = arith.constant 0 : i32
      %dma_wait3A_373 = tpu.memref_slice %arg8[%dma_wait3A_368, %dma_wait3A_372] : memref<16x128xi32, #tpu.memory_space<vmem>> -> memref<1x128xi32, #tpu.memory_space<vmem>>
      %dma_wait3A_374 = tpu.memref_squeeze %dma_wait3A_373 : memref<1x128xi32, #tpu.memory_space<vmem>> -> memref<128xi32, #tpu.memory_space<vmem>>
      %dma_wait3A_375 = arith.constant 0 : i32
      %dma_wait3A_376 = tpu.memref_slice %arg11[%dma_wait3A_375] : memref<262144xf32, #tpu.memory_space<vmem_shared>> -> memref<262144xf32, #tpu.memory_space<vmem_shared>>
      tpu.wait_indirect_dma semaphore(%arg13 : memref<!tpu.dma_semaphore, #tpu.memory_space<semaphore_mem>>) src(%dma_wait3A_371 : memref<128xf32, #tpu.memory_space<vmem>>) dst(%dma_wait3A_376 : memref<262144xf32, #tpu.memory_space<vmem_shared>>)
      %dma_wait3A_377 = arith.constant 1 : i32
      %dma_wait3A_378 = arith.constant 1 : i32
      %dma_wait3A_379 = arith.constant 0 : i32
      %dma_wait3A_380 = tpu.memref_slice %arg10[%dma_wait3A_377, %dma_wait3A_379] : memref<16x128xf32, #tpu.memory_space<vmem>> -> memref<1x128xf32, #tpu.memory_space<vmem>>
      %dma_wait3A_381 = tpu.memref_squeeze %dma_wait3A_380 : memref<1x128xf32, #tpu.memory_space<vmem>> -> memref<128xf32, #tpu.memory_space<vmem>>
      %dma_wait3A_382 = arith.constant 0 : i32
      %dma_wait3A_383 = tpu.memref_slice %arg8[%dma_wait3A_378, %dma_wait3A_382] : memref<16x128xi32, #tpu.memory_space<vmem>> -> memref<1x128xi32, #tpu.memory_space<vmem>>
      %dma_wait3A_384 = tpu.memref_squeeze %dma_wait3A_383 : memref<1x128xi32, #tpu.memory_space<vmem>> -> memref<128xi32, #tpu.memory_space<vmem>>
      %dma_wait3A_385 = arith.constant 0 : i32
      %dma_wait3A_386 = tpu.memref_slice %arg12[%dma_wait3A_385] : memref<262144xf32, #tpu.memory_space<vmem_shared>> -> memref<262144xf32, #tpu.memory_space<vmem_shared>>
      tpu.wait_indirect_dma semaphore(%arg13 : memref<!tpu.dma_semaphore, #tpu.memory_space<semaphore_mem>>) src(%dma_wait3A_381 : memref<128xf32, #tpu.memory_space<vmem>>) dst(%dma_wait3A_386 : memref<262144xf32, #tpu.memory_space<vmem_shared>>)
      %dma_wait3A_387 = arith.constant 2 : i32
      %dma_wait3A_388 = arith.constant 2 : i32
      %dma_wait3A_389 = arith.constant 0 : i32
      %dma_wait3A_390 = tpu.memref_slice %arg9[%dma_wait3A_387, %dma_wait3A_389] : memref<16x128xf32, #tpu.memory_space<vmem>> -> memref<1x128xf32, #tpu.memory_space<vmem>>
      %dma_wait3A_391 = tpu.memref_squeeze %dma_wait3A_390 : memref<1x128xf32, #tpu.memory_space<vmem>> -> memref<128xf32, #tpu.memory_space<vmem>>
      %dma_wait3A_392 = arith.constant 0 : i32
      %dma_wait3A_393 = tpu.memref_slice %arg8[%dma_wait3A_388, %dma_wait3A_392] : memref<16x128xi32, #tpu.memory_space<vmem>> -> memref<1x128xi32, #tpu.memory_space<vmem>>
      %dma_wait3A_394 = tpu.memref_squeeze %dma_wait3A_393 : memref<1x128xi32, #tpu.memory_space<vmem>> -> memref<128xi32, #tpu.memory_space<vmem>>
      %dma_wait3A_395 = arith.constant 0 : i32
      %dma_wait3A_396 = tpu.memref_slice %arg11[%dma_wait3A_395] : memref<262144xf32, #tpu.memory_space<vmem_shared>> -> memref<262144xf32, #tpu.memory_space<vmem_shared>>
      tpu.wait_indirect_dma semaphore(%arg13 : memref<!tpu.dma_semaphore, #tpu.memory_space<semaphore_mem>>) src(%dma_wait3A_391 : memref<128xf32, #tpu.memory_space<vmem>>) dst(%dma_wait3A_396 : memref<262144xf32, #tpu.memory_space<vmem_shared>>)
      %dma_wait3A_397 = arith.constant 2 : i32
      %dma_wait3A_398 = arith.constant 2 : i32
      %dma_wait3A_399 = arith.constant 0 : i32
      %dma_wait3A_400 = tpu.memref_slice %arg10[%dma_wait3A_397, %dma_wait3A_399] : memref<16x128xf32, #tpu.memory_space<vmem>> -> memref<1x128xf32, #tpu.memory_space<vmem>>
      %dma_wait3A_401 = tpu.memref_squeeze %dma_wait3A_400 : memref<1x128xf32, #tpu.memory_space<vmem>> -> memref<128xf32, #tpu.memory_space<vmem>>
      %dma_wait3A_402 = arith.constant 0 : i32
      %dma_wait3A_403 = tpu.memref_slice %arg8[%dma_wait3A_398, %dma_wait3A_402] : memref<16x128xi32, #tpu.memory_space<vmem>> -> memref<1x128xi32, #tpu.memory_space<vmem>>
      %dma_wait3A_404 = tpu.memref_squeeze %dma_wait3A_403 : memref<1x128xi32, #tpu.memory_space<vmem>> -> memref<128xi32, #tpu.memory_space<vmem>>
      %dma_wait3A_405 = arith.constant 0 : i32
      %dma_wait3A_406 = tpu.memref_slice %arg12[%dma_wait3A_405] : memref<262144xf32, #tpu.memory_space<vmem_shared>> -> memref<262144xf32, #tpu.memory_space<vmem_shared>>
      tpu.wait_indirect_dma semaphore(%arg13 : memref<!tpu.dma_semaphore, #tpu.memory_space<semaphore_mem>>) src(%dma_wait3A_401 : memref<128xf32, #tpu.memory_space<vmem>>) dst(%dma_wait3A_406 : memref<262144xf32, #tpu.memory_space<vmem_shared>>)
      %dma_wait3A_407 = arith.constant 3 : i32
      %dma_wait3A_408 = arith.constant 3 : i32
      %dma_wait3A_409 = arith.constant 0 : i32
      %dma_wait3A_410 = tpu.memref_slice %arg9[%dma_wait3A_407, %dma_wait3A_409] : memref<16x128xf32, #tpu.memory_space<vmem>> -> memref<1x128xf32, #tpu.memory_space<vmem>>
      %dma_wait3A_411 = tpu.memref_squeeze %dma_wait3A_410 : memref<1x128xf32, #tpu.memory_space<vmem>> -> memref<128xf32, #tpu.memory_space<vmem>>
      %dma_wait3A_412 = arith.constant 0 : i32
      %dma_wait3A_413 = tpu.memref_slice %arg8[%dma_wait3A_408, %dma_wait3A_412] : memref<16x128xi32, #tpu.memory_space<vmem>> -> memref<1x128xi32, #tpu.memory_space<vmem>>
      %dma_wait3A_414 = tpu.memref_squeeze %dma_wait3A_413 : memref<1x128xi32, #tpu.memory_space<vmem>> -> memref<128xi32, #tpu.memory_space<vmem>>
      %dma_wait3A_415 = arith.constant 0 : i32
      %dma_wait3A_416 = tpu.memref_slice %arg11[%dma_wait3A_415] : memref<262144xf32, #tpu.memory_space<vmem_shared>> -> memref<262144xf32, #tpu.memory_space<vmem_shared>>
      tpu.wait_indirect_dma semaphore(%arg13 : memref<!tpu.dma_semaphore, #tpu.memory_space<semaphore_mem>>) src(%dma_wait3A_411 : memref<128xf32, #tpu.memory_space<vmem>>) dst(%dma_wait3A_416 : memref<262144xf32, #tpu.memory_space<vmem_shared>>)
      %dma_wait3A_417 = arith.constant 3 : i32
      %dma_wait3A_418 = arith.constant 3 : i32
      %dma_wait3A_419 = arith.constant 0 : i32
      %dma_wait3A_420 = tpu.memref_slice %arg10[%dma_wait3A_417, %dma_wait3A_419] : memref<16x128xf32, #tpu.memory_space<vmem>> -> memref<1x128xf32, #tpu.memory_space<vmem>>
      %dma_wait3A_421 = tpu.memref_squeeze %dma_wait3A_420 : memref<1x128xf32, #tpu.memory_space<vmem>> -> memref<128xf32, #tpu.memory_space<vmem>>
      %dma_wait3A_422 = arith.constant 0 : i32
      %dma_wait3A_423 = tpu.memref_slice %arg8[%dma_wait3A_418, %dma_wait3A_422] : memref<16x128xi32, #tpu.memory_space<vmem>> -> memref<1x128xi32, #tpu.memory_space<vmem>>
      %dma_wait3A_424 = tpu.memref_squeeze %dma_wait3A_423 : memref<1x128xi32, #tpu.memory_space<vmem>> -> memref<128xi32, #tpu.memory_space<vmem>>
      %dma_wait3A_425 = arith.constant 0 : i32
      %dma_wait3A_426 = tpu.memref_slice %arg12[%dma_wait3A_425] : memref<262144xf32, #tpu.memory_space<vmem_shared>> -> memref<262144xf32, #tpu.memory_space<vmem_shared>>
      tpu.wait_indirect_dma semaphore(%arg13 : memref<!tpu.dma_semaphore, #tpu.memory_space<semaphore_mem>>) src(%dma_wait3A_421 : memref<128xf32, #tpu.memory_space<vmem>>) dst(%dma_wait3A_426 : memref<262144xf32, #tpu.memory_space<vmem_shared>>)
      %dma_wait3A_427 = arith.constant 4 : i32
      %dma_wait3A_428 = arith.constant 4 : i32
      %dma_wait3A_429 = arith.constant 0 : i32
      %dma_wait3A_430 = tpu.memref_slice %arg9[%dma_wait3A_427, %dma_wait3A_429] : memref<16x128xf32, #tpu.memory_space<vmem>> -> memref<1x128xf32, #tpu.memory_space<vmem>>
      %dma_wait3A_431 = tpu.memref_squeeze %dma_wait3A_430 : memref<1x128xf32, #tpu.memory_space<vmem>> -> memref<128xf32, #tpu.memory_space<vmem>>
      %dma_wait3A_432 = arith.constant 0 : i32
      %dma_wait3A_433 = tpu.memref_slice %arg8[%dma_wait3A_428, %dma_wait3A_432] : memref<16x128xi32, #tpu.memory_space<vmem>> -> memref<1x128xi32, #tpu.memory_space<vmem>>
      %dma_wait3A_434 = tpu.memref_squeeze %dma_wait3A_433 : memref<1x128xi32, #tpu.memory_space<vmem>> -> memref<128xi32, #tpu.memory_space<vmem>>
      %dma_wait3A_435 = arith.constant 0 : i32
      %dma_wait3A_436 = tpu.memref_slice %arg11[%dma_wait3A_435] : memref<262144xf32, #tpu.memory_space<vmem_shared>> -> memref<262144xf32, #tpu.memory_space<vmem_shared>>
      tpu.wait_indirect_dma semaphore(%arg13 : memref<!tpu.dma_semaphore, #tpu.memory_space<semaphore_mem>>) src(%dma_wait3A_431 : memref<128xf32, #tpu.memory_space<vmem>>) dst(%dma_wait3A_436 : memref<262144xf32, #tpu.memory_space<vmem_shared>>)
      %dma_wait3A_437 = arith.constant 4 : i32
      %dma_wait3A_438 = arith.constant 4 : i32
      %dma_wait3A_439 = arith.constant 0 : i32
      %dma_wait3A_440 = tpu.memref_slice %arg10[%dma_wait3A_437, %dma_wait3A_439] : memref<16x128xf32, #tpu.memory_space<vmem>> -> memref<1x128xf32, #tpu.memory_space<vmem>>
      %dma_wait3A_441 = tpu.memref_squeeze %dma_wait3A_440 : memref<1x128xf32, #tpu.memory_space<vmem>> -> memref<128xf32, #tpu.memory_space<vmem>>
      %dma_wait3A_442 = arith.constant 0 : i32
      %dma_wait3A_443 = tpu.memref_slice %arg8[%dma_wait3A_438, %dma_wait3A_442] : memref<16x128xi32, #tpu.memory_space<vmem>> -> memref<1x128xi32, #tpu.memory_space<vmem>>
      %dma_wait3A_444 = tpu.memref_squeeze %dma_wait3A_443 : memref<1x128xi32, #tpu.memory_space<vmem>> -> memref<128xi32, #tpu.memory_space<vmem>>
      %dma_wait3A_445 = arith.constant 0 : i32
      %dma_wait3A_446 = tpu.memref_slice %arg12[%dma_wait3A_445] : memref<262144xf32, #tpu.memory_space<vmem_shared>> -> memref<262144xf32, #tpu.memory_space<vmem_shared>>
      tpu.wait_indirect_dma semaphore(%arg13 : memref<!tpu.dma_semaphore, #tpu.memory_space<semaphore_mem>>) src(%dma_wait3A_441 : memref<128xf32, #tpu.memory_space<vmem>>) dst(%dma_wait3A_446 : memref<262144xf32, #tpu.memory_space<vmem_shared>>)
      %dma_wait3A_447 = arith.constant 5 : i32
      %dma_wait3A_448 = arith.constant 5 : i32
      %dma_wait3A_449 = arith.constant 0 : i32
      %dma_wait3A_450 = tpu.memref_slice %arg9[%dma_wait3A_447, %dma_wait3A_449] : memref<16x128xf32, #tpu.memory_space<vmem>> -> memref<1x128xf32, #tpu.memory_space<vmem>>
      %dma_wait3A_451 = tpu.memref_squeeze %dma_wait3A_450 : memref<1x128xf32, #tpu.memory_space<vmem>> -> memref<128xf32, #tpu.memory_space<vmem>>
      %dma_wait3A_452 = arith.constant 0 : i32
      %dma_wait3A_453 = tpu.memref_slice %arg8[%dma_wait3A_448, %dma_wait3A_452] : memref<16x128xi32, #tpu.memory_space<vmem>> -> memref<1x128xi32, #tpu.memory_space<vmem>>
      %dma_wait3A_454 = tpu.memref_squeeze %dma_wait3A_453 : memref<1x128xi32, #tpu.memory_space<vmem>> -> memref<128xi32, #tpu.memory_space<vmem>>
      %dma_wait3A_455 = arith.constant 0 : i32
      %dma_wait3A_456 = tpu.memref_slice %arg11[%dma_wait3A_455] : memref<262144xf32, #tpu.memory_space<vmem_shared>> -> memref<262144xf32, #tpu.memory_space<vmem_shared>>
      tpu.wait_indirect_dma semaphore(%arg13 : memref<!tpu.dma_semaphore, #tpu.memory_space<semaphore_mem>>) src(%dma_wait3A_451 : memref<128xf32, #tpu.memory_space<vmem>>) dst(%dma_wait3A_456 : memref<262144xf32, #tpu.memory_space<vmem_shared>>)
      %dma_wait3A_457 = arith.constant 5 : i32
      %dma_wait3A_458 = arith.constant 5 : i32
      %dma_wait3A_459 = arith.constant 0 : i32
      %dma_wait3A_460 = tpu.memref_slice %arg10[%dma_wait3A_457, %dma_wait3A_459] : memref<16x128xf32, #tpu.memory_space<vmem>> -> memref<1x128xf32, #tpu.memory_space<vmem>>
      %dma_wait3A_461 = tpu.memref_squeeze %dma_wait3A_460 : memref<1x128xf32, #tpu.memory_space<vmem>> -> memref<128xf32, #tpu.memory_space<vmem>>
      %dma_wait3A_462 = arith.constant 0 : i32
      %dma_wait3A_463 = tpu.memref_slice %arg8[%dma_wait3A_458, %dma_wait3A_462] : memref<16x128xi32, #tpu.memory_space<vmem>> -> memref<1x128xi32, #tpu.memory_space<vmem>>
      %dma_wait3A_464 = tpu.memref_squeeze %dma_wait3A_463 : memref<1x128xi32, #tpu.memory_space<vmem>> -> memref<128xi32, #tpu.memory_space<vmem>>
      %dma_wait3A_465 = arith.constant 0 : i32
      %dma_wait3A_466 = tpu.memref_slice %arg12[%dma_wait3A_465] : memref<262144xf32, #tpu.memory_space<vmem_shared>> -> memref<262144xf32, #tpu.memory_space<vmem_shared>>
      tpu.wait_indirect_dma semaphore(%arg13 : memref<!tpu.dma_semaphore, #tpu.memory_space<semaphore_mem>>) src(%dma_wait3A_461 : memref<128xf32, #tpu.memory_space<vmem>>) dst(%dma_wait3A_466 : memref<262144xf32, #tpu.memory_space<vmem_shared>>)
      %dma_wait3A_467 = arith.constant 6 : i32
      %dma_wait3A_468 = arith.constant 6 : i32
      %dma_wait3A_469 = arith.constant 0 : i32
      %dma_wait3A_470 = tpu.memref_slice %arg9[%dma_wait3A_467, %dma_wait3A_469] : memref<16x128xf32, #tpu.memory_space<vmem>> -> memref<1x128xf32, #tpu.memory_space<vmem>>
      %dma_wait3A_471 = tpu.memref_squeeze %dma_wait3A_470 : memref<1x128xf32, #tpu.memory_space<vmem>> -> memref<128xf32, #tpu.memory_space<vmem>>
      %dma_wait3A_472 = arith.constant 0 : i32
      %dma_wait3A_473 = tpu.memref_slice %arg8[%dma_wait3A_468, %dma_wait3A_472] : memref<16x128xi32, #tpu.memory_space<vmem>> -> memref<1x128xi32, #tpu.memory_space<vmem>>
      %dma_wait3A_474 = tpu.memref_squeeze %dma_wait3A_473 : memref<1x128xi32, #tpu.memory_space<vmem>> -> memref<128xi32, #tpu.memory_space<vmem>>
      %dma_wait3A_475 = arith.constant 0 : i32
      %dma_wait3A_476 = tpu.memref_slice %arg11[%dma_wait3A_475] : memref<262144xf32, #tpu.memory_space<vmem_shared>> -> memref<262144xf32, #tpu.memory_space<vmem_shared>>
      tpu.wait_indirect_dma semaphore(%arg13 : memref<!tpu.dma_semaphore, #tpu.memory_space<semaphore_mem>>) src(%dma_wait3A_471 : memref<128xf32, #tpu.memory_space<vmem>>) dst(%dma_wait3A_476 : memref<262144xf32, #tpu.memory_space<vmem_shared>>)
      %dma_wait3A_477 = arith.constant 6 : i32
      %dma_wait3A_478 = arith.constant 6 : i32
      %dma_wait3A_479 = arith.constant 0 : i32
      %dma_wait3A_480 = tpu.memref_slice %arg10[%dma_wait3A_477, %dma_wait3A_479] : memref<16x128xf32, #tpu.memory_space<vmem>> -> memref<1x128xf32, #tpu.memory_space<vmem>>
      %dma_wait3A_481 = tpu.memref_squeeze %dma_wait3A_480 : memref<1x128xf32, #tpu.memory_space<vmem>> -> memref<128xf32, #tpu.memory_space<vmem>>
      %dma_wait3A_482 = arith.constant 0 : i32
      %dma_wait3A_483 = tpu.memref_slice %arg8[%dma_wait3A_478, %dma_wait3A_482] : memref<16x128xi32, #tpu.memory_space<vmem>> -> memref<1x128xi32, #tpu.memory_space<vmem>>
      %dma_wait3A_484 = tpu.memref_squeeze %dma_wait3A_483 : memref<1x128xi32, #tpu.memory_space<vmem>> -> memref<128xi32, #tpu.memory_space<vmem>>
      %dma_wait3A_485 = arith.constant 0 : i32
      %dma_wait3A_486 = tpu.memref_slice %arg12[%dma_wait3A_485] : memref<262144xf32, #tpu.memory_space<vmem_shared>> -> memref<262144xf32, #tpu.memory_space<vmem_shared>>
      tpu.wait_indirect_dma semaphore(%arg13 : memref<!tpu.dma_semaphore, #tpu.memory_space<semaphore_mem>>) src(%dma_wait3A_481 : memref<128xf32, #tpu.memory_space<vmem>>) dst(%dma_wait3A_486 : memref<262144xf32, #tpu.memory_space<vmem_shared>>)
      %dma_wait3A_487 = arith.constant 7 : i32
      %dma_wait3A_488 = arith.constant 7 : i32
      %dma_wait3A_489 = arith.constant 0 : i32
      %dma_wait3A_490 = tpu.memref_slice %arg9[%dma_wait3A_487, %dma_wait3A_489] : memref<16x128xf32, #tpu.memory_space<vmem>> -> memref<1x128xf32, #tpu.memory_space<vmem>>
      %dma_wait3A_491 = tpu.memref_squeeze %dma_wait3A_490 : memref<1x128xf32, #tpu.memory_space<vmem>> -> memref<128xf32, #tpu.memory_space<vmem>>
      %dma_wait3A_492 = arith.constant 0 : i32
      %dma_wait3A_493 = tpu.memref_slice %arg8[%dma_wait3A_488, %dma_wait3A_492] : memref<16x128xi32, #tpu.memory_space<vmem>> -> memref<1x128xi32, #tpu.memory_space<vmem>>
      %dma_wait3A_494 = tpu.memref_squeeze %dma_wait3A_493 : memref<1x128xi32, #tpu.memory_space<vmem>> -> memref<128xi32, #tpu.memory_space<vmem>>
      %dma_wait3A_495 = arith.constant 0 : i32
      %dma_wait3A_496 = tpu.memref_slice %arg11[%dma_wait3A_495] : memref<262144xf32, #tpu.memory_space<vmem_shared>> -> memref<262144xf32, #tpu.memory_space<vmem_shared>>
      tpu.wait_indirect_dma semaphore(%arg13 : memref<!tpu.dma_semaphore, #tpu.memory_space<semaphore_mem>>) src(%dma_wait3A_491 : memref<128xf32, #tpu.memory_space<vmem>>) dst(%dma_wait3A_496 : memref<262144xf32, #tpu.memory_space<vmem_shared>>)
      %dma_wait3A_497 = arith.constant 7 : i32
      %dma_wait3A_498 = arith.constant 7 : i32
      %dma_wait3A_499 = arith.constant 0 : i32
      %dma_wait3A_500 = tpu.memref_slice %arg10[%dma_wait3A_497, %dma_wait3A_499] : memref<16x128xf32, #tpu.memory_space<vmem>> -> memref<1x128xf32, #tpu.memory_space<vmem>>
      %dma_wait3A_501 = tpu.memref_squeeze %dma_wait3A_500 : memref<1x128xf32, #tpu.memory_space<vmem>> -> memref<128xf32, #tpu.memory_space<vmem>>
      %dma_wait3A_502 = arith.constant 0 : i32
      %dma_wait3A_503 = tpu.memref_slice %arg8[%dma_wait3A_498, %dma_wait3A_502] : memref<16x128xi32, #tpu.memory_space<vmem>> -> memref<1x128xi32, #tpu.memory_space<vmem>>
      %dma_wait3A_504 = tpu.memref_squeeze %dma_wait3A_503 : memref<1x128xi32, #tpu.memory_space<vmem>> -> memref<128xi32, #tpu.memory_space<vmem>>
      %dma_wait3A_505 = arith.constant 0 : i32
      %dma_wait3A_506 = tpu.memref_slice %arg12[%dma_wait3A_505] : memref<262144xf32, #tpu.memory_space<vmem_shared>> -> memref<262144xf32, #tpu.memory_space<vmem_shared>>
      tpu.wait_indirect_dma semaphore(%arg13 : memref<!tpu.dma_semaphore, #tpu.memory_space<semaphore_mem>>) src(%dma_wait3A_501 : memref<128xf32, #tpu.memory_space<vmem>>) dst(%dma_wait3A_506 : memref<262144xf32, #tpu.memory_space<vmem_shared>>)
      %dma_wait3A_507 = arith.constant 8 : i32
      %dma_wait3A_508 = arith.constant 8 : i32
      %dma_wait3A_509 = arith.constant 0 : i32
      %dma_wait3A_510 = tpu.memref_slice %arg9[%dma_wait3A_507, %dma_wait3A_509] : memref<16x128xf32, #tpu.memory_space<vmem>> -> memref<1x128xf32, #tpu.memory_space<vmem>>
      %dma_wait3A_511 = tpu.memref_squeeze %dma_wait3A_510 : memref<1x128xf32, #tpu.memory_space<vmem>> -> memref<128xf32, #tpu.memory_space<vmem>>
      %dma_wait3A_512 = arith.constant 0 : i32
      %dma_wait3A_513 = tpu.memref_slice %arg8[%dma_wait3A_508, %dma_wait3A_512] : memref<16x128xi32, #tpu.memory_space<vmem>> -> memref<1x128xi32, #tpu.memory_space<vmem>>
      %dma_wait3A_514 = tpu.memref_squeeze %dma_wait3A_513 : memref<1x128xi32, #tpu.memory_space<vmem>> -> memref<128xi32, #tpu.memory_space<vmem>>
      %dma_wait3A_515 = arith.constant 0 : i32
      %dma_wait3A_516 = tpu.memref_slice %arg11[%dma_wait3A_515] : memref<262144xf32, #tpu.memory_space<vmem_shared>> -> memref<262144xf32, #tpu.memory_space<vmem_shared>>
      tpu.wait_indirect_dma semaphore(%arg13 : memref<!tpu.dma_semaphore, #tpu.memory_space<semaphore_mem>>) src(%dma_wait3A_511 : memref<128xf32, #tpu.memory_space<vmem>>) dst(%dma_wait3A_516 : memref<262144xf32, #tpu.memory_space<vmem_shared>>)
      %dma_wait3A_517 = arith.constant 8 : i32
      %dma_wait3A_518 = arith.constant 8 : i32
      %dma_wait3A_519 = arith.constant 0 : i32
      %dma_wait3A_520 = tpu.memref_slice %arg10[%dma_wait3A_517, %dma_wait3A_519] : memref<16x128xf32, #tpu.memory_space<vmem>> -> memref<1x128xf32, #tpu.memory_space<vmem>>
      %dma_wait3A_521 = tpu.memref_squeeze %dma_wait3A_520 : memref<1x128xf32, #tpu.memory_space<vmem>> -> memref<128xf32, #tpu.memory_space<vmem>>
      %dma_wait3A_522 = arith.constant 0 : i32
      %dma_wait3A_523 = tpu.memref_slice %arg8[%dma_wait3A_518, %dma_wait3A_522] : memref<16x128xi32, #tpu.memory_space<vmem>> -> memref<1x128xi32, #tpu.memory_space<vmem>>
      %dma_wait3A_524 = tpu.memref_squeeze %dma_wait3A_523 : memref<1x128xi32, #tpu.memory_space<vmem>> -> memref<128xi32, #tpu.memory_space<vmem>>
      %dma_wait3A_525 = arith.constant 0 : i32
      %dma_wait3A_526 = tpu.memref_slice %arg12[%dma_wait3A_525] : memref<262144xf32, #tpu.memory_space<vmem_shared>> -> memref<262144xf32, #tpu.memory_space<vmem_shared>>
      tpu.wait_indirect_dma semaphore(%arg13 : memref<!tpu.dma_semaphore, #tpu.memory_space<semaphore_mem>>) src(%dma_wait3A_521 : memref<128xf32, #tpu.memory_space<vmem>>) dst(%dma_wait3A_526 : memref<262144xf32, #tpu.memory_space<vmem_shared>>)
      %dma_wait3A_527 = arith.constant 9 : i32
      %dma_wait3A_528 = arith.constant 9 : i32
      %dma_wait3A_529 = arith.constant 0 : i32
      %dma_wait3A_530 = tpu.memref_slice %arg9[%dma_wait3A_527, %dma_wait3A_529] : memref<16x128xf32, #tpu.memory_space<vmem>> -> memref<1x128xf32, #tpu.memory_space<vmem>>
      %dma_wait3A_531 = tpu.memref_squeeze %dma_wait3A_530 : memref<1x128xf32, #tpu.memory_space<vmem>> -> memref<128xf32, #tpu.memory_space<vmem>>
      %dma_wait3A_532 = arith.constant 0 : i32
      %dma_wait3A_533 = tpu.memref_slice %arg8[%dma_wait3A_528, %dma_wait3A_532] : memref<16x128xi32, #tpu.memory_space<vmem>> -> memref<1x128xi32, #tpu.memory_space<vmem>>
      %dma_wait3A_534 = tpu.memref_squeeze %dma_wait3A_533 : memref<1x128xi32, #tpu.memory_space<vmem>> -> memref<128xi32, #tpu.memory_space<vmem>>
      %dma_wait3A_535 = arith.constant 0 : i32
      %dma_wait3A_536 = tpu.memref_slice %arg11[%dma_wait3A_535] : memref<262144xf32, #tpu.memory_space<vmem_shared>> -> memref<262144xf32, #tpu.memory_space<vmem_shared>>
      tpu.wait_indirect_dma semaphore(%arg13 : memref<!tpu.dma_semaphore, #tpu.memory_space<semaphore_mem>>) src(%dma_wait3A_531 : memref<128xf32, #tpu.memory_space<vmem>>) dst(%dma_wait3A_536 : memref<262144xf32, #tpu.memory_space<vmem_shared>>)
      %dma_wait3A_537 = arith.constant 9 : i32
      %dma_wait3A_538 = arith.constant 9 : i32
      %dma_wait3A_539 = arith.constant 0 : i32
      %dma_wait3A_540 = tpu.memref_slice %arg10[%dma_wait3A_537, %dma_wait3A_539] : memref<16x128xf32, #tpu.memory_space<vmem>> -> memref<1x128xf32, #tpu.memory_space<vmem>>
      %dma_wait3A_541 = tpu.memref_squeeze %dma_wait3A_540 : memref<1x128xf32, #tpu.memory_space<vmem>> -> memref<128xf32, #tpu.memory_space<vmem>>
      %dma_wait3A_542 = arith.constant 0 : i32
      %dma_wait3A_543 = tpu.memref_slice %arg8[%dma_wait3A_538, %dma_wait3A_542] : memref<16x128xi32, #tpu.memory_space<vmem>> -> memref<1x128xi32, #tpu.memory_space<vmem>>
      %dma_wait3A_544 = tpu.memref_squeeze %dma_wait3A_543 : memref<1x128xi32, #tpu.memory_space<vmem>> -> memref<128xi32, #tpu.memory_space<vmem>>
      %dma_wait3A_545 = arith.constant 0 : i32
      %dma_wait3A_546 = tpu.memref_slice %arg12[%dma_wait3A_545] : memref<262144xf32, #tpu.memory_space<vmem_shared>> -> memref<262144xf32, #tpu.memory_space<vmem_shared>>
      tpu.wait_indirect_dma semaphore(%arg13 : memref<!tpu.dma_semaphore, #tpu.memory_space<semaphore_mem>>) src(%dma_wait3A_541 : memref<128xf32, #tpu.memory_space<vmem>>) dst(%dma_wait3A_546 : memref<262144xf32, #tpu.memory_space<vmem_shared>>)
      %dma_wait3A_547 = arith.constant 10 : i32
      %dma_wait3A_548 = arith.constant 10 : i32
      %dma_wait3A_549 = arith.constant 0 : i32
      %dma_wait3A_550 = tpu.memref_slice %arg9[%dma_wait3A_547, %dma_wait3A_549] : memref<16x128xf32, #tpu.memory_space<vmem>> -> memref<1x128xf32, #tpu.memory_space<vmem>>
      %dma_wait3A_551 = tpu.memref_squeeze %dma_wait3A_550 : memref<1x128xf32, #tpu.memory_space<vmem>> -> memref<128xf32, #tpu.memory_space<vmem>>
      %dma_wait3A_552 = arith.constant 0 : i32
      %dma_wait3A_553 = tpu.memref_slice %arg8[%dma_wait3A_548, %dma_wait3A_552] : memref<16x128xi32, #tpu.memory_space<vmem>> -> memref<1x128xi32, #tpu.memory_space<vmem>>
      %dma_wait3A_554 = tpu.memref_squeeze %dma_wait3A_553 : memref<1x128xi32, #tpu.memory_space<vmem>> -> memref<128xi32, #tpu.memory_space<vmem>>
      %dma_wait3A_555 = arith.constant 0 : i32
      %dma_wait3A_556 = tpu.memref_slice %arg11[%dma_wait3A_555] : memref<262144xf32, #tpu.memory_space<vmem_shared>> -> memref<262144xf32, #tpu.memory_space<vmem_shared>>
      tpu.wait_indirect_dma semaphore(%arg13 : memref<!tpu.dma_semaphore, #tpu.memory_space<semaphore_mem>>) src(%dma_wait3A_551 : memref<128xf32, #tpu.memory_space<vmem>>) dst(%dma_wait3A_556 : memref<262144xf32, #tpu.memory_space<vmem_shared>>)
      %dma_wait3A_557 = arith.constant 10 : i32
      %dma_wait3A_558 = arith.constant 10 : i32
      %dma_wait3A_559 = arith.constant 0 : i32
      %dma_wait3A_560 = tpu.memref_slice %arg10[%dma_wait3A_557, %dma_wait3A_559] : memref<16x128xf32, #tpu.memory_space<vmem>> -> memref<1x128xf32, #tpu.memory_space<vmem>>
      %dma_wait3A_561 = tpu.memref_squeeze %dma_wait3A_560 : memref<1x128xf32, #tpu.memory_space<vmem>> -> memref<128xf32, #tpu.memory_space<vmem>>
      %dma_wait3A_562 = arith.constant 0 : i32
      %dma_wait3A_563 = tpu.memref_slice %arg8[%dma_wait3A_558, %dma_wait3A_562] : memref<16x128xi32, #tpu.memory_space<vmem>> -> memref<1x128xi32, #tpu.memory_space<vmem>>
      %dma_wait3A_564 = tpu.memref_squeeze %dma_wait3A_563 : memref<1x128xi32, #tpu.memory_space<vmem>> -> memref<128xi32, #tpu.memory_space<vmem>>
      %dma_wait3A_565 = arith.constant 0 : i32
      %dma_wait3A_566 = tpu.memref_slice %arg12[%dma_wait3A_565] : memref<262144xf32, #tpu.memory_space<vmem_shared>> -> memref<262144xf32, #tpu.memory_space<vmem_shared>>
      tpu.wait_indirect_dma semaphore(%arg13 : memref<!tpu.dma_semaphore, #tpu.memory_space<semaphore_mem>>) src(%dma_wait3A_561 : memref<128xf32, #tpu.memory_space<vmem>>) dst(%dma_wait3A_566 : memref<262144xf32, #tpu.memory_space<vmem_shared>>)
      %dma_wait3A_567 = arith.constant 11 : i32
      %dma_wait3A_568 = arith.constant 11 : i32
      %dma_wait3A_569 = arith.constant 0 : i32
      %dma_wait3A_570 = tpu.memref_slice %arg9[%dma_wait3A_567, %dma_wait3A_569] : memref<16x128xf32, #tpu.memory_space<vmem>> -> memref<1x128xf32, #tpu.memory_space<vmem>>
      %dma_wait3A_571 = tpu.memref_squeeze %dma_wait3A_570 : memref<1x128xf32, #tpu.memory_space<vmem>> -> memref<128xf32, #tpu.memory_space<vmem>>
      %dma_wait3A_572 = arith.constant 0 : i32
      %dma_wait3A_573 = tpu.memref_slice %arg8[%dma_wait3A_568, %dma_wait3A_572] : memref<16x128xi32, #tpu.memory_space<vmem>> -> memref<1x128xi32, #tpu.memory_space<vmem>>
      %dma_wait3A_574 = tpu.memref_squeeze %dma_wait3A_573 : memref<1x128xi32, #tpu.memory_space<vmem>> -> memref<128xi32, #tpu.memory_space<vmem>>
      %dma_wait3A_575 = arith.constant 0 : i32
      %dma_wait3A_576 = tpu.memref_slice %arg11[%dma_wait3A_575] : memref<262144xf32, #tpu.memory_space<vmem_shared>> -> memref<262144xf32, #tpu.memory_space<vmem_shared>>
      tpu.wait_indirect_dma semaphore(%arg13 : memref<!tpu.dma_semaphore, #tpu.memory_space<semaphore_mem>>) src(%dma_wait3A_571 : memref<128xf32, #tpu.memory_space<vmem>>) dst(%dma_wait3A_576 : memref<262144xf32, #tpu.memory_space<vmem_shared>>)
      %dma_wait3A_577 = arith.constant 11 : i32
      %dma_wait3A_578 = arith.constant 11 : i32
      %dma_wait3A_579 = arith.constant 0 : i32
      %dma_wait3A_580 = tpu.memref_slice %arg10[%dma_wait3A_577, %dma_wait3A_579] : memref<16x128xf32, #tpu.memory_space<vmem>> -> memref<1x128xf32, #tpu.memory_space<vmem>>
      %dma_wait3A_581 = tpu.memref_squeeze %dma_wait3A_580 : memref<1x128xf32, #tpu.memory_space<vmem>> -> memref<128xf32, #tpu.memory_space<vmem>>
      %dma_wait3A_582 = arith.constant 0 : i32
      %dma_wait3A_583 = tpu.memref_slice %arg8[%dma_wait3A_578, %dma_wait3A_582] : memref<16x128xi32, #tpu.memory_space<vmem>> -> memref<1x128xi32, #tpu.memory_space<vmem>>
      %dma_wait3A_584 = tpu.memref_squeeze %dma_wait3A_583 : memref<1x128xi32, #tpu.memory_space<vmem>> -> memref<128xi32, #tpu.memory_space<vmem>>
      %dma_wait3A_585 = arith.constant 0 : i32
      %dma_wait3A_586 = tpu.memref_slice %arg12[%dma_wait3A_585] : memref<262144xf32, #tpu.memory_space<vmem_shared>> -> memref<262144xf32, #tpu.memory_space<vmem_shared>>
      tpu.wait_indirect_dma semaphore(%arg13 : memref<!tpu.dma_semaphore, #tpu.memory_space<semaphore_mem>>) src(%dma_wait3A_581 : memref<128xf32, #tpu.memory_space<vmem>>) dst(%dma_wait3A_586 : memref<262144xf32, #tpu.memory_space<vmem_shared>>)
      %dma_wait3A_587 = arith.constant 12 : i32
      %dma_wait3A_588 = arith.constant 12 : i32
      %dma_wait3A_589 = arith.constant 0 : i32
      %dma_wait3A_590 = tpu.memref_slice %arg9[%dma_wait3A_587, %dma_wait3A_589] : memref<16x128xf32, #tpu.memory_space<vmem>> -> memref<1x128xf32, #tpu.memory_space<vmem>>
      %dma_wait3A_591 = tpu.memref_squeeze %dma_wait3A_590 : memref<1x128xf32, #tpu.memory_space<vmem>> -> memref<128xf32, #tpu.memory_space<vmem>>
      %dma_wait3A_592 = arith.constant 0 : i32
      %dma_wait3A_593 = tpu.memref_slice %arg8[%dma_wait3A_588, %dma_wait3A_592] : memref<16x128xi32, #tpu.memory_space<vmem>> -> memref<1x128xi32, #tpu.memory_space<vmem>>
      %dma_wait3A_594 = tpu.memref_squeeze %dma_wait3A_593 : memref<1x128xi32, #tpu.memory_space<vmem>> -> memref<128xi32, #tpu.memory_space<vmem>>
      %dma_wait3A_595 = arith.constant 0 : i32
      %dma_wait3A_596 = tpu.memref_slice %arg11[%dma_wait3A_595] : memref<262144xf32, #tpu.memory_space<vmem_shared>> -> memref<262144xf32, #tpu.memory_space<vmem_shared>>
      tpu.wait_indirect_dma semaphore(%arg13 : memref<!tpu.dma_semaphore, #tpu.memory_space<semaphore_mem>>) src(%dma_wait3A_591 : memref<128xf32, #tpu.memory_space<vmem>>) dst(%dma_wait3A_596 : memref<262144xf32, #tpu.memory_space<vmem_shared>>)
      %dma_wait3A_597 = arith.constant 12 : i32
      %dma_wait3A_598 = arith.constant 12 : i32
      %dma_wait3A_599 = arith.constant 0 : i32
      %dma_wait3A_600 = tpu.memref_slice %arg10[%dma_wait3A_597, %dma_wait3A_599] : memref<16x128xf32, #tpu.memory_space<vmem>> -> memref<1x128xf32, #tpu.memory_space<vmem>>
      %dma_wait3A_601 = tpu.memref_squeeze %dma_wait3A_600 : memref<1x128xf32, #tpu.memory_space<vmem>> -> memref<128xf32, #tpu.memory_space<vmem>>
      %dma_wait3A_602 = arith.constant 0 : i32
      %dma_wait3A_603 = tpu.memref_slice %arg8[%dma_wait3A_598, %dma_wait3A_602] : memref<16x128xi32, #tpu.memory_space<vmem>> -> memref<1x128xi32, #tpu.memory_space<vmem>>
      %dma_wait3A_604 = tpu.memref_squeeze %dma_wait3A_603 : memref<1x128xi32, #tpu.memory_space<vmem>> -> memref<128xi32, #tpu.memory_space<vmem>>
      %dma_wait3A_605 = arith.constant 0 : i32
      %dma_wait3A_606 = tpu.memref_slice %arg12[%dma_wait3A_605] : memref<262144xf32, #tpu.memory_space<vmem_shared>> -> memref<262144xf32, #tpu.memory_space<vmem_shared>>
      tpu.wait_indirect_dma semaphore(%arg13 : memref<!tpu.dma_semaphore, #tpu.memory_space<semaphore_mem>>) src(%dma_wait3A_601 : memref<128xf32, #tpu.memory_space<vmem>>) dst(%dma_wait3A_606 : memref<262144xf32, #tpu.memory_space<vmem_shared>>)
      %dma_wait3A_607 = arith.constant 13 : i32
      %dma_wait3A_608 = arith.constant 13 : i32
      %dma_wait3A_609 = arith.constant 0 : i32
      %dma_wait3A_610 = tpu.memref_slice %arg9[%dma_wait3A_607, %dma_wait3A_609] : memref<16x128xf32, #tpu.memory_space<vmem>> -> memref<1x128xf32, #tpu.memory_space<vmem>>
      %dma_wait3A_611 = tpu.memref_squeeze %dma_wait3A_610 : memref<1x128xf32, #tpu.memory_space<vmem>> -> memref<128xf32, #tpu.memory_space<vmem>>
      %dma_wait3A_612 = arith.constant 0 : i32
      %dma_wait3A_613 = tpu.memref_slice %arg8[%dma_wait3A_608, %dma_wait3A_612] : memref<16x128xi32, #tpu.memory_space<vmem>> -> memref<1x128xi32, #tpu.memory_space<vmem>>
      %dma_wait3A_614 = tpu.memref_squeeze %dma_wait3A_613 : memref<1x128xi32, #tpu.memory_space<vmem>> -> memref<128xi32, #tpu.memory_space<vmem>>
      %dma_wait3A_615 = arith.constant 0 : i32
      %dma_wait3A_616 = tpu.memref_slice %arg11[%dma_wait3A_615] : memref<262144xf32, #tpu.memory_space<vmem_shared>> -> memref<262144xf32, #tpu.memory_space<vmem_shared>>
      tpu.wait_indirect_dma semaphore(%arg13 : memref<!tpu.dma_semaphore, #tpu.memory_space<semaphore_mem>>) src(%dma_wait3A_611 : memref<128xf32, #tpu.memory_space<vmem>>) dst(%dma_wait3A_616 : memref<262144xf32, #tpu.memory_space<vmem_shared>>)
      %dma_wait3A_617 = arith.constant 13 : i32
      %dma_wait3A_618 = arith.constant 13 : i32
      %dma_wait3A_619 = arith.constant 0 : i32
      %dma_wait3A_620 = tpu.memref_slice %arg10[%dma_wait3A_617, %dma_wait3A_619] : memref<16x128xf32, #tpu.memory_space<vmem>> -> memref<1x128xf32, #tpu.memory_space<vmem>>
      %dma_wait3A_621 = tpu.memref_squeeze %dma_wait3A_620 : memref<1x128xf32, #tpu.memory_space<vmem>> -> memref<128xf32, #tpu.memory_space<vmem>>
      %dma_wait3A_622 = arith.constant 0 : i32
      %dma_wait3A_623 = tpu.memref_slice %arg8[%dma_wait3A_618, %dma_wait3A_622] : memref<16x128xi32, #tpu.memory_space<vmem>> -> memref<1x128xi32, #tpu.memory_space<vmem>>
      %dma_wait3A_624 = tpu.memref_squeeze %dma_wait3A_623 : memref<1x128xi32, #tpu.memory_space<vmem>> -> memref<128xi32, #tpu.memory_space<vmem>>
      %dma_wait3A_625 = arith.constant 0 : i32
      %dma_wait3A_626 = tpu.memref_slice %arg12[%dma_wait3A_625] : memref<262144xf32, #tpu.memory_space<vmem_shared>> -> memref<262144xf32, #tpu.memory_space<vmem_shared>>
      tpu.wait_indirect_dma semaphore(%arg13 : memref<!tpu.dma_semaphore, #tpu.memory_space<semaphore_mem>>) src(%dma_wait3A_621 : memref<128xf32, #tpu.memory_space<vmem>>) dst(%dma_wait3A_626 : memref<262144xf32, #tpu.memory_space<vmem_shared>>)
      %dma_wait3A_627 = arith.constant 14 : i32
      %dma_wait3A_628 = arith.constant 14 : i32
      %dma_wait3A_629 = arith.constant 0 : i32
      %dma_wait3A_630 = tpu.memref_slice %arg9[%dma_wait3A_627, %dma_wait3A_629] : memref<16x128xf32, #tpu.memory_space<vmem>> -> memref<1x128xf32, #tpu.memory_space<vmem>>
      %dma_wait3A_631 = tpu.memref_squeeze %dma_wait3A_630 : memref<1x128xf32, #tpu.memory_space<vmem>> -> memref<128xf32, #tpu.memory_space<vmem>>
      %dma_wait3A_632 = arith.constant 0 : i32
      %dma_wait3A_633 = tpu.memref_slice %arg8[%dma_wait3A_628, %dma_wait3A_632] : memref<16x128xi32, #tpu.memory_space<vmem>> -> memref<1x128xi32, #tpu.memory_space<vmem>>
      %dma_wait3A_634 = tpu.memref_squeeze %dma_wait3A_633 : memref<1x128xi32, #tpu.memory_space<vmem>> -> memref<128xi32, #tpu.memory_space<vmem>>
      %dma_wait3A_635 = arith.constant 0 : i32
      %dma_wait3A_636 = tpu.memref_slice %arg11[%dma_wait3A_635] : memref<262144xf32, #tpu.memory_space<vmem_shared>> -> memref<262144xf32, #tpu.memory_space<vmem_shared>>
      tpu.wait_indirect_dma semaphore(%arg13 : memref<!tpu.dma_semaphore, #tpu.memory_space<semaphore_mem>>) src(%dma_wait3A_631 : memref<128xf32, #tpu.memory_space<vmem>>) dst(%dma_wait3A_636 : memref<262144xf32, #tpu.memory_space<vmem_shared>>)
      %dma_wait3A_637 = arith.constant 14 : i32
      %dma_wait3A_638 = arith.constant 14 : i32
      %dma_wait3A_639 = arith.constant 0 : i32
      %dma_wait3A_640 = tpu.memref_slice %arg10[%dma_wait3A_637, %dma_wait3A_639] : memref<16x128xf32, #tpu.memory_space<vmem>> -> memref<1x128xf32, #tpu.memory_space<vmem>>
      %dma_wait3A_641 = tpu.memref_squeeze %dma_wait3A_640 : memref<1x128xf32, #tpu.memory_space<vmem>> -> memref<128xf32, #tpu.memory_space<vmem>>
      %dma_wait3A_642 = arith.constant 0 : i32
      %dma_wait3A_643 = tpu.memref_slice %arg8[%dma_wait3A_638, %dma_wait3A_642] : memref<16x128xi32, #tpu.memory_space<vmem>> -> memref<1x128xi32, #tpu.memory_space<vmem>>
      %dma_wait3A_644 = tpu.memref_squeeze %dma_wait3A_643 : memref<1x128xi32, #tpu.memory_space<vmem>> -> memref<128xi32, #tpu.memory_space<vmem>>
      %dma_wait3A_645 = arith.constant 0 : i32
      %dma_wait3A_646 = tpu.memref_slice %arg12[%dma_wait3A_645] : memref<262144xf32, #tpu.memory_space<vmem_shared>> -> memref<262144xf32, #tpu.memory_space<vmem_shared>>
      tpu.wait_indirect_dma semaphore(%arg13 : memref<!tpu.dma_semaphore, #tpu.memory_space<semaphore_mem>>) src(%dma_wait3A_641 : memref<128xf32, #tpu.memory_space<vmem>>) dst(%dma_wait3A_646 : memref<262144xf32, #tpu.memory_space<vmem_shared>>)
      %dma_wait3A_647 = arith.constant 15 : i32
      %dma_wait3A_648 = arith.constant 15 : i32
      %dma_wait3A_649 = arith.constant 0 : i32
      %dma_wait3A_650 = tpu.memref_slice %arg9[%dma_wait3A_647, %dma_wait3A_649] : memref<16x128xf32, #tpu.memory_space<vmem>> -> memref<1x128xf32, #tpu.memory_space<vmem>>
      %dma_wait3A_651 = tpu.memref_squeeze %dma_wait3A_650 : memref<1x128xf32, #tpu.memory_space<vmem>> -> memref<128xf32, #tpu.memory_space<vmem>>
      %dma_wait3A_652 = arith.constant 0 : i32
      %dma_wait3A_653 = tpu.memref_slice %arg8[%dma_wait3A_648, %dma_wait3A_652] : memref<16x128xi32, #tpu.memory_space<vmem>> -> memref<1x128xi32, #tpu.memory_space<vmem>>
      %dma_wait3A_654 = tpu.memref_squeeze %dma_wait3A_653 : memref<1x128xi32, #tpu.memory_space<vmem>> -> memref<128xi32, #tpu.memory_space<vmem>>
      %dma_wait3A_655 = arith.constant 0 : i32
      %dma_wait3A_656 = tpu.memref_slice %arg11[%dma_wait3A_655] : memref<262144xf32, #tpu.memory_space<vmem_shared>> -> memref<262144xf32, #tpu.memory_space<vmem_shared>>
      tpu.wait_indirect_dma semaphore(%arg13 : memref<!tpu.dma_semaphore, #tpu.memory_space<semaphore_mem>>) src(%dma_wait3A_651 : memref<128xf32, #tpu.memory_space<vmem>>) dst(%dma_wait3A_656 : memref<262144xf32, #tpu.memory_space<vmem_shared>>)
      %dma_wait3A_657 = arith.constant 15 : i32
      %dma_wait3A_658 = arith.constant 15 : i32
      %dma_wait3A_659 = arith.constant 0 : i32
      %dma_wait3A_660 = tpu.memref_slice %arg10[%dma_wait3A_657, %dma_wait3A_659] : memref<16x128xf32, #tpu.memory_space<vmem>> -> memref<1x128xf32, #tpu.memory_space<vmem>>
      %dma_wait3A_661 = tpu.memref_squeeze %dma_wait3A_660 : memref<1x128xf32, #tpu.memory_space<vmem>> -> memref<128xf32, #tpu.memory_space<vmem>>
      %dma_wait3A_662 = arith.constant 0 : i32
      %dma_wait3A_663 = tpu.memref_slice %arg8[%dma_wait3A_658, %dma_wait3A_662] : memref<16x128xi32, #tpu.memory_space<vmem>> -> memref<1x128xi32, #tpu.memory_space<vmem>>
      %dma_wait3A_664 = tpu.memref_squeeze %dma_wait3A_663 : memref<1x128xi32, #tpu.memory_space<vmem>> -> memref<128xi32, #tpu.memory_space<vmem>>
      %dma_wait3A_665 = arith.constant 0 : i32
      %dma_wait3A_666 = tpu.memref_slice %arg12[%dma_wait3A_665] : memref<262144xf32, #tpu.memory_space<vmem_shared>> -> memref<262144xf32, #tpu.memory_space<vmem_shared>>
      tpu.wait_indirect_dma semaphore(%arg13 : memref<!tpu.dma_semaphore, #tpu.memory_space<semaphore_mem>>) src(%dma_wait3A_661 : memref<128xf32, #tpu.memory_space<vmem>>) dst(%dma_wait3A_666 : memref<262144xf32, #tpu.memory_space<vmem_shared>>)
    }
    %scan3A_13 = arith.constant 2 : i32
    %barrier3A_14 = arith.constant 0 : index
    tpu.barrier barrier_id(%barrier3A_14)
    %mul3A_15 = arith.constant 16384 : i32
    %mul3A_16 = arith.muli %arg1, %mul3A_15 : i32
    %mul3A_17 = arith.constant 16384 : i32
    %mul3A_18 = arith.muli %arg1, %mul3A_17 : i32
    "tpu.region"() ({
      %run_scoped3A = tpu.sem_alloc : memref<!tpu.dma_semaphore, #tpu.memory_space<semaphore_mem>>
      %dma_start3A = tpu.memref_slice %arg6[%arg0, %mul3A_18] : memref<2x262144xf32, #tpu.memory_space<hbm>> -> memref<1x16384xf32, #tpu.memory_space<hbm>>
      %dma_start3A_23 = tpu.memref_squeeze %dma_start3A : memref<1x16384xf32, #tpu.memory_space<hbm>> -> memref<16384xf32, #tpu.memory_space<hbm>>
      %dma_start3A_24 = tpu.memref_slice %arg11[%mul3A_16] : memref<262144xf32, #tpu.memory_space<vmem_shared>> -> memref<16384xf32, #tpu.memory_space<vmem_shared>>
      tpu.enqueue_dma source(%dma_start3A_24 : memref<16384xf32, #tpu.memory_space<vmem_shared>>) target(%dma_start3A_23 : memref<16384xf32, #tpu.memory_space<hbm>>) target_semaphore(%run_scoped3A : memref<!tpu.dma_semaphore, #tpu.memory_space<semaphore_mem>>)
      %dma_wait3A = tpu.memref_slice %arg6[%arg0, %mul3A_18] : memref<2x262144xf32, #tpu.memory_space<hbm>> -> memref<1x16384xf32, #tpu.memory_space<hbm>>
      %dma_wait3A_25 = tpu.memref_squeeze %dma_wait3A : memref<1x16384xf32, #tpu.memory_space<hbm>> -> memref<16384xf32, #tpu.memory_space<hbm>>
      %dma_wait3A_26 = tpu.memref_slice %arg11[%mul3A_16] : memref<262144xf32, #tpu.memory_space<vmem_shared>> -> memref<16384xf32, #tpu.memory_space<vmem_shared>>
      tpu.wait_dma2 semaphore(%run_scoped3A : memref<!tpu.dma_semaphore, #tpu.memory_space<semaphore_mem>>) src(%dma_wait3A_26 : memref<16384xf32, #tpu.memory_space<vmem_shared>>) dst(%dma_wait3A_25 : memref<16384xf32, #tpu.memory_space<hbm>>)
      tpu.yield
    }) : () -> ()
    %mul3A_19 = arith.constant 16384 : i32
    %mul3A_20 = arith.muli %arg1, %mul3A_19 : i32
    %mul3A_21 = arith.constant 16384 : i32
    %mul3A_22 = arith.muli %arg1, %mul3A_21 : i32
    "tpu.region"() ({
      %run_scoped3A = tpu.sem_alloc : memref<!tpu.dma_semaphore, #tpu.memory_space<semaphore_mem>>
      %dma_start3A = tpu.memref_slice %arg7[%arg0, %mul3A_22] : memref<2x262144xf32, #tpu.memory_space<hbm>> -> memref<1x16384xf32, #tpu.memory_space<hbm>>
      %dma_start3A_23 = tpu.memref_squeeze %dma_start3A : memref<1x16384xf32, #tpu.memory_space<hbm>> -> memref<16384xf32, #tpu.memory_space<hbm>>
      %dma_start3A_24 = tpu.memref_slice %arg12[%mul3A_20] : memref<262144xf32, #tpu.memory_space<vmem_shared>> -> memref<16384xf32, #tpu.memory_space<vmem_shared>>
      tpu.enqueue_dma source(%dma_start3A_24 : memref<16384xf32, #tpu.memory_space<vmem_shared>>) target(%dma_start3A_23 : memref<16384xf32, #tpu.memory_space<hbm>>) target_semaphore(%run_scoped3A : memref<!tpu.dma_semaphore, #tpu.memory_space<semaphore_mem>>)
      %dma_wait3A = tpu.memref_slice %arg7[%arg0, %mul3A_22] : memref<2x262144xf32, #tpu.memory_space<hbm>> -> memref<1x16384xf32, #tpu.memory_space<hbm>>
      %dma_wait3A_25 = tpu.memref_squeeze %dma_wait3A : memref<1x16384xf32, #tpu.memory_space<hbm>> -> memref<16384xf32, #tpu.memory_space<hbm>>
      %dma_wait3A_26 = tpu.memref_slice %arg12[%mul3A_20] : memref<262144xf32, #tpu.memory_space<vmem_shared>> -> memref<16384xf32, #tpu.memory_space<vmem_shared>>
      tpu.wait_dma2 semaphore(%run_scoped3A : memref<!tpu.dma_semaphore, #tpu.memory_space<semaphore_mem>>) src(%dma_wait3A_26 : memref<16384xf32, #tpu.memory_space<vmem_shared>>) dst(%dma_wait3A_25 : memref<16384xf32, #tpu.memory_space<hbm>>)
      tpu.yield
    }) : () -> ()
    return
  }
}

module attributes {stable_mosaic.version = 14 : i64} {
  func.func @_sim_body(%arg0: i32, %arg1: memref<4096x64xf32, #tpu.memory_space<vmem>>, %arg2: memref<4096x64xf32, #tpu.memory_space<vmem>>, %arg3: memref<4096x3xf32, #tpu.memory_space<vmem>>, %arg4: memref<64x64xf32, #tpu.memory_space<vmem>>, %arg5: memref<64x64xf32, #tpu.memory_space<vmem>>, %arg6: memref<3x64xf32, #tpu.memory_space<vmem>>, %arg7: memref<1x64xf32, #tpu.memory_space<vmem>>, %arg8: memref<64x1xf32, #tpu.memory_space<vmem>>, %arg9: memref<1x1xf32, #tpu.memory_space<vmem>>, %arg10: memref<4096x1xf32, #tpu.memory_space<vmem>>, %arg11: memref<1x1xf32, #tpu.memory_space<smem>>) attributes {dimension_semantics = [#tpu.dimension_semantics<arbitrary>], iteration_bounds = array<i64: 32>, scalar_prefetch = 0 : i64, scratch_operands = 0 : i64, tpu.core_type = #tpu.core_type<tc>, window_params = [{transform_indices = @transform_0, window_bounds = array<i64: 4096, 64>}, {transform_indices = @transform_1, window_bounds = array<i64: 4096, 64>}, {transform_indices = @transform_2, window_bounds = array<i64: 4096, 3>}, {pipeline_mode = #tpu.pipeline_mode<synchronous>, transform_indices = @transform_3, window_bounds = array<i64: 64, 64>}, {pipeline_mode = #tpu.pipeline_mode<synchronous>, transform_indices = @transform_4, window_bounds = array<i64: 64, 64>}, {pipeline_mode = #tpu.pipeline_mode<synchronous>, transform_indices = @transform_5, window_bounds = array<i64: 3, 64>}, {pipeline_mode = #tpu.pipeline_mode<synchronous>, transform_indices = @transform_6, window_bounds = array<i64: 1, 64>}, {pipeline_mode = #tpu.pipeline_mode<synchronous>, transform_indices = @transform_7, window_bounds = array<i64: 64, 1>}, {pipeline_mode = #tpu.pipeline_mode<synchronous>, transform_indices = @transform_8, window_bounds = array<i64: 1, 1>}, {transform_indices = @transform_9, window_bounds = array<i64: 4096, 1>}, {transform_indices = @transform_10, window_bounds = array<i64: 1, 1>}]} {
    %get3A = arith.constant 0 : index
    %get3A_0 = arith.constant 0 : index
    %get3A_1 = vector.load %arg1[%get3A, %get3A_0] : memref<4096x64xf32, #tpu.memory_space<vmem>>, vector<4096x64xf32>
    %get3A_2 = arith.constant 0 : index
    %get3A_3 = arith.constant 0 : index
    %get3A_4 = vector.load %arg2[%get3A_2, %get3A_3] : memref<4096x64xf32, #tpu.memory_space<vmem>>, vector<4096x64xf32>
    %get3A_5 = arith.constant 0 : index
    %get3A_6 = arith.constant 0 : index
    %get3A_7 = vector.load %arg3[%get3A_5, %get3A_6] : memref<4096x3xf32, #tpu.memory_space<vmem>>, vector<4096x3xf32>
    %get3A_8 = arith.constant 0 : index
    %get3A_9 = arith.constant 0 : index
    %get3A_10 = vector.load %arg4[%get3A_8, %get3A_9] : memref<64x64xf32, #tpu.memory_space<vmem>>, vector<64x64xf32>
    %dot_general3A = arith.constant dense<0.000000e+00> : vector<4096x64xf32>
    %dot_general3A_11 = tpu.matmul %get3A_1, %get3A_10, %dot_general3A {dimension_numbers = #tpu.dot_dimension_numbers<[1], [0], [0], [1], [0, 0, 1, 1], [], []>, transpose_lhs_hint = false} : vector<4096x64xf32>, vector<64x64xf32>, vector<4096x64xf32> -> vector<4096x64xf32>
    %get3A_12 = arith.constant 0 : index
    %get3A_13 = arith.constant 0 : index
    %get3A_14 = vector.load %arg5[%get3A_12, %get3A_13] : memref<64x64xf32, #tpu.memory_space<vmem>>, vector<64x64xf32>
    %dot_general3A_15 = arith.constant dense<0.000000e+00> : vector<4096x64xf32>
    %dot_general3A_16 = tpu.matmul %get3A_4, %get3A_14, %dot_general3A_15 {dimension_numbers = #tpu.dot_dimension_numbers<[1], [0], [0], [1], [0, 0, 1, 1], [], []>, transpose_lhs_hint = false} : vector<4096x64xf32>, vector<64x64xf32>, vector<4096x64xf32> -> vector<4096x64xf32>
    %add3A = arith.addf %dot_general3A_11, %dot_general3A_16 : vector<4096x64xf32>
    %get3A_17 = arith.constant 0 : index
    %get3A_18 = arith.constant 0 : index
    %get3A_19 = vector.load %arg6[%get3A_17, %get3A_18] : memref<3x64xf32, #tpu.memory_space<vmem>>, vector<3x64xf32>
    %dot_general3A_20 = arith.constant dense<0.000000e+00> : vector<4096x64xf32>
    %dot_general3A_21 = tpu.matmul %get3A_7, %get3A_19, %dot_general3A_20 {dimension_numbers = #tpu.dot_dimension_numbers<[1], [0], [0], [1], [0, 0, 1, 1], [], []>, transpose_lhs_hint = false} : vector<4096x3xf32>, vector<3x64xf32>, vector<4096x64xf32> -> vector<4096x64xf32>
    %add3A_22 = arith.addf %add3A, %dot_general3A_21 : vector<4096x64xf32>
    %get3A_23 = arith.constant 0 : index
    %get3A_24 = arith.constant 0 : index
    %get3A_25 = vector.load %arg7[%get3A_23, %get3A_24] : memref<1x64xf32, #tpu.memory_space<vmem>>, vector<1x64xf32>
    %add3A_26 = vector.broadcast %get3A_25 : vector<1x64xf32> to vector<4096x64xf32>
    %add3A_27 = arith.addf %add3A_22, %add3A_26 : vector<4096x64xf32>
    %max3A = arith.constant 0.000000e+00 : f32
    %max3A_28 = vector.broadcast %max3A : f32 to vector<4096x64xf32>
    %max3A_29 = arith.maximumf %add3A_27, %max3A_28 : vector<4096x64xf32>
    %get3A_30 = arith.constant 0 : index
    %get3A_31 = arith.constant 0 : index
    %get3A_32 = vector.load %arg8[%get3A_30, %get3A_31] : memref<64x1xf32, #tpu.memory_space<vmem>>, vector<64x1xf32>
    %dot_general3A_33 = arith.constant dense<0.000000e+00> : vector<4096x1xf32>
    %dot_general3A_34 = tpu.matmul %max3A_29, %get3A_32, %dot_general3A_33 {dimension_numbers = #tpu.dot_dimension_numbers<[1], [0], [0], [1], [0, 0, 1, 1], [], []>, transpose_lhs_hint = false} : vector<4096x64xf32>, vector<64x1xf32>, vector<4096x1xf32> -> vector<4096x1xf32>
    %get3A_35 = arith.constant 0 : index
    %get3A_36 = arith.constant 0 : index
    %get3A_37 = vector.load %arg9[%get3A_35, %get3A_36] : memref<1x1xf32, #tpu.memory_space<vmem>>, vector<1x1xf32>
    %add3A_38 = vector.broadcast %get3A_37 : vector<1x1xf32> to vector<4096x1xf32>
    %add3A_39 = arith.addf %dot_general3A_34, %add3A_38 : vector<4096x1xf32>
    %swap3A = arith.constant 0 : index
    %swap3A_40 = arith.constant 0 : index
    %swap3A_41 = vector.load %arg10[%swap3A, %swap3A_40] : memref<4096x1xf32, #tpu.memory_space<vmem>>, vector<4096x1xf32>
    tpu.vector_store %arg10[%swap3A, %swap3A_40], %add3A_39 {strides = array<i32>} : memref<4096x1xf32, #tpu.memory_space<vmem>>, vector<4096x1xf32>,
    %reduce_max3A = vector.shape_cast %add3A_39 : vector<4096x1xf32> to vector<1x4096x1xf32>
    %reduce_max3A_42 = arith.constant dense<0xFF800000> : vector<1xf32>
    %reduce_max3A_43 = vector.multi_reduction <maximumf>, %reduce_max3A, %reduce_max3A_42 [1, 2] : vector<1x4096x1xf32> to vector<1xf32>
    %reduce_max3A_44 = vector.shape_cast %reduce_max3A_43 : vector<1xf32> to vector<1x1x1xf32>
    %reduce_max3A_45 = vector.extract %reduce_max3A_44[0, 0, 0] : f32 from vector<1x1x1xf32>
    %eq3A = arith.constant 0 : i32
    %eq3A_46 = arith.cmpi eq, %arg0, %eq3A : i32
    %convert_element_type3A = arith.extui %eq3A_46 : i1 to i32
    %cond3A = arith.constant 0 : i32
    %cond3A_47 = arith.cmpi ne, %convert_element_type3A, %cond3A : i32
    scf.if %cond3A_47 {
      %swap3A_52 = arith.constant 0 : index
      %swap3A_53 = arith.constant 0 : index
      %swap3A_54 = memref.load %arg11[%swap3A_52, %swap3A_53] : memref<1x1xf32, #tpu.memory_space<smem>>
      memref.store %reduce_max3A_45, %arg11[%swap3A_52, %swap3A_53] : memref<1x1xf32, #tpu.memory_space<smem>>
    } else {
    }
    %gt3A = arith.constant 0 : i32
    %gt3A_48 = arith.cmpi sgt, %arg0, %gt3A : i32
    %convert_element_type3A_49 = arith.extui %gt3A_48 : i1 to i32
    %cond3A_50 = arith.constant 0 : i32
    %cond3A_51 = arith.cmpi ne, %convert_element_type3A_49, %cond3A_50 : i32
    scf.if %cond3A_51 {
      %get3A_52 = arith.constant 0 : index
      %get3A_53 = arith.constant 0 : index
      %get3A_54 = memref.load %arg11[%get3A_52, %get3A_53] : memref<1x1xf32, #tpu.memory_space<smem>>
      %max3A_55 = arith.maximumf %get3A_54, %reduce_max3A_45 : f32
      %swap3A_56 = arith.constant 0 : index
      %swap3A_57 = arith.constant 0 : index
      %swap3A_58 = memref.load %arg11[%swap3A_56, %swap3A_57] : memref<1x1xf32, #tpu.memory_space<smem>>
      memref.store %max3A_55, %arg11[%swap3A_56, %swap3A_57] : memref<1x1xf32, #tpu.memory_space<smem>>
    } else {
    }
    return
  }
  func.func @transform_0(%arg0: i32) -> (i32, i32) {
    %c0_i32 = arith.constant 0 : i32
    %c0_i32_0 = arith.constant 0 : i32
    return %arg0, %c0_i32 : i32, i32
  }
  func.func @transform_1(%arg0: i32) -> (i32, i32) {
    %c0_i32 = arith.constant 0 : i32
    %c0_i32_0 = arith.constant 0 : i32
    return %arg0, %c0_i32 : i32, i32
  }
  func.func @transform_2(%arg0: i32) -> (i32, i32) {
    %c0_i32 = arith.constant 0 : i32
    %c0_i32_0 = arith.constant 0 : i32
    return %arg0, %c0_i32 : i32, i32
  }
  func.func @transform_3(%arg0: i32) -> (i32, i32) {
    %c0_i32 = arith.constant 0 : i32
    %c0_i32_0 = arith.constant 0 : i32
    %c0_i32_1 = arith.constant 0 : i32
    return %c0_i32, %c0_i32_0 : i32, i32
  }
  func.func @transform_4(%arg0: i32) -> (i32, i32) {
    %c0_i32 = arith.constant 0 : i32
    %c0_i32_0 = arith.constant 0 : i32
    %c0_i32_1 = arith.constant 0 : i32
    return %c0_i32, %c0_i32_0 : i32, i32
  }
  func.func @transform_5(%arg0: i32) -> (i32, i32) {
    %c0_i32 = arith.constant 0 : i32
    %c0_i32_0 = arith.constant 0 : i32
    %c0_i32_1 = arith.constant 0 : i32
    return %c0_i32, %c0_i32_0 : i32, i32
  }
  func.func @transform_6(%arg0: i32) -> (i32, i32) {
    %c0_i32 = arith.constant 0 : i32
    %c0_i32_0 = arith.constant 0 : i32
    %c0_i32_1 = arith.constant 0 : i32
    return %c0_i32, %c0_i32_0 : i32, i32
  }
  func.func @transform_7(%arg0: i32) -> (i32, i32) {
    %c0_i32 = arith.constant 0 : i32
    %c0_i32_0 = arith.constant 0 : i32
    %c0_i32_1 = arith.constant 0 : i32
    return %c0_i32, %c0_i32_0 : i32, i32
  }
  func.func @transform_8(%arg0: i32) -> (i32, i32) {
    %c0_i32 = arith.constant 0 : i32
    %c0_i32_0 = arith.constant 0 : i32
    %c0_i32_1 = arith.constant 0 : i32
    return %c0_i32, %c0_i32_0 : i32, i32
  }
  func.func @transform_9(%arg0: i32) -> (i32, i32) {
    %c0_i32 = arith.constant 0 : i32
    %c0_i32_0 = arith.constant 0 : i32
    return %arg0, %c0_i32 : i32, i32
  }
  func.func @transform_10(%arg0: i32) -> (i32, i32) {
    %c0_i32 = arith.constant 0 : i32
    %c0_i32_0 = arith.constant 0 : i32
    %c0_i32_1 = arith.constant 0 : i32
    return %c0_i32, %c0_i32_0 : i32, i32
  }
}

module attributes {stable_mosaic.version = 14 : i64} {
  func.func @_voxel_body(%arg0: i32, %arg1: memref<2048x64xf32, #tpu.memory_space<vmem>>, %arg2: memref<2048x64xf32, #tpu.memory_space<vmem>>, %arg3: memref<2048x1xf32, #tpu.memory_space<vmem>>, %arg4: memref<2048x1xf32, #tpu.memory_space<vmem>>, %arg5: memref<64x64xf32, #tpu.memory_space<vmem>>, %arg6: memref<64x64xf32, #tpu.memory_space<vmem>>, %arg7: memref<1x64xf32, #tpu.memory_space<vmem>>, %arg8: memref<64x1xf32, #tpu.memory_space<vmem>>, %arg9: memref<1x1xf32, #tpu.memory_space<vmem>>, %arg10: memref<64x192xf32, #tpu.memory_space<vmem>>, %arg11: memref<64x192xf32, #tpu.memory_space<vmem>>, %arg12: memref<1x192xf32, #tpu.memory_space<vmem>>, %arg13: memref<1x192xf32, #tpu.memory_space<vmem>>, %arg14: memref<1x64xf32, #tpu.memory_space<vmem>>, %arg15: memref<1x64xf32, #tpu.memory_space<vmem>>, %arg16: memref<64x96xf32, #tpu.memory_space<vmem>>, %arg17: memref<1x96xf32, #tpu.memory_space<vmem>>, %arg18: memref<96x96xf32, #tpu.memory_space<vmem>>, %arg19: memref<1x96xf32, #tpu.memory_space<vmem>>, %arg20: memref<96x1xf32, #tpu.memory_space<vmem>>, %arg21: memref<1x1xf32, #tpu.memory_space<vmem>>, %arg22: memref<2048x65xf32, #tpu.memory_space<vmem>>) attributes {dimension_semantics = [#tpu.dimension_semantics<arbitrary>], iteration_bounds = array<i64: 128>, scalar_prefetch = 0 : i64, scratch_operands = 0 : i64, tpu.core_type = #tpu.core_type<tc>, window_params = [{transform_indices = @transform_0, window_bounds = array<i64: 2048, 64>}, {transform_indices = @transform_1, window_bounds = array<i64: 2048, 64>}, {transform_indices = @transform_2, window_bounds = array<i64: 2048, 1>}, {transform_indices = @transform_3, window_bounds = array<i64: 2048, 1>}, {pipeline_mode = #tpu.pipeline_mode<synchronous>, transform_indices = @transform_4, window_bounds = array<i64: 64, 64>}, {pipeline_mode = #tpu.pipeline_mode<synchronous>, transform_indices = @transform_5, window_bounds = array<i64: 64, 64>}, {pipeline_mode = #tpu.pipeline_mode<synchronous>, transform_indices = @transform_6, window_bounds = array<i64: 1, 64>}, {pipeline_mode = #tpu.pipeline_mode<synchronous>, transform_indices = @transform_7, window_bounds = array<i64: 64, 1>}, {pipeline_mode = #tpu.pipeline_mode<synchronous>, transform_indices = @transform_8, window_bounds = array<i64: 1, 1>}, {pipeline_mode = #tpu.pipeline_mode<synchronous>, transform_indices = @transform_9, window_bounds = array<i64: 64, 192>}, {pipeline_mode = #tpu.pipeline_mode<synchronous>, transform_indices = @transform_10, window_bounds = array<i64: 64, 192>}, {pipeline_mode = #tpu.pipeline_mode<synchronous>, transform_indices = @transform_11, window_bounds = array<i64: 1, 192>}, {pipeline_mode = #tpu.pipeline_mode<synchronous>, transform_indices = @transform_12, window_bounds = array<i64: 1, 192>}, {pipeline_mode = #tpu.pipeline_mode<synchronous>, transform_indices = @transform_13, window_bounds = array<i64: 1, 64>}, {pipeline_mode = #tpu.pipeline_mode<synchronous>, transform_indices = @transform_14, window_bounds = array<i64: 1, 64>}, {pipeline_mode = #tpu.pipeline_mode<synchronous>, transform_indices = @transform_15, window_bounds = array<i64: 64, 96>}, {pipeline_mode = #tpu.pipeline_mode<synchronous>, transform_indices = @transform_16, window_bounds = array<i64: 1, 96>}, {pipeline_mode = #tpu.pipeline_mode<synchronous>, transform_indices = @transform_17, window_bounds = array<i64: 96, 96>}, {pipeline_mode = #tpu.pipeline_mode<synchronous>, transform_indices = @transform_18, window_bounds = array<i64: 1, 96>}, {pipeline_mode = #tpu.pipeline_mode<synchronous>, transform_indices = @transform_19, window_bounds = array<i64: 96, 1>}, {pipeline_mode = #tpu.pipeline_mode<synchronous>, transform_indices = @transform_20, window_bounds = array<i64: 1, 1>}, {transform_indices = @transform_21, window_bounds = array<i64: 2048, 65>}]} {
    %get3A = arith.constant 0 : index
    %get3A_0 = arith.constant 0 : index
    %get3A_1 = vector.load %arg1[%get3A, %get3A_0] : memref<2048x64xf32, #tpu.memory_space<vmem>>, vector<2048x64xf32>
    %get3A_2 = arith.constant 0 : index
    %get3A_3 = arith.constant 0 : index
    %get3A_4 = vector.load %arg2[%get3A_2, %get3A_3] : memref<2048x64xf32, #tpu.memory_space<vmem>>, vector<2048x64xf32>
    %get3A_5 = arith.constant 0 : index
    %get3A_6 = arith.constant 0 : index
    %get3A_7 = vector.load %arg3[%get3A_5, %get3A_6] : memref<2048x1xf32, #tpu.memory_space<vmem>>, vector<2048x1xf32>
    %max3A = arith.constant 1.000000e-30 : f32
    %max3A_8 = vector.broadcast %max3A : f32 to vector<2048x1xf32>
    %max3A_9 = arith.maximumf %get3A_7, %max3A_8 : vector<2048x1xf32>
    %div3A = vector.broadcast %max3A_9 : vector<2048x1xf32> to vector<2048x64xf32>
    %div3A_10 = arith.divf %get3A_4, %div3A : vector<2048x64xf32>
    %get3A_11 = arith.constant 0 : index
    %get3A_12 = arith.constant 0 : index
    %get3A_13 = vector.load %arg4[%get3A_11, %get3A_12] : memref<2048x1xf32, #tpu.memory_space<vmem>>, vector<2048x1xf32>
    %get3A_14 = arith.constant 0 : index
    %get3A_15 = arith.constant 0 : index
    %get3A_16 = vector.load %arg5[%get3A_14, %get3A_15] : memref<64x64xf32, #tpu.memory_space<vmem>>, vector<64x64xf32>
    %dot_general3A = arith.constant dense<0.000000e+00> : vector<2048x64xf32>
    %dot_general3A_17 = tpu.matmul %get3A_1, %get3A_16, %dot_general3A {dimension_numbers = #tpu.dot_dimension_numbers<[1], [0], [0], [1], [0, 0, 1, 1], [], []>, transpose_lhs_hint = false} : vector<2048x64xf32>, vector<64x64xf32>, vector<2048x64xf32> -> vector<2048x64xf32>
    %get3A_18 = arith.constant 0 : index
    %get3A_19 = arith.constant 0 : index
    %get3A_20 = vector.load %arg6[%get3A_18, %get3A_19] : memref<64x64xf32, #tpu.memory_space<vmem>>, vector<64x64xf32>
    %dot_general3A_21 = arith.constant dense<0.000000e+00> : vector<2048x64xf32>
    %dot_general3A_22 = tpu.matmul %div3A_10, %get3A_20, %dot_general3A_21 {dimension_numbers = #tpu.dot_dimension_numbers<[1], [0], [0], [1], [0, 0, 1, 1], [], []>, transpose_lhs_hint = false} : vector<2048x64xf32>, vector<64x64xf32>, vector<2048x64xf32> -> vector<2048x64xf32>
    %add3A = arith.addf %dot_general3A_17, %dot_general3A_22 : vector<2048x64xf32>
    %get3A_23 = arith.constant 0 : index
    %get3A_24 = arith.constant 0 : index
    %get3A_25 = vector.load %arg7[%get3A_23, %get3A_24] : memref<1x64xf32, #tpu.memory_space<vmem>>, vector<1x64xf32>
    %add3A_26 = vector.broadcast %get3A_25 : vector<1x64xf32> to vector<2048x64xf32>
    %add3A_27 = arith.addf %add3A, %add3A_26 : vector<2048x64xf32>
    %max3A_28 = arith.constant 0.000000e+00 : f32
    %max3A_29 = vector.broadcast %max3A_28 : f32 to vector<2048x64xf32>
    %max3A_30 = arith.maximumf %add3A_27, %max3A_29 : vector<2048x64xf32>
    %get3A_31 = arith.constant 0 : index
    %get3A_32 = arith.constant 0 : index
    %get3A_33 = vector.load %arg8[%get3A_31, %get3A_32] : memref<64x1xf32, #tpu.memory_space<vmem>>, vector<64x1xf32>
    %dot_general3A_34 = arith.constant dense<0.000000e+00> : vector<2048x1xf32>
    %dot_general3A_35 = tpu.matmul %max3A_30, %get3A_33, %dot_general3A_34 {dimension_numbers = #tpu.dot_dimension_numbers<[1], [0], [0], [1], [0, 0, 1, 1], [], []>, transpose_lhs_hint = false} : vector<2048x64xf32>, vector<64x1xf32>, vector<2048x1xf32> -> vector<2048x1xf32>
    %get3A_36 = arith.constant 0 : index
    %get3A_37 = arith.constant 0 : index
    %get3A_38 = vector.load %arg9[%get3A_36, %get3A_37] : memref<1x1xf32, #tpu.memory_space<vmem>>, vector<1x1xf32>
    %add3A_39 = vector.broadcast %get3A_38 : vector<1x1xf32> to vector<2048x1xf32>
    %add3A_40 = arith.addf %dot_general3A_35, %add3A_39 : vector<2048x1xf32>
    %logistic3A = arith.negf %add3A_40 : vector<2048x1xf32>
    %logistic3A_41 = math.exp %logistic3A : vector<2048x1xf32>
    %logistic3A_42 = arith.constant 1.000000e+00 : f32
    %logistic3A_43 = vector.broadcast %logistic3A_42 : f32 to vector<2048x1xf32>
    %logistic3A_44 = arith.addf %logistic3A_43, %logistic3A_41 : vector<2048x1xf32>
    %logistic3A_45 = arith.divf %logistic3A_43, %logistic3A_44 : vector<2048x1xf32>
    %get3A_46 = arith.constant 0 : index
    %get3A_47 = arith.constant 0 : index
    %get3A_48 = vector.load %arg10[%get3A_46, %get3A_47] : memref<64x192xf32, #tpu.memory_space<vmem>>, vector<64x192xf32>
    %dot_general3A_49 = arith.constant dense<0.000000e+00> : vector<2048x192xf32>
    %dot_general3A_50 = tpu.matmul %div3A_10, %get3A_48, %dot_general3A_49 {dimension_numbers = #tpu.dot_dimension_numbers<[1], [0], [0], [1], [0, 0, 1, 1], [], []>, transpose_lhs_hint = false} : vector<2048x64xf32>, vector<64x192xf32>, vector<2048x192xf32> -> vector<2048x192xf32>
    %get3A_51 = arith.constant 0 : index
    %get3A_52 = arith.constant 0 : index
    %get3A_53 = vector.load %arg12[%get3A_51, %get3A_52] : memref<1x192xf32, #tpu.memory_space<vmem>>, vector<1x192xf32>
    %add3A_54 = vector.broadcast %get3A_53 : vector<1x192xf32> to vector<2048x192xf32>
    %add3A_55 = arith.addf %dot_general3A_50, %add3A_54 : vector<2048x192xf32>
    %get3A_56 = arith.constant 0 : index
    %get3A_57 = arith.constant 0 : index
    %get3A_58 = vector.load %arg11[%get3A_56, %get3A_57] : memref<64x192xf32, #tpu.memory_space<vmem>>, vector<64x192xf32>
    %dot_general3A_59 = arith.constant dense<0.000000e+00> : vector<2048x192xf32>
    %dot_general3A_60 = tpu.matmul %get3A_1, %get3A_58, %dot_general3A_59 {dimension_numbers = #tpu.dot_dimension_numbers<[1], [0], [0], [1], [0, 0, 1, 1], [], []>, transpose_lhs_hint = false} : vector<2048x64xf32>, vector<64x192xf32>, vector<2048x192xf32> -> vector<2048x192xf32>
    %get3A_61 = arith.constant 0 : index
    %get3A_62 = arith.constant 0 : index
    %get3A_63 = vector.load %arg13[%get3A_61, %get3A_62] : memref<1x192xf32, #tpu.memory_space<vmem>>, vector<1x192xf32>
    %add3A_64 = vector.broadcast %get3A_63 : vector<1x192xf32> to vector<2048x192xf32>
    %add3A_65 = arith.addf %dot_general3A_60, %add3A_64 : vector<2048x192xf32>
    %slice3A = vector.extract_strided_slice %add3A_55 {offsets = [0, 0], sizes = [2048, 64], strides = [1, 1]} : vector<2048x192xf32> to vector<2048x64xf32>
    %slice3A_66 = vector.extract_strided_slice %add3A_55 {offsets = [0, 64], sizes = [2048, 64], strides = [1, 1]} : vector<2048x192xf32> to vector<2048x64xf32>
    %slice3A_67 = vector.extract_strided_slice %add3A_55 {offsets = [0, 128], sizes = [2048, 64], strides = [1, 1]} : vector<2048x192xf32> to vector<2048x64xf32>
    %slice3A_68 = vector.extract_strided_slice %add3A_65 {offsets = [0, 0], sizes = [2048, 64], strides = [1, 1]} : vector<2048x192xf32> to vector<2048x64xf32>
    %slice3A_69 = vector.extract_strided_slice %add3A_65 {offsets = [0, 64], sizes = [2048, 64], strides = [1, 1]} : vector<2048x192xf32> to vector<2048x64xf32>
    %slice3A_70 = vector.extract_strided_slice %add3A_65 {offsets = [0, 128], sizes = [2048, 64], strides = [1, 1]} : vector<2048x192xf32> to vector<2048x64xf32>
    %add3A_71 = arith.addf %slice3A, %slice3A_68 : vector<2048x64xf32>
    %logistic3A_72 = arith.negf %add3A_71 : vector<2048x64xf32>
    %logistic3A_73 = math.exp %logistic3A_72 : vector<2048x64xf32>
    %logistic3A_74 = arith.constant 1.000000e+00 : f32
    %logistic3A_75 = vector.broadcast %logistic3A_74 : f32 to vector<2048x64xf32>
    %logistic3A_76 = arith.addf %logistic3A_75, %logistic3A_73 : vector<2048x64xf32>
    %logistic3A_77 = arith.divf %logistic3A_75, %logistic3A_76 : vector<2048x64xf32>
    %add3A_78 = arith.addf %slice3A_66, %slice3A_69 : vector<2048x64xf32>
    %logistic3A_79 = arith.negf %add3A_78 : vector<2048x64xf32>
    %logistic3A_80 = math.exp %logistic3A_79 : vector<2048x64xf32>
    %logistic3A_81 = arith.constant 1.000000e+00 : f32
    %logistic3A_82 = vector.broadcast %logistic3A_81 : f32 to vector<2048x64xf32>
    %logistic3A_83 = arith.addf %logistic3A_82, %logistic3A_80 : vector<2048x64xf32>
    %logistic3A_84 = arith.divf %logistic3A_82, %logistic3A_83 : vector<2048x64xf32>
    %mul3A = arith.mulf %logistic3A_77, %slice3A_70 : vector<2048x64xf32>
    %add3A_85 = arith.addf %slice3A_67, %mul3A : vector<2048x64xf32>
    %tanh3A = math.tanh %add3A_85 : vector<2048x64xf32>
    %sub3A = arith.constant 1.000000e+00 : f32
    %sub3A_86 = vector.broadcast %sub3A : f32 to vector<2048x64xf32>
    %sub3A_87 = arith.subf %sub3A_86, %logistic3A_84 : vector<2048x64xf32>
    %mul3A_88 = arith.mulf %sub3A_87, %tanh3A : vector<2048x64xf32>
    %mul3A_89 = arith.mulf %logistic3A_84, %get3A_1 : vector<2048x64xf32>
    %add3A_90 = arith.addf %mul3A_88, %mul3A_89 : vector<2048x64xf32>
    %sub3A_91 = arith.subf %add3A_90, %get3A_1 : vector<2048x64xf32>
    %mul3A_92 = vector.broadcast %logistic3A_45 : vector<2048x1xf32> to vector<2048x64xf32>
    %mul3A_93 = arith.mulf %mul3A_92, %sub3A_91 : vector<2048x64xf32>
    %add3A_94 = arith.addf %get3A_1, %mul3A_93 : vector<2048x64xf32>
    %gt3A = arith.constant 0.000000e+00 : f32
    %gt3A_95 = vector.broadcast %gt3A : f32 to vector<2048x1xf32>
    %gt3A_96 = arith.cmpf ogt, %get3A_13, %gt3A_95 : vector<2048x1xf32>
    %broadcast_in_dim3A = vector.shape_cast %gt3A_96 : vector<2048x1xi1> to vector<2048x1xi1>
    %broadcast_in_dim3A_97 = vector.broadcast %broadcast_in_dim3A : vector<2048x1xi1> to vector<2048x64xi1>
    %select_n3A = arith.select %broadcast_in_dim3A_97, %add3A_94, %get3A_1 : vector<2048x64xi1>, vector<2048x64xf32>
    %reduce_sum3A = arith.constant dense<0.000000e+00> : vector<2048xf32>
    %reduce_sum3A_98 = vector.multi_reduction <add>, %select_n3A, %reduce_sum3A [1] : vector<2048x64xf32> to vector<2048xf32>
    %broadcast_in_dim3A_99 = vector.shape_cast %reduce_sum3A_98 : vector<2048xf32> to vector<2048x1xf32>
    %div3A_100 = arith.constant 6.400000e+01 : f32
    %div3A_101 = vector.broadcast %div3A_100 : f32 to vector<2048x1xf32>
    %div3A_102 = arith.divf %broadcast_in_dim3A_99, %div3A_101 : vector<2048x1xf32>
    %sub3A_103 = vector.broadcast %div3A_102 : vector<2048x1xf32> to vector<2048x64xf32>
    %sub3A_104 = arith.subf %select_n3A, %sub3A_103 : vector<2048x64xf32>
    %integer_pow3A = arith.mulf %sub3A_104, %sub3A_104 : vector<2048x64xf32>
    %reduce_sum3A_105 = arith.constant dense<0.000000e+00> : vector<2048xf32>
    %reduce_sum3A_106 = vector.multi_reduction <add>, %integer_pow3A, %reduce_sum3A_105 [1] : vector<2048x64xf32> to vector<2048xf32>
    %broadcast_in_dim3A_107 = vector.shape_cast %reduce_sum3A_106 : vector<2048xf32> to vector<2048x1xf32>
    %div3A_108 = arith.constant 6.400000e+01 : f32
    %div3A_109 = vector.broadcast %div3A_108 : f32 to vector<2048x1xf32>
    %div3A_110 = arith.divf %broadcast_in_dim3A_107, %div3A_109 : vector<2048x1xf32>
    %sub3A_111 = vector.broadcast %div3A_102 : vector<2048x1xf32> to vector<2048x64xf32>
    %sub3A_112 = arith.subf %select_n3A, %sub3A_111 : vector<2048x64xf32>
    %add3A_113 = arith.constant 9.99999974E-6 : f32
    %add3A_114 = vector.broadcast %add3A_113 : f32 to vector<2048x1xf32>
    %add3A_115 = arith.addf %div3A_110, %add3A_114 : vector<2048x1xf32>
    %rsqrt3A = math.rsqrt %add3A_115 : vector<2048x1xf32>
    %mul3A_116 = vector.broadcast %rsqrt3A : vector<2048x1xf32> to vector<2048x64xf32>
    %mul3A_117 = arith.mulf %sub3A_112, %mul3A_116 : vector<2048x64xf32>
    %get3A_118 = arith.constant 0 : index
    %get3A_119 = arith.constant 0 : index
    %get3A_120 = vector.load %arg14[%get3A_118, %get3A_119] : memref<1x64xf32, #tpu.memory_space<vmem>>, vector<1x64xf32>
    %mul3A_121 = vector.broadcast %get3A_120 : vector<1x64xf32> to vector<2048x64xf32>
    %mul3A_122 = arith.mulf %mul3A_117, %mul3A_121 : vector<2048x64xf32>
    %get3A_123 = arith.constant 0 : index
    %get3A_124 = arith.constant 0 : index
    %get3A_125 = vector.load %arg15[%get3A_123, %get3A_124] : memref<1x64xf32, #tpu.memory_space<vmem>>, vector<1x64xf32>
    %add3A_126 = vector.broadcast %get3A_125 : vector<1x64xf32> to vector<2048x64xf32>
    %add3A_127 = arith.addf %mul3A_122, %add3A_126 : vector<2048x64xf32>
    %get3A_128 = arith.constant 0 : index
    %get3A_129 = arith.constant 0 : index
    %get3A_130 = vector.load %arg16[%get3A_128, %get3A_129] : memref<64x96xf32, #tpu.memory_space<vmem>>, vector<64x96xf32>
    %dot_general3A_131 = arith.constant dense<0.000000e+00> : vector<2048x96xf32>
    %dot_general3A_132 = tpu.matmul %add3A_127, %get3A_130, %dot_general3A_131 {dimension_numbers = #tpu.dot_dimension_numbers<[1], [0], [0], [1], [0, 0, 1, 1], [], []>, transpose_lhs_hint = false} : vector<2048x64xf32>, vector<64x96xf32>, vector<2048x96xf32> -> vector<2048x96xf32>
    %get3A_133 = arith.constant 0 : index
    %get3A_134 = arith.constant 0 : index
    %get3A_135 = vector.load %arg17[%get3A_133, %get3A_134] : memref<1x96xf32, #tpu.memory_space<vmem>>, vector<1x96xf32>
    %add3A_136 = vector.broadcast %get3A_135 : vector<1x96xf32> to vector<2048x96xf32>
    %add3A_137 = arith.addf %dot_general3A_132, %add3A_136 : vector<2048x96xf32>
    %max3A_138 = arith.constant 0.000000e+00 : f32
    %max3A_139 = vector.broadcast %max3A_138 : f32 to vector<2048x96xf32>
    %max3A_140 = arith.maximumf %add3A_137, %max3A_139 : vector<2048x96xf32>
    %get3A_141 = arith.constant 0 : index
    %get3A_142 = arith.constant 0 : index
    %get3A_143 = vector.load %arg18[%get3A_141, %get3A_142] : memref<96x96xf32, #tpu.memory_space<vmem>>, vector<96x96xf32>
    %dot_general3A_144 = arith.constant dense<0.000000e+00> : vector<2048x96xf32>
    %dot_general3A_145 = tpu.matmul %max3A_140, %get3A_143, %dot_general3A_144 {dimension_numbers = #tpu.dot_dimension_numbers<[1], [0], [0], [1], [0, 0, 1, 1], [], []>, transpose_lhs_hint = false} : vector<2048x96xf32>, vector<96x96xf32>, vector<2048x96xf32> -> vector<2048x96xf32>
    %get3A_146 = arith.constant 0 : index
    %get3A_147 = arith.constant 0 : index
    %get3A_148 = vector.load %arg19[%get3A_146, %get3A_147] : memref<1x96xf32, #tpu.memory_space<vmem>>, vector<1x96xf32>
    %add3A_149 = vector.broadcast %get3A_148 : vector<1x96xf32> to vector<2048x96xf32>
    %add3A_150 = arith.addf %dot_general3A_145, %add3A_149 : vector<2048x96xf32>
    %max3A_151 = arith.constant 0.000000e+00 : f32
    %max3A_152 = vector.broadcast %max3A_151 : f32 to vector<2048x96xf32>
    %max3A_153 = arith.maximumf %add3A_150, %max3A_152 : vector<2048x96xf32>
    %add3A_154 = arith.addf %max3A_140, %max3A_153 : vector<2048x96xf32>
    %get3A_155 = arith.constant 0 : index
    %get3A_156 = arith.constant 0 : index
    %get3A_157 = vector.load %arg20[%get3A_155, %get3A_156] : memref<96x1xf32, #tpu.memory_space<vmem>>, vector<96x1xf32>
    %dot_general3A_158 = arith.constant dense<0.000000e+00> : vector<2048x1xf32>
    %dot_general3A_159 = tpu.matmul %add3A_154, %get3A_157, %dot_general3A_158 {dimension_numbers = #tpu.dot_dimension_numbers<[1], [0], [0], [1], [0, 0, 1, 1], [], []>, transpose_lhs_hint = false} : vector<2048x96xf32>, vector<96x1xf32>, vector<2048x1xf32> -> vector<2048x1xf32>
    %get3A_160 = arith.constant 0 : index
    %get3A_161 = arith.constant 0 : index
    %get3A_162 = vector.load %arg21[%get3A_160, %get3A_161] : memref<1x1xf32, #tpu.memory_space<vmem>>, vector<1x1xf32>
    %add3A_163 = vector.broadcast %get3A_162 : vector<1x1xf32> to vector<2048x1xf32>
    %add3A_164 = arith.addf %dot_general3A_159, %add3A_163 : vector<2048x1xf32>
    %logistic3A_165 = arith.negf %add3A_164 : vector<2048x1xf32>
    %logistic3A_166 = math.exp %logistic3A_165 : vector<2048x1xf32>
    %logistic3A_167 = arith.constant 1.000000e+00 : f32
    %logistic3A_168 = vector.broadcast %logistic3A_167 : f32 to vector<2048x1xf32>
    %logistic3A_169 = arith.addf %logistic3A_168, %logistic3A_166 : vector<2048x1xf32>
    %logistic3A_170 = arith.divf %logistic3A_168, %logistic3A_169 : vector<2048x1xf32>
    %swap3A = arith.constant 0 : index
    %swap3A_171 = arith.constant 0 : index
    %swap3A_172 = vector.load %arg22[%swap3A, %swap3A_171] : memref<2048x65xf32, #tpu.memory_space<vmem>>, vector<2048x64xf32>
    tpu.vector_store %arg22[%swap3A, %swap3A_171], %select_n3A {strides = array<i32>} : memref<2048x65xf32, #tpu.memory_space<vmem>>, vector<2048x64xf32>,
    %swap3A_173 = arith.constant 0 : index
    %swap3A_174 = arith.constant 64 : index
    %swap3A_175 = vector.load %arg22[%swap3A_173, %swap3A_174] : memref<2048x65xf32, #tpu.memory_space<vmem>>, vector<2048x1xf32>
    tpu.vector_store %arg22[%swap3A_173, %swap3A_174], %logistic3A_170 {strides = array<i32>} : memref<2048x65xf32, #tpu.memory_space<vmem>>, vector<2048x1xf32>,
    return
  }
  func.func @transform_0(%arg0: i32) -> (i32, i32) {
    %c0_i32 = arith.constant 0 : i32
    %c0_i32_0 = arith.constant 0 : i32
    return %arg0, %c0_i32 : i32, i32
  }
  func.func @transform_1(%arg0: i32) -> (i32, i32) {
    %c0_i32 = arith.constant 0 : i32
    %c0_i32_0 = arith.constant 0 : i32
    return %arg0, %c0_i32 : i32, i32
  }
  func.func @transform_2(%arg0: i32) -> (i32, i32) {
    %c0_i32 = arith.constant 0 : i32
    %c0_i32_0 = arith.constant 0 : i32
    return %arg0, %c0_i32 : i32, i32
  }
  func.func @transform_3(%arg0: i32) -> (i32, i32) {
    %c0_i32 = arith.constant 0 : i32
    %c0_i32_0 = arith.constant 0 : i32
    return %arg0, %c0_i32 : i32, i32
  }
  func.func @transform_4(%arg0: i32) -> (i32, i32) {
    %c0_i32 = arith.constant 0 : i32
    %c0_i32_0 = arith.constant 0 : i32
    %c0_i32_1 = arith.constant 0 : i32
    return %c0_i32, %c0_i32_0 : i32, i32
  }
  func.func @transform_5(%arg0: i32) -> (i32, i32) {
    %c0_i32 = arith.constant 0 : i32
    %c0_i32_0 = arith.constant 0 : i32
    %c0_i32_1 = arith.constant 0 : i32
    return %c0_i32, %c0_i32_0 : i32, i32
  }
  func.func @transform_6(%arg0: i32) -> (i32, i32) {
    %c0_i32 = arith.constant 0 : i32
    %c0_i32_0 = arith.constant 0 : i32
    %c0_i32_1 = arith.constant 0 : i32
    return %c0_i32, %c0_i32_0 : i32, i32
  }
  func.func @transform_7(%arg0: i32) -> (i32, i32) {
    %c0_i32 = arith.constant 0 : i32
    %c0_i32_0 = arith.constant 0 : i32
    %c0_i32_1 = arith.constant 0 : i32
    return %c0_i32, %c0_i32_0 : i32, i32
  }
  func.func @transform_8(%arg0: i32) -> (i32, i32) {
    %c0_i32 = arith.constant 0 : i32
    %c0_i32_0 = arith.constant 0 : i32
    %c0_i32_1 = arith.constant 0 : i32
    return %c0_i32, %c0_i32_0 : i32, i32
  }
  func.func @transform_9(%arg0: i32) -> (i32, i32) {
    %c0_i32 = arith.constant 0 : i32
    %c0_i32_0 = arith.constant 0 : i32
    %c0_i32_1 = arith.constant 0 : i32
    return %c0_i32, %c0_i32_0 : i32, i32
  }
  func.func @transform_10(%arg0: i32) -> (i32, i32) {
    %c0_i32 = arith.constant 0 : i32
    %c0_i32_0 = arith.constant 0 : i32
    %c0_i32_1 = arith.constant 0 : i32
    return %c0_i32, %c0_i32_0 : i32, i32
  }
  func.func @transform_11(%arg0: i32) -> (i32, i32) {
    %c0_i32 = arith.constant 0 : i32
    %c0_i32_0 = arith.constant 0 : i32
    %c0_i32_1 = arith.constant 0 : i32
    return %c0_i32, %c0_i32_0 : i32, i32
  }
  func.func @transform_12(%arg0: i32) -> (i32, i32) {
    %c0_i32 = arith.constant 0 : i32
    %c0_i32_0 = arith.constant 0 : i32
    %c0_i32_1 = arith.constant 0 : i32
    return %c0_i32, %c0_i32_0 : i32, i32
  }
  func.func @transform_13(%arg0: i32) -> (i32, i32) {
    %c0_i32 = arith.constant 0 : i32
    %c0_i32_0 = arith.constant 0 : i32
    %c0_i32_1 = arith.constant 0 : i32
    return %c0_i32, %c0_i32_0 : i32, i32
  }
  func.func @transform_14(%arg0: i32) -> (i32, i32) {
    %c0_i32 = arith.constant 0 : i32
    %c0_i32_0 = arith.constant 0 : i32
    %c0_i32_1 = arith.constant 0 : i32
    return %c0_i32, %c0_i32_0 : i32, i32
  }
  func.func @transform_15(%arg0: i32) -> (i32, i32) {
    %c0_i32 = arith.constant 0 : i32
    %c0_i32_0 = arith.constant 0 : i32
    %c0_i32_1 = arith.constant 0 : i32
    return %c0_i32, %c0_i32_0 : i32, i32
  }
  func.func @transform_16(%arg0: i32) -> (i32, i32) {
    %c0_i32 = arith.constant 0 : i32
    %c0_i32_0 = arith.constant 0 : i32
    %c0_i32_1 = arith.constant 0 : i32
    return %c0_i32, %c0_i32_0 : i32, i32
  }
  func.func @transform_17(%arg0: i32) -> (i32, i32) {
    %c0_i32 = arith.constant 0 : i32
    %c0_i32_0 = arith.constant 0 : i32
    %c0_i32_1 = arith.constant 0 : i32
    return %c0_i32, %c0_i32_0 : i32, i32
  }
  func.func @transform_18(%arg0: i32) -> (i32, i32) {
    %c0_i32 = arith.constant 0 : i32
    %c0_i32_0 = arith.constant 0 : i32
    %c0_i32_1 = arith.constant 0 : i32
    return %c0_i32, %c0_i32_0 : i32, i32
  }
  func.func @transform_19(%arg0: i32) -> (i32, i32) {
    %c0_i32 = arith.constant 0 : i32
    %c0_i32_0 = arith.constant 0 : i32
    %c0_i32_1 = arith.constant 0 : i32
    return %c0_i32, %c0_i32_0 : i32, i32
  }
  func.func @transform_20(%arg0: i32) -> (i32, i32) {
    %c0_i32 = arith.constant 0 : i32
    %c0_i32_0 = arith.constant 0 : i32
    %c0_i32_1 = arith.constant 0 : i32
    return %c0_i32, %c0_i32_0 : i32, i32
  }
  func.func @transform_21(%arg0: i32) -> (i32, i32) {
    %c0_i32 = arith.constant 0 : i32
    %c0_i32_0 = arith.constant 0 : i32
    return %arg0, %c0_i32 : i32, i32
  }
}

</mosaic_0001>

<sc_bundles>
// kernel: gather_offload_async_start
scs
__scs_entry_jumppad:
0x0: {  	(pc) =	sbr.rel $0x88, $3  }
0x1: {  	(tag) =	ssettag $0x0;
	lr =	simm.s32 $0x1  }
0x2: {  	[smem:$0x3F89] =	sst lr;
	_ =	strace $0xD0000000  }
0x3: {  	_ = 	snop  }
0x4: {  	_ = 	snop  }
0x5: {  	_ = 	snop  }
0x6: {  	_ = 	snop  }
0x7: {  	_ = 	snop  }
__scs_overlays_trampoline_lowered:
0x8: {  	[smem:$0x3F98] =	sst s0  }
0x9: {  	[smem:$0x3F99] =	sst s1  }
0xa: {  	[smem:$0x3F9A] =	sst s2  }
0xb: {  	[smem:$0x3F9B] =	sst s3  }
0xc: {  	[smem:$0x3F9C] =	sst s4  }
0xd: {  	[smem:$0x3F9D] =	sst s5  }
0xe: {  	[smem:$0x3F9E] =	sst s6  }
0xf: {  	[smem:$0x3F9F] =	sst s7  }
0x10: {  	[smem:$0x3FA0] =	sst s8  }
0x11: {  	[smem:$0x3FA1] =	sst s9;
	s0 =	simm.s32 @!p0 $0x0  }
0x12: {  	s1 =	sld [smem:$0x3F87];
	s0 =	simm.s32 @p0 $0x1  }
0x13: {  	[smem:$0x3FA2] =	sst s0;
	s0 =	simm.s32 @!p1 $0x0  }
0x14: {  	s2 =	sld [smem:$0x3F86];
	s0 =	simm.s32 @p1 $0x1  }
0x15: {  	[smem:$0x3FA3] =	sst s0;
	s0 =	simm.s32 @!p2 $0x0  }
0x16: {  	s3 =	sld [smem:$0x3FDB];
	s0 =	simm.s32 @p2 $0x1  }
0x17: {  	s4 =	simm.s32 $0x1BF5;
	[smem:$0x3FA5] =	sst s0  }
0x18: {  	s0 =	sld [smem:$0x3F88];
	_ =	swait.ge [sflag:s4], $0x0  }
0x19: {  	s7 =	sld [smem:$0x3F89]  }
0x1a: {  	s8 =	sadd.s32 $0xFFFFE003, lr  }
0x1b: {  	s9 =	sadd.s32 $0xFFFFFEF7, lr;
	s5 =	simm.s32 $0xFFFFFFFF;
	p2 =	slt.u32 s8, $0xFFFFF086  }
0x1c: {  	p1 =	slt.u32 s9, $0xF7A;
	s5 =	simm.s32 @!p2 $0x0  }
0x1d: {  	s5 =	simm.s32 @p1 $0x1;
	p0 =	seq.s32 s7, s2  }
0x1e: {  	s7 =	smul.u32 @!p0 $0xF7A, s2;
	p2 =	seq.s32 @!p0 s5, $0x0  }
0x1f: {  	s9 =	smul.u32 $0xF7A, s1;
	s8 =	simm.s32 @!p0 $0x1BF5;
	p2 =	por !p2, p0  }
0x20: {  	[sflag:s8] =	ssyncset.s32 @!p0 $0xFFFFF086;
	s6 =	sadd.s32 @!p0 s3, s7;
	s7 =	simm.s32 @!p0 $0x108  }
0x21: {  	s3 =	sadd.s32 s3, s9;
	s6 =	sadd.s32 @!p0 $0x88, s6;
	s7 =	simm.s32 @p2 $0x1082  }
0x22: {  	[simem:s7], [sflag:s8] =	dma.local @!p0 [hbm:s6], $0xF7A  }
0x23: {  	s9 =	sor.u32 $0xD0000000, s2;
	s6 =	simm.s32 $0x108;
	_ =	swait.ge @!p0 [sflag:s8], $0x0  }
0x24: {  	s3 =	sadd.s32 $0x88, s3;
	s6 =	simm.s32 @!p1 $0x1082;
	[sflag:s4] =	ssyncset.s32 $0xFFFFF086  }
0x25: {  	[simem:s6], [sflag:s4] =	dma.local [hbm:s3], $0xF7A  }
0x26: {  	[smem:$0x3F89] =	sst s1;
	(tag) =	ssettag s2;
	_ =	strace s9  }
0x27: {  	s1 =	sld [smem:$0x3F99]  }
0x28: {  	s2 =	sld [smem:$0x3F9A]  }
0x29: {  	s4 =	sld [smem:$0x3F9C]  }
0x2a: {  	p0 =	seq.s32 s5, $0x0;
	s5 =	sld [smem:$0x3F9D]  }
0x2b: {  	s6 =	sld [smem:$0x3F9E]  }
0x2c: {  	s7 =	sld [smem:$0x3F9F]  }
0x2d: {  	s3 =	simm.s32 $0x108;
	s8 =	sld [smem:$0x3FA0]  }
0x2e: {  	s3 =	simm.s32 @!p0 $0x1082;
	s9 =	sld [smem:$0x3FA1]  }
0x2f: {  	lr =	sadd.s32 s0, s3;
	s0 =	sld [smem:$0x3F98]  }
0x30: {  	s3 =	sld [smem:$0x3F9B]  }
0x31: {  	[smem:$0x3FA4] =	sst s10  }
0x32: {  	s10 =	sld [smem:$0x3FA2];
	_ =	sdelay $0x3  }
0x33: {  	p0 =	seq.s32 s10, $0x1;
	s10 =	sld [smem:$0x3FA4];
	_ =	sdelay $0x3  }
0x34: {  	[smem:$0x3FA4] =	sst s10  }
0x35: {  	s10 =	sld [smem:$0x3FA3];
	_ =	sdelay $0x3  }
0x36: {  	p1 =	seq.s32 s10, $0x1;
	s10 =	sld [smem:$0x3FA4];
	_ =	sdelay $0x3  }
0x37: {  	[smem:$0x3FA4] =	sst s10  }
0x38: {  	s10 =	sld [smem:$0x3FA5]  }
0x39: {  	_ = 	snop;
	(pc) =	sbr.ind lr, $3  }
0x3a: {  	_ = 	snop  }
0x3b: {  	_ = 	snop  }
0x3c: {  	p2 =	seq.s32 s10, $0x1;
	s10 =	sld [smem:$0x3FA4]  }
0x3d: {  	_ =	shalt  }
0x3e: {  	_ =	shalt  }
0x3f: {  	_ =	shalt  }
0x40: {  	_ =	shalt  }
0x41: {  	_ =	shalt  }
0x42: {  	_ =	shalt  }
0x43: {  	_ =	shalt  }
0x44: {  	_ =	shalt  }
0x45: {  	_ =	shalt  }
0x46: {  	_ =	shalt  }
0x47: {  	_ =	shalt  }
0x48: {  	_ =	shalt  }
0x49: {  	_ =	shalt  }
0x4a: {  	_ =	shalt  }
0x4b: {  	_ =	shalt  }
0x4c: {  	_ =	shalt  }
0x4d: {  	_ =	shalt  }
0x4e: {  	_ =	shalt  }
0x4f: {  	_ =	shalt  }
0x50: {  	_ =	shalt  }
0x51: {  	_ =	shalt  }
0x52: {  	_ =	shalt  }
0x53: {  	_ =	shalt  }
0x54: {  	_ =	shalt  }
0x55: {  	_ =	shalt  }
0x56: {  	_ =	shalt  }
0x57: {  	_ =	shalt  }
0x58: {  	_ =	shalt  }
0x59: {  	_ =	shalt  }
0x5a: {  	_ =	shalt  }
0x5b: {  	_ =	shalt  }
0x5c: {  	_ =	shalt  }
0x5d: {  	_ =	shalt  }
0x5e: {  	_ =	shalt  }
0x5f: {  	_ =	shalt  }
0x60: {  	_ =	shalt  }
0x61: {  	_ =	shalt  }
0x62: {  	_ =	shalt  }
0x63: {  	_ =	shalt  }
0x64: {  	_ =	shalt  }
0x65: {  	_ =	shalt  }
0x66: {  	_ =	shalt  }
0x67: {  	_ =	shalt  }
0x68: {  	_ =	shalt  }
0x69: {  	_ =	shalt  }
0x6a: {  	_ =	shalt  }
0x6b: {  	_ =	shalt  }
0x6c: {  	_ =	shalt  }
0x6d: {  	_ =	shalt  }
0x6e: {  	_ =	shalt  }
0x6f: {  	_ =	shalt  }
0x70: {  	_ =	shalt  }
0x71: {  	_ =	shalt  }
0x72: {  	_ =	shalt  }
0x73: {  	_ =	shalt  }
0x74: {  	_ =	shalt  }
0x75: {  	_ =	shalt  }
0x76: {  	_ =	shalt  }
0x77: {  	_ =	shalt  }
0x78: {  	_ =	shalt  }
0x79: {  	_ =	shalt  }
0x7a: {  	_ =	shalt  }
0x7b: {  	_ =	shalt  }
0x7c: {  	_ =	shalt  }
0x7d: {  	_ =	shalt  }
0x7e: {  	_ =	shalt  }
0x7f: {  	_ =	shalt  }
0x80: {  	_ =	shalt  }
0x81: {  	_ =	shalt  }
0x82: {  	_ =	shalt  }
0x83: {  	_ =	shalt  }
0x84: {  	_ =	shalt  }
0x85: {  	_ =	shalt  }
0x86: {  	_ =	shalt  }
0x87: {  	_ =	shalt  }
.Lfunc_end0:
.L_simem_size_0:
called_computation.1_lowered:
.L_overlay_start_0:
0x88: {  	s2 =	sld [smem:$0x3FD9]  }
0x89: {  	s3 =	sld [smem:$0x3FFE];
	_ =	sdelay $0x1  }
0x8a: {  	s1 =	srdreg.scid  }
0x8b: {  	s0 =	sand.u32 $0x1, s1  }
0x8c: {  	s16 =	sshll.u32 s0, $0xA;
	s2 =	sadd.s32 s3, s2  }
0x8d: {  	s2 =	sadd.s32 s2, s16  }
0x8e: {  	[smem:$0x3FB0] =	sst s2  }
0x8f: {  	_ = 	snop  }
0x90: {  	(tm) =	ssettm $0x1  }
0x91: {  	s17 =	sld [smem:$0x3FFB];
	_ =	sdelay $0x3  }
0x92: {  	_ =	strace s17  }
0x93: {  	s2 =	sld [smem:$0x3FFC];
	_ =	sdelay $0x3  }
0x94: {  	_ =	strace s2  }
0x95: {  	s2 =	sld [smem:$0x3FFD];
	_ =	sdelay $0x3  }
0x96: {  	_ =	strace s2  }
0x97: {  	_ =	strace $0x8FFFFFFF  }
0x98: {  	s18 =	sld [smem:$0x3FDB];
	_ =	sdelay $0x1  }
0x99: {  	s19 =	simm.s32 $_scs_section_size  }
0x9a: {  	s4 =	simm.s32 $_size__tile_overlayer_lowered;
	s5 =	simm.s32 $_tile_overlayer_lowered  }
0x9b: {  	s22 =	simm.s32 $0x1BFF;
	s21 =	sshll.u32 s5, $0x1;
	s2 =	sadd.s32 s19, s18  }
0x9c: {  	s6 =	simm.s32 $0x0;
	s20 =	sshll.u32 s4, $0x1;
	s4 =	sadd.s32 s21, s2  }
0x9d: {  	[timem:s6], [sflag:s22] =	dma.local [hbm:s4], s20  }
0x9e: {  	_ =	swait.ge [sflag:s22], s20  }
0x9f: {  	s3 =	ssub.s32 $0x0, s20;
	[sflag:s22] =	ssyncset.done $0x0  }
0xa0: {  	[sflag:s22] =	ssyncadd.s32 s3;
	_ =	sdelay $0x1  }
0xa1: {  	s23 =	simm.s32 $0x1B8B  }
0xa2: {  	_ =	swait.ge [sflag:s23], $0x1  }
0xa3: {  	[sflag:s23] =	ssyncset.done $0x0  }
0xa4: {  	s25 =	simm.s32 $0x1B8E;
	s24 =	sld [smem:$0x3FFE];
	[sflag:s23] =	ssyncadd.s32 $0xFFFFFFFF  }
0xa5: {  	s26 =	simm.s32 $execute0_lowered;
	[smem:$0x3FD2] =	sst s25  }
0xa6: {  	s4 =	sshll.u32 s26, $0x1;
	_ =	strace $0x80000046;
	[dreg:$0x1] =	wrdreg $0xFFFFFFFF  }
0xa7: {  	s28 =	simm.s32 $_size_execute0_lowered;
	s2 =	sadd.s32 s2, s4;
	[dreg:$0x0] =	wrdreg $0x0  }
0xa8: {  	s4 =	sshll.u32 s28, $0x1;
	[dreg:$0x2] =	wrdreg s2  }
0xa9: {  	[dreg:$0x3] =	wrdreg s4  }
0xaa: {  	[dreg:$0x4] =	wrdreg $0xC0  }
0xab: {  	_ =	task [dreg:s6], $0x5FFFF  }
0xac: {  	[dreg:$0x1] =	wrdreg $0xFFFFFFFF  }
0xad: {  	[dreg:$0x0] =	wrdreg $0x60  }
0xae: {  	[dreg:$0x2] =	wrdreg s24  }
0xaf: {  	[dreg:$0x3] =	wrdreg $0x9  }
0xb0: {  	_ =	task.clear_ibuf [dreg:s6], $0x4FFFF;
	_ =	strace $0x90000046  }
0xb1: {  	s29 =	simm.s32 $0x9;
	_ =	strace $0x80000048  }
0xb2: {  	_ =	swait.ge [sflag:s29], $0x1  }
0xb3: {  	[sflag:s29] =	ssyncadd.s32 $0xFFFFFFFF  }
0xb4: {  	_ =	strace $0x90000048  }
0xb5: {  	_ =	sfence  }
0xb6: {  	s30 =	sld [smem:$0x0];
	_ =	sdelay $0x2  }
0xb7: {  	s31 =	sshll.u32 s1, $0xD;
	s1 =	sshrl.u32 s1, $0x2  }
0xb8: {  	s3 =	sand.u32 $0x4000, s31;
	s1 =	sadd.s32 s1, s30  }
0xb9: {  	s0 =	sor.u32 s3, s0;
	s1 =	sshll.u32 s1, $0x11  }
0xba: {  	s0 =	sor.u32 s1, s0  }
0xbb: {  	s0 =	sadd.s32 $0x8F2B, s0  }
0xbc: {  	[sflag:s0] =	ssyncadd.remote.s32 $0x1  }
0xbd: {  	_ =	sfence.sel $0xFFFF  }
0xbe: {  	[dreg:$0x0] =	wrdreg $0xFFFFFFFF;
	(pc) =	sbr.abs _section_cstart, $3  }
0xbf: {  	[dreg:$0x1] =	wrdreg $0xFFFFFFFF  }
0xc0: {  	_ =	task.clear_ibuf [dreg:s6], $0x2FFFF;
	_ =	strace $0x9FFFFFFF  }
0xc1: {  	(tm) =	ssettm $0x7FFFFFFF  }
tec
execute0_lowered:
.L_overlay_start_1:
0x0: {  	(tag) =	ssettag $0x1  }
0x1: {  	s7 =	rddreg [dreg:$0x0]  }
0x2: {  	s0 =	rddreg [dreg:$0x1];
	_ =	strace $0x80000047  }
0x3: {  	s1 =	srdreg.scid;
	s4 =	simm.s32 $0x1;
	s9 =	simm.s32 $0x3  }
0x4: {  	s11 =	simm.s32 $0x0;
	p0 =	por $0x0, $0x0;
	s5 =	sshll.u32 s1, $0x4  }
.Ltmp0:
0x5: {  	s1 =	stileid.u32;
	s5 =	sand.u32 $0x10, s5;
	(pc) =	sbr.rel .LBB2_1-.Ltmp0, $4  }
0x6: {  	s2 =	sadd.s32 $0x2E00, s7;
	s3 =	sadd.s32 $0x402E00, s7;
	s6 =	sor.u32 s1, s5  }
0x7: {  	[sflag:s4] =	ssyncpa.u1 $0x0;
	s5 =	simm.s32 $0x2;
	s6 =	sshll.u32 s6, $0xC  }
0x8: {  	s7 =	sadd.s32 $0x406E00, s7;
	[sflag:s5] =	ssyncpa.u1 $0x0;
	s8 =	sadd.s32 $0x1000, s6  }
0x9: {  	vm0 =	vmmov $0xff;
	vm1 =	vcmask $0x3F20;
	[sflag:s9] =	ssyncpa.u1 $0x0;
	s10 =	smov.u32 s6;
	s9 =	simm.s32 $0x0  }
.LBB2_7:
0xa: {  	p1 =	slt.u32 s9, $0x2;
	s11 =	sadd.s32 $0x100, s10  }
0xb: {  	s13 =	smov.u32 s6;
	s9 =	sadd.s32 $0x1, s9;
	p2 =	slt.s32 s11, s8  }
0xc: {  	s13 =	smov.u32 @p2 s11;
	p2 =	sne.s32 s9, $0x12  }
.Ltmp1:
0xd: {  	_ = 	snop;
	(pc) =	sbr.rel @!p2 .LBB2_8-.Ltmp1, $4  }
0xe: {  	s12 =	simm.s32 @!p1 $0x3  }
0xf: {  	_ =	swait.ge @!p1 [sflag:s12], $0x8000  }
0x10: {  	p0 =	por !p0, !p0;
	[sflag:s12] =	ssyncset.done @!p1 $0x0  }
0x11: {  	s11 =	smov.u32 s10;
	s10 =	smov.u32 s13;
	[sflag:s12] =	ssyncadd.s32 @!p1 $0xFFFF8000  }
.LBB2_1:
0x12: {  	p1 =	sgt.u32 s9, $0xF  }
0x13: {  	s12 =	sxor.u32 @!p1 $0xFFFFFFFF, s9  }
0x14: {  	s13 =	sshrl.u32 @!p1 s10, $0x3;
	s12 =	sshll.u32 @!p1 s12, $0x8  }
0x15: {  	s14 =	sand.u32 @!p1 $0x7, s10;
	s13 =	sadd.s32 @!p1 s3, s13;
	s12 =	sand.u32 @!p1 $0x100, s12  }
0x16: {  	[tilespmem:s12], [sflag:$0x2] =	stream.linear.gather @!p1 [hbm4b:s13+s14], $0x100, $0x38;
	[tilespmem:$0x10200] =	vst v63  }
0x17: {  	p1 =	seq.s32 s9, $0x0  }
0x18: {  	p2 =	seq.s32 @!p1 s9, $0x11  }
0x19: {  	p1 =	por p1, p2  }
.Ltmp2:
0x1a: {  	_ = 	snop;
	(pc) =	sbr.rel @p1 .LBB2_7-.Ltmp2, $1  }
0x1b: {  	_ =	sdelay $0x3  }
0x1c: {  	s12 =	simm.s32 $0x1  }
0x1d: {  	_ =	swait.ge [sflag:s5], $0x100;
	s12 =	simm.s32 @!p0 $0x0  }
0x1e: {  	[sflag:s5] =	ssyncset.done $0x0;
	s14 =	sshll.u32 s12, $0x8  }
0x1f: {  	[sflag:s5] =	ssyncadd.s32 $0xFFFFFF00;
	s13 =	sadd.s32 $0x0, s14  }
0x20: {  	v0 =	vld.msk [tilespmem:s13+$0x0 ss:$0x1], $0xffff;
	_ =	sdelay $0x4  }
0x21: {  	vm2 =	vgt.s32 v0, $0x0  }
0x22: {  	v0 =	vnsel vm2, $0x0, v0  }
0x23: {  	v0 =	vmin.u32 v0, $0x3FFFF  }
0x24: {  	v0 =	vshll.u32 v0, $0x4;
	_ =	sdelay $0x2  }
0x25: {  	s12 =	sshll.u32 s12, $0xF  }
0x26: {  	s12 =	sor.u32 $0x200, s12  }
0x27: {  	[tilespmem:s12], [sflag:$0x1] =	stream.indirect_vreg.gather [hbm:s2], $0x80, v0, vm0, $0x38;
	[tilespmem:$0x10200] =	vst v63  }
0x28: {  	s15 =	sadd.s32 $0x10, s14;
	s13 =	sadd.s32 $0x400, s12  }
0x29: {  	[tilespmem:s13], [sflag:$0x1] =	stream.indirect_vreg.gather [hbm:s2], $0x80, v0, vm1, $0x38;
	[tilespmem:$0x10200] =	vst v63  }
0x2a: {  	s16 =	simm.s32 $0x80;
	v0 =	vld.msk [tilespmem:s15+$0x0 ss:$0x1], $0xffff;
	s15 =	smov.u32 s12  }
.LBB2_3:
0x2b: {  	p1 =	sne.s32 s16, $0x3C0;
	_ =	sdelay $0x4  }
0x2c: {  	vm2 =	vgt.s32 v0, $0x0  }
0x2d: {  	v0 =	vnsel vm2, $0x0, v0  }
0x2e: {  	v0 =	vmin.u32 v0, $0x3FFFF  }
0x2f: {  	v0 =	vshll.u32 v0, $0x4;
	_ =	sdelay $0x3  }
.Ltmp3:
0x30: {  	s17 =	sshra.s32 s16, $0x2;
	s15 =	sadd.s32 $0x800, s15;
	(pc) =	sbr.rel @p1 .LBB2_3-.Ltmp3, $4  }
0x31: {  	[tilespmem:s15], [sflag:$0x1] =	stream.indirect_vreg.gather [hbm:s2], $0x80, v0, vm0, $0x38;
	[tilespmem:$0x10200] =	vst v63  }
0x32: {  	s17 =	sadd.s32 s17, s14;
	s18 =	sadd.s32 $0x400, s15  }
0x33: {  	[tilespmem:s18], [sflag:$0x1] =	stream.indirect_vreg.gather [hbm:s2], $0x80, v0, vm1, $0x38;
	[tilespmem:$0x10200] =	vst v63  }
0x34: {  	s16 =	sadd.s32 $0x40, s16;
	v0 =	vld.msk [tilespmem:s17+$0x0 ss:$0x1], $0xffff  }
0x35: {  	_ =	sdelay $0x3  }
0x36: {  	vm2 =	vgt.s32 v0, $0x0  }
0x37: {  	v0 =	vnsel vm2, $0x0, v0  }
0x38: {  	v0 =	vmin.u32 v0, $0x3FFFF  }
0x39: {  	v0 =	vshll.u32 v0, $0x4;
	_ =	sdelay $0x3  }
0x3a: {  	s14 =	sadd.s32 $0x800, s15  }
0x3b: {  	[tilespmem:s14], [sflag:$0x1] =	stream.indirect_vreg.gather [hbm:s2], $0x80, v0, vm0, $0x38;
	[tilespmem:$0x10200] =	vst v63  }
0x3c: {  	s14 =	sadd.s32 $0x400, s14  }
0x3d: {  	[tilespmem:s14], [sflag:$0x1] =	stream.indirect_vreg.gather [hbm:s2], $0x80, v0, vm1, $0x38;
	[tilespmem:$0x10200] =	vst v63  }
0x3e: {  	s11 =	sshll.u32 s11, $0x4;
	_ =	swait.ge [sflag:s4], $0x8000  }
0x3f: {  	s11 =	sadd.s32 s11, s7;
	[sflag:s4] =	ssyncset.done $0x0  }
0x40: {  	s15 =	sadd.s32 $0x0, s11;
	s14 =	simm.s32 $0x80;
	[sflag:s4] =	ssyncadd.s32 $0xFFFF8000  }
.LBB2_5:
0x41: {  	[hbm:s15] =	stream.linear.scatter [tilespmem:s12], [sflag:$0x3], $0x400, $0x38;
	[tilespmem:$0x10200] =	vst v63  }
0x42: {  	s15 =	smov.u32 s14;
	s12 =	smov.u32 s13;
	p1 =	sne.s32 s14, $0xF80  }
.Ltmp4:
0x43: {  	s14 =	sadd.s32 $0x80, s14;
	(pc) =	sbr.rel @p1 .LBB2_5-.Ltmp4, $2  }
0x44: {  	_ =	sdelay $0x2  }
0x45: {  	s13 =	sadd.s32 $0x400, s13;
	s15 =	sadd.s32 s15, s11  }
.Ltmp5:
0x46: {  	(pc) =	sbr.rel .LBB2_7-.Ltmp5, $2  }
0x47: {  	_ =	sdelay $0x2  }
0x48: {  	[hbm:s15] =	stream.linear.scatter [tilespmem:s12], [sflag:$0x3], $0x400, $0x38;
	[tilespmem:$0x10200] =	vst v63  }
.LBB2_8:
0x49: {  	_ =	sfence.sel $0x180000  }
0x4a: {  	s2 =	simm.s32 $0x2;
	[bflag:$0x0] =	sbarrier.arrive $0xFFFF  }
0x4b: {  	s30 =	simm.s32 $0x3;
	[sflag:s2] =	ssyncpa.u1 $0x1  }
0x4c: {  	s31 =	simm.s32 $0x1;
	[sflag:s30] =	ssyncpa.u1 $0x1  }
0x4d: {  	[sflag:s31] =	ssyncpa.u1 $0x1  }
0x4e: {  	p0 =	sne.s32 s1, $0x0;
	_ =	strace $0x90000047  }
0x4f: {  	s0 =	sadd.s32 @!p0 $0x100000, s0;
	[bflag:$0x2] =	sbarrier.arrive $0xFFFF  }
0x50: {  	[sflag:s0] =	ssyncadd.tile.s32 @!p0 $0x1;
	_ =	shalt  }
.Lfunc_end2:
_tile_overlayer_lowered:
.L_overlay_start_2:
0x51: {  	(tag) =	ssettag $0x2  }
0x52: {  	s0 =	rddreg [dreg:$0x0];
	s2 =	stileid.u32  }
0x53: {  	s1 =	rddreg [dreg:$0x1];
	p0 =	sne.s32 s2, $0x0  }
0x54: {  	s3 =	rddreg [dreg:$0x2];
	[bflag:$0x3] =	sbarrier.arrive $0xFFFF;
	s2 =	simm.s32 @!p0 $0x1C01  }
0x55: {  	[timem:s3], [sflag:s2] =	dma.local @!p0 [hbm:s0], s1  }
0x56: {  	s0 =	simm.s32 @!p0 $0x1  }
0x57: {  	_ =	swait.ge @!p0 [sflag:s0], s1  }
0x58: {  	s1 =	ssub.s32 @!p0 $0x0, s1;
	[sflag:s0] =	ssyncset.done @!p0 $0x0  }
0x59: {  	[sflag:s0] =	ssyncadd.s32 @!p0 s1  }
0x5a: {  	[bflag:$0x3] =	sbarrier.arrive $0xFFFF  }
0x5b: {  	_ =	shalt  }

// kernel: kernel.5.cloned.1.call-start
scs
__scs_entry_jumppad:
0x0: {  	(pc) =	sbr.rel $0x88, $3  }
0x1: {  	(tag) =	ssettag $0x0;
	lr =	simm.s32 $0x1  }
0x2: {  	[smem:$0x3F89] =	sst lr;
	_ =	strace $0xD0000000  }
0x3: {  	_ = 	snop  }
0x4: {  	_ = 	snop  }
0x5: {  	_ = 	snop  }
0x6: {  	_ = 	snop  }
0x7: {  	_ = 	snop  }
__scs_overlays_trampoline_lowered:
0x8: {  	[smem:$0x3F98] =	sst s0  }
0x9: {  	[smem:$0x3F99] =	sst s1  }
0xa: {  	[smem:$0x3F9A] =	sst s2  }
0xb: {  	[smem:$0x3F9B] =	sst s3  }
0xc: {  	[smem:$0x3F9C] =	sst s4  }
0xd: {  	[smem:$0x3F9D] =	sst s5  }
0xe: {  	[smem:$0x3F9E] =	sst s6  }
0xf: {  	[smem:$0x3F9F] =	sst s7  }
0x10: {  	[smem:$0x3FA0] =	sst s8  }
0x11: {  	[smem:$0x3FA1] =	sst s9;
	s0 =	simm.s32 @!p0 $0x0  }
0x12: {  	s1 =	sld [smem:$0x3F87];
	s0 =	simm.s32 @p0 $0x1  }
0x13: {  	[smem:$0x3FA2] =	sst s0;
	s0 =	simm.s32 @!p1 $0x0  }
0x14: {  	s2 =	sld [smem:$0x3F86];
	s0 =	simm.s32 @p1 $0x1  }
0x15: {  	[smem:$0x3FA3] =	sst s0;
	s0 =	simm.s32 @!p2 $0x0  }
0x16: {  	s3 =	sld [smem:$0x3FDB];
	s0 =	simm.s32 @p2 $0x1  }
0x17: {  	s4 =	simm.s32 $0x1BF5;
	[smem:$0x3FA5] =	sst s0  }
0x18: {  	s0 =	sld [smem:$0x3F88];
	_ =	swait.ge [sflag:s4], $0x0  }
0x19: {  	s7 =	sld [smem:$0x3F89]  }
0x1a: {  	s8 =	sadd.s32 $0xFFFFE003, lr  }
0x1b: {  	s9 =	sadd.s32 $0xFFFFFEF7, lr;
	s5 =	simm.s32 $0xFFFFFFFF;
	p2 =	slt.u32 s8, $0xFFFFF086  }
0x1c: {  	p1 =	slt.u32 s9, $0xF7A;
	s5 =	simm.s32 @!p2 $0x0  }
0x1d: {  	s5 =	simm.s32 @p1 $0x1;
	p0 =	seq.s32 s7, s2  }
0x1e: {  	s7 =	smul.u32 @!p0 $0xF7A, s2;
	p2 =	seq.s32 @!p0 s5, $0x0  }
0x1f: {  	s9 =	smul.u32 $0xF7A, s1;
	s8 =	simm.s32 @!p0 $0x1BF5;
	p2 =	por !p2, p0  }
0x20: {  	[sflag:s8] =	ssyncset.s32 @!p0 $0xFFFFF086;
	s6 =	sadd.s32 @!p0 s3, s7;
	s7 =	simm.s32 @!p0 $0x108  }
0x21: {  	s3 =	sadd.s32 s3, s9;
	s6 =	sadd.s32 @!p0 $0x88, s6;
	s7 =	simm.s32 @p2 $0x1082  }
0x22: {  	[simem:s7], [sflag:s8] =	dma.local @!p0 [hbm:s6], $0xF7A  }
0x23: {  	s9 =	sor.u32 $0xD0000000, s2;
	s6 =	simm.s32 $0x108;
	_ =	swait.ge @!p0 [sflag:s8], $0x0  }
0x24: {  	s3 =	sadd.s32 $0x88, s3;
	s6 =	simm.s32 @!p1 $0x1082;
	[sflag:s4] =	ssyncset.s32 $0xFFFFF086  }
0x25: {  	[simem:s6], [sflag:s4] =	dma.local [hbm:s3], $0xF7A  }
0x26: {  	[smem:$0x3F89] =	sst s1;
	(tag) =	ssettag s2;
	_ =	strace s9  }
0x27: {  	s1 =	sld [smem:$0x3F99]  }
0x28: {  	s2 =	sld [smem:$0x3F9A]  }
0x29: {  	s4 =	sld [smem:$0x3F9C]  }
0x2a: {  	p0 =	seq.s32 s5, $0x0;
	s5 =	sld [smem:$0x3F9D]  }
0x2b: {  	s6 =	sld [smem:$0x3F9E]  }
0x2c: {  	s7 =	sld [smem:$0x3F9F]  }
0x2d: {  	s3 =	simm.s32 $0x108;
	s8 =	sld [smem:$0x3FA0]  }
0x2e: {  	s3 =	simm.s32 @!p0 $0x1082;
	s9 =	sld [smem:$0x3FA1]  }
0x2f: {  	lr =	sadd.s32 s0, s3;
	s0 =	sld [smem:$0x3F98]  }
0x30: {  	s3 =	sld [smem:$0x3F9B]  }
0x31: {  	[smem:$0x3FA4] =	sst s10  }
0x32: {  	s10 =	sld [smem:$0x3FA2];
	_ =	sdelay $0x3  }
0x33: {  	p0 =	seq.s32 s10, $0x1;
	s10 =	sld [smem:$0x3FA4];
	_ =	sdelay $0x3  }
0x34: {  	[smem:$0x3FA4] =	sst s10  }
0x35: {  	s10 =	sld [smem:$0x3FA3];
	_ =	sdelay $0x3  }
0x36: {  	p1 =	seq.s32 s10, $0x1;
	s10 =	sld [smem:$0x3FA4];
	_ =	sdelay $0x3  }
0x37: {  	[smem:$0x3FA4] =	sst s10  }
0x38: {  	s10 =	sld [smem:$0x3FA5]  }
0x39: {  	_ = 	snop;
	(pc) =	sbr.ind lr, $3  }
0x3a: {  	_ = 	snop  }
0x3b: {  	_ = 	snop  }
0x3c: {  	p2 =	seq.s32 s10, $0x1;
	s10 =	sld [smem:$0x3FA4]  }
0x3d: {  	_ =	shalt  }
0x3e: {  	_ =	shalt  }
0x3f: {  	_ =	shalt  }
0x40: {  	_ =	shalt  }
0x41: {  	_ =	shalt  }
0x42: {  	_ =	shalt  }
0x43: {  	_ =	shalt  }
0x44: {  	_ =	shalt  }
0x45: {  	_ =	shalt  }
0x46: {  	_ =	shalt  }
0x47: {  	_ =	shalt  }
0x48: {  	_ =	shalt  }
0x49: {  	_ =	shalt  }
0x4a: {  	_ =	shalt  }
0x4b: {  	_ =	shalt  }
0x4c: {  	_ =	shalt  }
0x4d: {  	_ =	shalt  }
0x4e: {  	_ =	shalt  }
0x4f: {  	_ =	shalt  }
0x50: {  	_ =	shalt  }
0x51: {  	_ =	shalt  }
0x52: {  	_ =	shalt  }
0x53: {  	_ =	shalt  }
0x54: {  	_ =	shalt  }
0x55: {  	_ =	shalt  }
0x56: {  	_ =	shalt  }
0x57: {  	_ =	shalt  }
0x58: {  	_ =	shalt  }
0x59: {  	_ =	shalt  }
0x5a: {  	_ =	shalt  }
0x5b: {  	_ =	shalt  }
0x5c: {  	_ =	shalt  }
0x5d: {  	_ =	shalt  }
0x5e: {  	_ =	shalt  }
0x5f: {  	_ =	shalt  }
0x60: {  	_ =	shalt  }
0x61: {  	_ =	shalt  }
0x62: {  	_ =	shalt  }
0x63: {  	_ =	shalt  }
0x64: {  	_ =	shalt  }
0x65: {  	_ =	shalt  }
0x66: {  	_ =	shalt  }
0x67: {  	_ =	shalt  }
0x68: {  	_ =	shalt  }
0x69: {  	_ =	shalt  }
0x6a: {  	_ =	shalt  }
0x6b: {  	_ =	shalt  }
0x6c: {  	_ =	shalt  }
0x6d: {  	_ =	shalt  }
0x6e: {  	_ =	shalt  }
0x6f: {  	_ =	shalt  }
0x70: {  	_ =	shalt  }
0x71: {  	_ =	shalt  }
0x72: {  	_ =	shalt  }
0x73: {  	_ =	shalt  }
0x74: {  	_ =	shalt  }
0x75: {  	_ =	shalt  }
0x76: {  	_ =	shalt  }
0x77: {  	_ =	shalt  }
0x78: {  	_ =	shalt  }
0x79: {  	_ =	shalt  }
0x7a: {  	_ =	shalt  }
0x7b: {  	_ =	shalt  }
0x7c: {  	_ =	shalt  }
0x7d: {  	_ =	shalt  }
0x7e: {  	_ =	shalt  }
0x7f: {  	_ =	shalt  }
0x80: {  	_ =	shalt  }
0x81: {  	_ =	shalt  }
0x82: {  	_ =	shalt  }
0x83: {  	_ =	shalt  }
0x84: {  	_ =	shalt  }
0x85: {  	_ =	shalt  }
0x86: {  	_ =	shalt  }
0x87: {  	_ =	shalt  }
.Lfunc_end0:
.L_simem_size_0:
called_computation.2_lowered:
.L_overlay_start_0:
0x88: {  	s2 =	sld [smem:$0x3FD9]  }
0x89: {  	s3 =	sld [smem:$0x3FFE];
	_ =	sdelay $0x1  }
0x8a: {  	s1 =	srdreg.scid  }
0x8b: {  	s0 =	sand.u32 $0x1, s1  }
0x8c: {  	s17 =	sshll.u32 s0, $0xA;
	s2 =	sadd.s32 s3, s2  }
0x8d: {  	s2 =	sadd.s32 s2, s17  }
0x8e: {  	[smem:$0x3FB0] =	sst s2  }
0x8f: {  	_ = 	snop  }
0x90: {  	s2 =	sld [smem:$0x3FC6];
	(tm) =	ssettm $0x1  }
0x91: {  	s18 =	sld [smem:$0x3FFB];
	_ =	sdelay $0x3  }
0x92: {  	_ =	strace s18  }
0x93: {  	s3 =	sld [smem:$0x3FFC];
	_ =	sdelay $0x3  }
0x94: {  	_ =	strace s3  }
0x95: {  	s3 =	sld [smem:$0x3FFD];
	_ =	sdelay $0x3  }
0x96: {  	_ =	strace s3  }
0x97: {  	_ =	strace $0x8FFFFFFF  }
0x98: {  	s19 =	sld [smem:$0x3FDB];
	_ =	sdelay $0x1  }
0x99: {  	s4 =	simm.s32 $_scs_section_size  }
0x9a: {  	s5 =	simm.s32 $_size__tile_overlayer_lowered;
	s6 =	simm.s32 $_tile_overlayer_lowered  }
0x9b: {  	s22 =	simm.s32 $0x1BFF;
	s21 =	sshll.u32 s6, $0x1;
	s3 =	sadd.s32 s4, s19  }
0x9c: {  	s7 =	simm.s32 $0x0;
	s20 =	sshll.u32 s5, $0x1;
	s5 =	sadd.s32 s21, s3  }
0x9d: {  	[timem:s7], [sflag:s22] =	dma.local [hbm:s5], s20  }
0x9e: {  	_ =	swait.ge [sflag:s22], s20  }
0x9f: {  	s4 =	ssub.s32 $0x0, s20;
	[sflag:s22] =	ssyncset.done $0x0  }
0xa0: {  	[sflag:s22] =	ssyncadd.s32 s4;
	_ =	sdelay $0x1  }
0xa1: {  	s23 =	simm.s32 $0x1B8B  }
0xa2: {  	_ =	swait.ge [sflag:s23], $0x1  }
0xa3: {  	[sflag:s23] =	ssyncset.done $0x0  }
0xa4: {  	s25 =	simm.s32 $0x1B8E;
	s24 =	sld [smem:$0x3FFE];
	[sflag:s23] =	ssyncadd.s32 $0xFFFFFFFF  }
0xa5: {  	s26 =	simm.s32 $execute0_lowered;
	[smem:$0x3FD2] =	sst s25  }
0xa6: {  	s5 =	sshll.u32 s26, $0x1;
	_ =	strace $0x80000049;
	[dreg:$0x1] =	wrdreg $0xFFFFFFFF  }
0xa7: {  	s28 =	simm.s32 $_size_execute0_lowered;
	s3 =	sadd.s32 s3, s5;
	[dreg:$0x0] =	wrdreg $0x0  }
0xa8: {  	s5 =	sshll.u32 s28, $0x1;
	[dreg:$0x2] =	wrdreg s3  }
0xa9: {  	[dreg:$0x3] =	wrdreg s5  }
0xaa: {  	[dreg:$0x4] =	wrdreg $0xC0  }
0xab: {  	_ =	task [dreg:s7], $0x5FFFF  }
0xac: {  	[dreg:$0x1] =	wrdreg $0xFFFFFFFF  }
0xad: {  	[dreg:$0x0] =	wrdreg $0x60  }
0xae: {  	[dreg:$0x2] =	wrdreg s2  }
0xaf: {  	[dreg:$0x3] =	wrdreg s24  }
0xb0: {  	[dreg:$0x4] =	wrdreg $0x18000  }
0xb1: {  	[dreg:$0x5] =	wrdreg $0x58000  }
0xb2: {  	[dreg:$0x6] =	wrdreg $0xA  }
0xb3: {  	_ =	task.clear_ibuf [dreg:s7], $0x7FFFF;
	_ =	strace $0x90000049  }
0xb4: {  	s29 =	simm.s32 $0xA;
	_ =	strace $0x8000004B  }
0xb5: {  	_ =	swait.ge [sflag:s29], $0x1  }
0xb6: {  	[sflag:s29] =	ssyncadd.s32 $0xFFFFFFFF  }
0xb7: {  	_ =	strace $0x9000004B  }
0xb8: {  	_ =	sfence  }
0xb9: {  	s30 =	sld [smem:$0x0];
	_ =	sdelay $0x2  }
0xba: {  	s31 =	sshll.u32 s1, $0xD;
	s1 =	sshrl.u32 s1, $0x2  }
0xbb: {  	s3 =	sand.u32 $0x4000, s31;
	s1 =	sadd.s32 s1, s30  }
0xbc: {  	s0 =	sor.u32 s3, s0;
	s1 =	sshll.u32 s1, $0x11  }
0xbd: {  	s0 =	sor.u32 s1, s0  }
0xbe: {  	s0 =	sadd.s32 $0x8F2B, s0  }
0xbf: {  	[sflag:s0] =	ssyncadd.remote.s32 $0x1  }
0xc0: {  	_ =	sfence.sel $0xFFFF  }
0xc1: {  	[dreg:$0x0] =	wrdreg $0xFFFFFFFF;
	(pc) =	sbr.abs _section_cstart, $3  }
0xc2: {  	[dreg:$0x1] =	wrdreg $0xFFFFFFFF  }
0xc3: {  	_ =	task.clear_ibuf [dreg:s7], $0x2FFFF;
	_ =	strace $0x9FFFFFFF  }
0xc4: {  	(tm) =	ssettm $0x7FFFFFFF  }
0xc5: {  	_ =	shalt  }
tec
execute0_lowered:
.L_overlay_start_1:
0x0: {  	(tag) =	ssettag $0x1  }
0x1: {  	s0 =	rddreg [dreg:$0x1]  }
0x2: {  	s2 =	rddreg [dreg:$0x2]  }
0x3: {  	s3 =	rddreg [dreg:$0x3]  }
0x4: {  	s4 =	simm.s32 $0x0;
	s1 =	srdreg.scid;
	s10 =	stileid.u32  }
0x5: {  	s15 =	simm.s32 $0x2;
	s18 =	simm.s32 $0x800;
	s19 =	simm.s32 $0x80  }
0x6: {  	s28 =	simm.s32 $0x200;
	s31 =	simm.s32 $0x280;
	s13 =	simm.s32 $0x380  }
0x7: {  	s16 =	simm.s32 $0x400;
	s12 =	simm.s32 $0x680;
	s29 =	simm.s32 $0x1  }
0x8: {  	s17 =	simm.s32 $0x1600;
	[smem:$0x7FF] =	sst s4;
	s6 =	sadd.s32 $0x603000, s0  }
0x9: {  	s1 =	sand.u32 $0x1, s1;
	s5 =	sadd.s32 $0x402E00, s0;
	s20 =	sshll.u32 s10, $0xC  }
0xa: {  	s8 =	sshll.u32 s10, $0xB;
	s23 =	sshll.u32 s10, $0xE;
	s9 =	sshll.u32 s10, $0x6  }
0xb: {  	s24 =	sshll.u32 s10, $0xA;
	_ =	strace $0x8000004A;
	[dreg:$0x5] =	wrdreg s5  }
0xc: {  	s7 =	sshll.u32 s1, $0x4;
	s21 =	ssub.s32 $0x2, s1;
	s8 =	sadd.s32 s8, s0  }
0xd: {  	s11 =	sadd.s32 s23, s2;
	s30 =	sor.u32 $0x1C02, s9;
	s1 =	sshll.u32 s1, $0x9  }
0xe: {  	s9 =	simm.s32 $0x700;
	s5 =	sor.u32 s7, s20;
	s22 =	sshrl.u32 s21, $0x1  }
0xf: {  	s8 =	sadd.s32 $0x403000, s8;
	s7 =	sadd.s32 s23, s3;
	s10 =	sor.u32 s1, s24  }
0x10: {  	s14 =	sshrl.u32 s11, $0x3;
	s24 =	simm.s32 $0x180;
	[dreg:$0x7] =	wrdreg s30  }
0x11: {  	s20 =	simm.s32 $0x480;
	s23 =	simm.s32 $0x500;
	[dreg:$0x6] =	wrdreg s8  }
0x12: {  	s0 =	sadd.s32 s5, s0;
	s11 =	sshrl.u32 s7, $0x3;
	[dreg:$0xb] =	wrdreg s14  }
0x13: {  	s1 =	simm.s32 $0x0;
	s25 =	sadd.s32 $0x40B000, s0;
	[dreg:$0xc] =	wrdreg s11  }
0x14: {  	s5 =	ssub.s32 s21, s22;
	s0 =	sadd.s32 $0x41B000, s0;
	[dreg:$0x8] =	wrdreg s25  }
0x15: {  	s7 =	simm.s32 $0x300;
	s26 =	smax.u32 s5, $0x1;
	[dreg:$0x9] =	wrdreg s0  }
0x16: {  	s22 =	simm.s32 $0x780;
	s21 =	simm.s32 $0x1780;
	[dreg:$0xa] =	wrdreg s26  }
0x17: {  	s26 =	simm.s32 $0x580;
	s0 =	simm.s32 $0x600;
	s25 =	simm.s32 $0x1680  }
.LBB2_1:
0x18: {  	[dreg:$0xd] =	wrdreg s1  }
0x19: {  	s5 =	rddreg [dreg:$0x6]  }
0x1a: {  	[spmem:s14], [sflag:s30] =	dma.local [hbm:s5], $0x800  }
0x1b: {  	_ =	swait.ge [sflag:s15], $0x800  }
0x1c: {  	[sflag:s15] =	ssyncset.done $0x0  }
0x1d: {  	[sflag:s15] =	ssyncadd.s32 $0xFFFFF800  }
0x1e: {  	[spmem:s11], [sflag:s30] =	dma.local [hbm:s5], $0x800  }
0x1f: {  	_ =	swait.ge [sflag:s15], $0x800  }
0x20: {  	[sflag:s15] =	ssyncset.done $0x0  }
0x21: {  	s14 =	simm.s32 $0x1000;
	s11 =	rddreg [dreg:$0x5];
	[sflag:s15] =	ssyncadd.s32 $0xFFFFF800  }
0x22: {  	[tilespmem:s14], [sflag:$0x2] =	stream.linear.gather [hbm4b:s11+s4], $0x800, $0x38;
	[tilespmem:$0x9800] =	vst v63  }
0x23: {  	_ =	swait.ge [sflag:s15], $0x800  }
0x24: {  	p0 =	por $0x1, $0x1;
	s8 =	simm.s32 $0xF00;
	[sflag:s15] =	ssyncset.done $0x0  }
0x25: {  	s1 =	simm.s32 $0xF80;
	s30 =	simm.s32 $0x0;
	[sflag:s15] =	ssyncadd.s32 $0xFFFFF800  }
0x26: {  	s11 =	simm.s32 $0xE80;
	s14 =	simm.s32 $0x1700;
	[bflag:$0x0] =	sbarrier.arrive $0xFFFF  }
.LBB2_2:
0x27: {  	s30 =	sor.u32 s10, s30;
	s5 =	rddreg [dreg:$0x0]  }
0x28: {  	s5 =	sadd.s32 s5, s30  }
0x29: {  	[tilespmem:s4], [sflag:$0x2] =	stream.linear.gather [hbm4b:s5+s4], $0x800, $0x38;
	[tilespmem:$0x9800] =	vst v63  }
0x2a: {  	_ =	swait.ge [sflag:s15], $0x800  }
0x2b: {  	[sflag:s15] =	ssyncset.done $0x0  }
0x2c: {  	s5 =	sadd.s32 s6, s30;
	[sflag:s15] =	ssyncadd.s32 $0xFFFFF800  }
0x2d: {  	[tilespmem:s18], [sflag:$0x2] =	stream.linear.gather [hbm4b:s5+s4], $0x800, $0x38;
	[tilespmem:$0x9800] =	vst v63  }
0x2e: {  	_ =	swait.ge [sflag:s15], $0x800  }
0x2f: {  	[sflag:s15] =	ssyncset.done $0x0  }
0x30: {  	[sflag:s15] =	ssyncadd.s32 $0xFFFFF800  }
0x31: {  	[spmem:s2] =	stream.indirect.scatter.add.f32 [tilespmem:s18], [sflag:$0x1], $0x1, s4, s19, $0xb8;
	[tilespmem:$0x9800] =	vst v63  }
0x32: {  	s5 =	simm.s32 $0x1000  }
0x33: {  	[spmem:s3] =	stream.indirect.scatter.add.f32 [tilespmem:s5], [sflag:$0x1], $0x1, s4, s19, $0xb8;
	[tilespmem:$0x9800] =	vst v63  }
0x34: {  	s5 =	simm.s32 $0x880  }
0x35: {  	[spmem:s2] =	stream.indirect.scatter.add.f32 [tilespmem:s5], [sflag:$0x1], $0x1, s19, s19, $0xb8;
	[tilespmem:$0x9800] =	vst v63  }
0x36: {  	s5 =	simm.s32 $0x1080  }
0x37: {  	[spmem:s3] =	stream.indirect.scatter.add.f32 [tilespmem:s5], [sflag:$0x1], $0x1, s19, s19, $0xb8;
	[tilespmem:$0x9800] =	vst v63  }
0x38: {  	s30 =	simm.s32 $0x100;
	s5 =	simm.s32 $0x900  }
0x39: {  	[spmem:s2] =	stream.indirect.scatter.add.f32 [tilespmem:s5], [sflag:$0x1], $0x1, s30, s19, $0xb8;
	[tilespmem:$0x9800] =	vst v63  }
0x3a: {  	s5 =	simm.s32 $0x1100  }
0x3b: {  	[spmem:s3] =	stream.indirect.scatter.add.f32 [tilespmem:s5], [sflag:$0x1], $0x1, s30, s19, $0xb8;
	[tilespmem:$0x9800] =	vst v63  }
0x3c: {  	s5 =	simm.s32 $0x980  }
0x3d: {  	[spmem:s2] =	stream.indirect.scatter.add.f32 [tilespmem:s5], [sflag:$0x1], $0x1, s24, s19, $0xb8;
	[tilespmem:$0x9800] =	vst v63  }
0x3e: {  	s5 =	simm.s32 $0x1180  }
0x3f: {  	[spmem:s3] =	stream.indirect.scatter.add.f32 [tilespmem:s5], [sflag:$0x1], $0x1, s24, s19, $0xb8;
	[tilespmem:$0x9800] =	vst v63  }
0x40: {  	s5 =	simm.s32 $0xA00  }
0x41: {  	[spmem:s2] =	stream.indirect.scatter.add.f32 [tilespmem:s5], [sflag:$0x1], $0x1, s28, s19, $0xb8;
	[tilespmem:$0x9800] =	vst v63  }
0x42: {  	s5 =	simm.s32 $0x1200  }
0x43: {  	[spmem:s3] =	stream.indirect.scatter.add.f32 [tilespmem:s5], [sflag:$0x1], $0x1, s28, s19, $0xb8;
	[tilespmem:$0x9800] =	vst v63  }
0x44: {  	s5 =	simm.s32 $0xA80  }
0x45: {  	[spmem:s2] =	stream.indirect.scatter.add.f32 [tilespmem:s5], [sflag:$0x1], $0x1, s31, s19, $0xb8;
	[tilespmem:$0x9800] =	vst v63  }
0x46: {  	s5 =	simm.s32 $0x1280  }
0x47: {  	[spmem:s3] =	stream.indirect.scatter.add.f32 [tilespmem:s5], [sflag:$0x1], $0x1, s31, s19, $0xb8;
	[tilespmem:$0x9800] =	vst v63  }
0x48: {  	s5 =	simm.s32 $0xB00  }
0x49: {  	[spmem:s2] =	stream.indirect.scatter.add.f32 [tilespmem:s5], [sflag:$0x1], $0x1, s7, s19, $0xb8;
	[tilespmem:$0x9800] =	vst v63  }
0x4a: {  	s5 =	simm.s32 $0x1300  }
0x4b: {  	[spmem:s3] =	stream.indirect.scatter.add.f32 [tilespmem:s5], [sflag:$0x1], $0x1, s7, s19, $0xb8;
	[tilespmem:$0x9800] =	vst v63  }
0x4c: {  	s5 =	simm.s32 $0xB80  }
0x4d: {  	[spmem:s2] =	stream.indirect.scatter.add.f32 [tilespmem:s5], [sflag:$0x1], $0x1, s13, s19, $0xb8;
	[tilespmem:$0x9800] =	vst v63  }
0x4e: {  	s5 =	simm.s32 $0x1380  }
0x4f: {  	[spmem:s3] =	stream.indirect.scatter.add.f32 [tilespmem:s5], [sflag:$0x1], $0x1, s13, s19, $0xb8;
	[tilespmem:$0x9800] =	vst v63  }
0x50: {  	s5 =	simm.s32 $0xC00  }
0x51: {  	[spmem:s2] =	stream.indirect.scatter.add.f32 [tilespmem:s5], [sflag:$0x1], $0x1, s16, s19, $0xb8;
	[tilespmem:$0x9800] =	vst v63  }
0x52: {  	s5 =	simm.s32 $0x1400  }
0x53: {  	[spmem:s3] =	stream.indirect.scatter.add.f32 [tilespmem:s5], [sflag:$0x1], $0x1, s16, s19, $0xb8;
	[tilespmem:$0x9800] =	vst v63  }
0x54: {  	s5 =	simm.s32 $0xC80  }
0x55: {  	[spmem:s2] =	stream.indirect.scatter.add.f32 [tilespmem:s5], [sflag:$0x1], $0x1, s20, s19, $0xb8;
	[tilespmem:$0x9800] =	vst v63  }
0x56: {  	s5 =	simm.s32 $0x1480  }
0x57: {  	[spmem:s3] =	stream.indirect.scatter.add.f32 [tilespmem:s5], [sflag:$0x1], $0x1, s20, s19, $0xb8;
	[tilespmem:$0x9800] =	vst v63  }
0x58: {  	s5 =	simm.s32 $0xD00  }
0x59: {  	[spmem:s2] =	stream.indirect.scatter.add.f32 [tilespmem:s5], [sflag:$0x1], $0x1, s23, s19, $0xb8;
	[tilespmem:$0x9800] =	vst v63  }
0x5a: {  	s5 =	simm.s32 $0x1500  }
0x5b: {  	[spmem:s3] =	stream.indirect.scatter.add.f32 [tilespmem:s5], [sflag:$0x1], $0x1, s23, s19, $0xb8;
	[tilespmem:$0x9800] =	vst v63  }
0x5c: {  	s5 =	simm.s32 $0xD80  }
0x5d: {  	[spmem:s2] =	stream.indirect.scatter.add.f32 [tilespmem:s5], [sflag:$0x1], $0x1, s26, s19, $0xb8;
	[tilespmem:$0x9800] =	vst v63  }
0x5e: {  	s5 =	simm.s32 $0x1580  }
0x5f: {  	[spmem:s3] =	stream.indirect.scatter.add.f32 [tilespmem:s5], [sflag:$0x1], $0x1, s26, s19, $0xb8;
	[tilespmem:$0x9800] =	vst v63  }
0x60: {  	s5 =	simm.s32 $0xE00  }
0x61: {  	[spmem:s2] =	stream.indirect.scatter.add.f32 [tilespmem:s5], [sflag:$0x1], $0x1, s0, s19, $0xb8;
	[tilespmem:$0x9800] =	vst v63  }
0x62: {  	_ = 	snop  }
0x63: {  	[spmem:s3] =	stream.indirect.scatter.add.f32 [tilespmem:s17], [sflag:$0x1], $0x1, s0, s19, $0xb8;
	[tilespmem:$0x9800] =	vst v63  }
0x64: {  	_ = 	snop  }
0x65: {  	[spmem:s2] =	stream.indirect.scatter.add.f32 [tilespmem:s11], [sflag:$0x1], $0x1, s12, s19, $0xb8;
	[tilespmem:$0x9800] =	vst v63  }
0x66: {  	_ = 	snop  }
0x67: {  	[spmem:s3] =	stream.indirect.scatter.add.f32 [tilespmem:s25], [sflag:$0x1], $0x1, s12, s19, $0xb8;
	[tilespmem:$0x9800] =	vst v63  }
0x68: {  	_ = 	snop  }
0x69: {  	[spmem:s2] =	stream.indirect.scatter.add.f32 [tilespmem:s8], [sflag:$0x1], $0x1, s9, s19, $0xb8;
	[tilespmem:$0x9800] =	vst v63  }
0x6a: {  	_ = 	snop  }
0x6b: {  	[spmem:s3] =	stream.indirect.scatter.add.f32 [tilespmem:s14], [sflag:$0x1], $0x1, s9, s19, $0xb8;
	[tilespmem:$0x9800] =	vst v63  }
0x6c: {  	_ = 	snop  }
0x6d: {  	[spmem:s2] =	stream.indirect.scatter.add.f32 [tilespmem:s1], [sflag:$0x1], $0x1, s22, s19, $0xb8;
	[tilespmem:$0x9800] =	vst v63  }
0x6e: {  	_ = 	snop  }
0x6f: {  	[spmem:s3] =	stream.indirect.scatter.add.f32 [tilespmem:s21], [sflag:$0x1], $0x1, s22, s19, $0xb8;
	[tilespmem:$0x9800] =	vst v63  }
0x70: {  	_ =	swait.ge [sflag:s29], $0x80  }
0x71: {  	[sflag:s29] =	ssyncset.done $0x0  }
0x72: {  	[sflag:s29] =	ssyncadd.s32 $0xFFFFFF80  }
0x73: {  	_ =	swait.ge [sflag:s29], $0x80  }
0x74: {  	[sflag:s29] =	ssyncset.done $0x0  }
0x75: {  	[sflag:s29] =	ssyncadd.s32 $0xFFFFFF80  }
0x76: {  	_ =	swait.ge [sflag:s29], $0x80  }
0x77: {  	[sflag:s29] =	ssyncset.done $0x0  }
0x78: {  	[sflag:s29] =	ssyncadd.s32 $0xFFFFFF80  }
0x79: {  	_ =	swait.ge [sflag:s29], $0x80  }
0x7a: {  	[sflag:s29] =	ssyncset.done $0x0  }
0x7b: {  	[sflag:s29] =	ssyncadd.s32 $0xFFFFFF80  }
0x7c: {  	_ =	swait.ge [sflag:s29], $0x80  }
0x7d: {  	[sflag:s29] =	ssyncset.done $0x0  }
0x7e: {  	[sflag:s29] =	ssyncadd.s32 $0xFFFFFF80  }
0x7f: {  	_ =	swait.ge [sflag:s29], $0x80  }
0x80: {  	[sflag:s29] =	ssyncset.done $0x0  }
0x81: {  	[sflag:s29] =	ssyncadd.s32 $0xFFFFFF80  }
0x82: {  	_ =	swait.ge [sflag:s29], $0x80  }
0x83: {  	[sflag:s29] =	ssyncset.done $0x0  }
0x84: {  	[sflag:s29] =	ssyncadd.s32 $0xFFFFFF80  }
0x85: {  	_ =	swait.ge [sflag:s29], $0x80  }
0x86: {  	[sflag:s29] =	ssyncset.done $0x0  }
0x87: {  	[sflag:s29] =	ssyncadd.s32 $0xFFFFFF80  }
0x88: {  	_ =	swait.ge [sflag:s29], $0x80  }
0x89: {  	[sflag:s29] =	ssyncset.done $0x0  }
0x8a: {  	[sflag:s29] =	ssyncadd.s32 $0xFFFFFF80  }
0x8b: {  	_ =	swait.ge [sflag:s29], $0x80  }
0x8c: {  	[sflag:s29] =	ssyncset.done $0x0  }
0x8d: {  	[sflag:s29] =	ssyncadd.s32 $0xFFFFFF80  }
0x8e: {  	_ =	swait.ge [sflag:s29], $0x80  }
0x8f: {  	[sflag:s29] =	ssyncset.done $0x0  }
0x90: {  	[sflag:s29] =	ssyncadd.s32 $0xFFFFFF80  }
0x91: {  	_ =	swait.ge [sflag:s29], $0x80  }
0x92: {  	[sflag:s29] =	ssyncset.done $0x0  }
0x93: {  	[sflag:s29] =	ssyncadd.s32 $0xFFFFFF80  }
0x94: {  	_ =	swait.ge [sflag:s29], $0x80  }
0x95: {  	[sflag:s29] =	ssyncset.done $0x0  }
0x96: {  	[sflag:s29] =	ssyncadd.s32 $0xFFFFFF80  }
0x97: {  	_ =	swait.ge [sflag:s29], $0x80  }
0x98: {  	[sflag:s29] =	ssyncset.done $0x0  }
0x99: {  	[sflag:s29] =	ssyncadd.s32 $0xFFFFFF80  }
0x9a: {  	_ =	swait.ge [sflag:s29], $0x80  }
0x9b: {  	[sflag:s29] =	ssyncset.done $0x0  }
0x9c: {  	[sflag:s29] =	ssyncadd.s32 $0xFFFFFF80  }
0x9d: {  	_ =	swait.ge [sflag:s29], $0x80  }
0x9e: {  	[sflag:s29] =	ssyncset.done $0x0  }
0x9f: {  	[sflag:s29] =	ssyncadd.s32 $0xFFFFFF80  }
0xa0: {  	_ =	swait.ge [sflag:s29], $0x80  }
0xa1: {  	[sflag:s29] =	ssyncset.done $0x0  }
0xa2: {  	[sflag:s29] =	ssyncadd.s32 $0xFFFFFF80  }
0xa3: {  	_ =	swait.ge [sflag:s29], $0x80  }
0xa4: {  	[sflag:s29] =	ssyncset.done $0x0  }
0xa5: {  	[sflag:s29] =	ssyncadd.s32 $0xFFFFFF80  }
0xa6: {  	_ =	swait.ge [sflag:s29], $0x80  }
0xa7: {  	[sflag:s29] =	ssyncset.done $0x0  }
0xa8: {  	[sflag:s29] =	ssyncadd.s32 $0xFFFFFF80  }
0xa9: {  	_ =	swait.ge [sflag:s29], $0x80  }
0xaa: {  	[sflag:s29] =	ssyncset.done $0x0  }
0xab: {  	[sflag:s29] =	ssyncadd.s32 $0xFFFFFF80  }
0xac: {  	_ =	swait.ge [sflag:s29], $0x80  }
0xad: {  	[sflag:s29] =	ssyncset.done $0x0  }
0xae: {  	[sflag:s29] =	ssyncadd.s32 $0xFFFFFF80  }
0xaf: {  	_ =	swait.ge [sflag:s29], $0x80  }
0xb0: {  	[sflag:s29] =	ssyncset.done $0x0  }
0xb1: {  	[sflag:s29] =	ssyncadd.s32 $0xFFFFFF80  }
0xb2: {  	_ =	swait.ge [sflag:s29], $0x80  }
0xb3: {  	[sflag:s29] =	ssyncset.done $0x0  }
0xb4: {  	[sflag:s29] =	ssyncadd.s32 $0xFFFFFF80  }
0xb5: {  	_ =	swait.ge [sflag:s29], $0x80  }
0xb6: {  	[sflag:s29] =	ssyncset.done $0x0  }
0xb7: {  	[sflag:s29] =	ssyncadd.s32 $0xFFFFFF80  }
0xb8: {  	_ =	swait.ge [sflag:s29], $0x80  }
0xb9: {  	[sflag:s29] =	ssyncset.done $0x0  }
0xba: {  	[sflag:s29] =	ssyncadd.s32 $0xFFFFFF80  }
0xbb: {  	_ =	swait.ge [sflag:s29], $0x80  }
0xbc: {  	[sflag:s29] =	ssyncset.done $0x0  }
0xbd: {  	[sflag:s29] =	ssyncadd.s32 $0xFFFFFF80  }
0xbe: {  	_ =	swait.ge [sflag:s29], $0x80  }
0xbf: {  	[sflag:s29] =	ssyncset.done $0x0  }
0xc0: {  	[sflag:s29] =	ssyncadd.s32 $0xFFFFFF80  }
0xc1: {  	_ =	swait.ge [sflag:s29], $0x80  }
0xc2: {  	[sflag:s29] =	ssyncset.done $0x0  }
0xc3: {  	[sflag:s29] =	ssyncadd.s32 $0xFFFFFF80  }
0xc4: {  	_ =	swait.ge [sflag:s29], $0x80  }
0xc5: {  	[sflag:s29] =	ssyncset.done $0x0  }
0xc6: {  	[sflag:s29] =	ssyncadd.s32 $0xFFFFFF80  }
0xc7: {  	_ =	swait.ge [sflag:s29], $0x80  }
0xc8: {  	[sflag:s29] =	ssyncset.done $0x0  }
0xc9: {  	[sflag:s29] =	ssyncadd.s32 $0xFFFFFF80  }
0xca: {  	p1 =	por p0, p0;
	_ =	swait.ge [sflag:s29], $0x80  }
.Ltmp0:
0xcb: {  	[sflag:s29] =	ssyncset.done $0x0;
	(pc) =	sbr.rel @p1 .LBB2_2-.Ltmp0, $4  }
0xcc: {  	[sflag:s29] =	ssyncadd.s32 $0xFFFFFF80  }
0xcd: {  	_ =	swait.ge [sflag:s29], $0x80  }
0xce: {  	[sflag:s29] =	ssyncset.done $0x0  }
0xcf: {  	p0 =	por $0x0, $0x0;
	[sflag:s29] =	ssyncadd.s32 $0xFFFFFF80  }
0xd0: {  	[bflag:$0x0] =	sbarrier.arrive $0xFFFF  }
0xd1: {  	s30 =	rddreg [dreg:$0x7]  }
0xd2: {  	s5 =	rddreg [dreg:$0x8]  }
0xd3: {  	s1 =	simm.s32 $0x20;
	s8 =	simm.s32 $0x10;
	s14 =	rddreg [dreg:$0xb]  }
0xd4: {  	[hbm:s5@s1], [sflag:s30] =	dma.strided [spmem:s14@s8], $0x800, s29, $0x10   }
0xd5: {  	_ =	swait.ge [sflag:s15], $0x800  }
0xd6: {  	[sflag:s15] =	ssyncset.done $0x0;
	s5 =	rddreg [dreg:$0x9]  }
0xd7: {  	s11 =	rddreg [dreg:$0xc];
	[sflag:s15] =	ssyncadd.s32 $0xFFFFF800  }
0xd8: {  	[hbm:s5@s1], [sflag:s30] =	dma.strided [spmem:s11@s8], $0x800, s29, $0x10   }
0xd9: {  	_ =	swait.ge [sflag:s15], $0x800  }
0xda: {  	s5 =	rddreg [dreg:$0xd]  }
0xdb: {  	s8 =	rddreg [dreg:$0xa];
	s1 =	sadd.s32 $0x1, s5  }
0xdc: {  	p0 =	sne.s32 s1, s8  }
.Ltmp1:
0xdd: {  	_ = 	snop;
	(pc) =	sbr.rel @p0 .LBB2_1-.Ltmp1, $3  }
0xde: {  	_ =	sdelay $0x1  }
0xdf: {  	[sflag:s15] =	ssyncset.done $0x0  }
0xe0: {  	[sflag:s15] =	ssyncadd.s32 $0xFFFFF800  }
0xe1: {  	_ =	sfence.sel $0x180000  }
0xe2: {  	[bflag:$0x0] =	sbarrier.arrive $0xFFFF  }
0xe3: {  	_ =	strace $0x9000004A  }
0xe4: {  	s0 =	stileid.u32;
	[bflag:$0x2] =	sbarrier.arrive $0xFFFF  }
0xe5: {  	p0 =	sne.s32 s0, $0x0;
	s0 =	rddreg [dreg:$0x4]  }
0xe6: {  	s0 =	sadd.s32 @!p0 $0x100000, s0  }
0xe7: {  	[sflag:s0] =	ssyncadd.tile.s32 @!p0 $0x1;
	_ =	shalt  }
.Lfunc_end2:
_tile_overlayer_lowered:
.L_overlay_start_2:
0xe8: {  	(tag) =	ssettag $0x2  }
0xe9: {  	s0 =	rddreg [dreg:$0x0];
	s2 =	stileid.u32  }
0xea: {  	s1 =	rddreg [dreg:$0x1];
	p0 =	sne.s32 s2, $0x0  }
0xeb: {  	s3 =	rddreg [dreg:$0x2];
	[bflag:$0x3] =	sbarrier.arrive $0xFFFF;
	s2 =	simm.s32 @!p0 $0x1C02  }
0xec: {  	[timem:s3], [sflag:s2] =	dma.local @!p0 [hbm:s0], s1  }
0xed: {  	s0 =	simm.s32 @!p0 $0x2  }
0xee: {  	_ =	swait.ge @!p0 [sflag:s0], s1  }
0xef: {  	s1 =	ssub.s32 @!p0 $0x0, s1;
	[sflag:s0] =	ssyncset.done @!p0 $0x0  }
0xf0: {  	[sflag:s0] =	ssyncadd.s32 @!p0 s1  }
0xf1: {  	[bflag:$0x3] =	sbarrier.arrive $0xFFFF  }
0xf2: {  	_ =	shalt  }

// kernel: scatter_offload_async_start
scs
__scs_entry_jumppad:
0x0: {  	(pc) =	sbr.rel $0x88, $3  }
0x1: {  	(tag) =	ssettag $0x0;
	lr =	simm.s32 $0x1  }
0x2: {  	[smem:$0x3F89] =	sst lr;
	_ =	strace $0xD0000000  }
0x3: {  	_ = 	snop  }
0x4: {  	_ = 	snop  }
0x5: {  	_ = 	snop  }
0x6: {  	_ = 	snop  }
0x7: {  	_ = 	snop  }
__scs_overlays_trampoline_lowered:
0x8: {  	[smem:$0x3F98] =	sst s0  }
0x9: {  	[smem:$0x3F99] =	sst s1  }
0xa: {  	[smem:$0x3F9A] =	sst s2  }
0xb: {  	[smem:$0x3F9B] =	sst s3  }
0xc: {  	[smem:$0x3F9C] =	sst s4  }
0xd: {  	[smem:$0x3F9D] =	sst s5  }
0xe: {  	[smem:$0x3F9E] =	sst s6  }
0xf: {  	[smem:$0x3F9F] =	sst s7  }
0x10: {  	[smem:$0x3FA0] =	sst s8  }
0x11: {  	[smem:$0x3FA1] =	sst s9;
	s0 =	simm.s32 @!p0 $0x0  }
0x12: {  	s1 =	sld [smem:$0x3F87];
	s0 =	simm.s32 @p0 $0x1  }
0x13: {  	[smem:$0x3FA2] =	sst s0;
	s0 =	simm.s32 @!p1 $0x0  }
0x14: {  	s2 =	sld [smem:$0x3F86];
	s0 =	simm.s32 @p1 $0x1  }
0x15: {  	[smem:$0x3FA3] =	sst s0;
	s0 =	simm.s32 @!p2 $0x0  }
0x16: {  	s3 =	sld [smem:$0x3FDB];
	s0 =	simm.s32 @p2 $0x1  }
0x17: {  	s4 =	simm.s32 $0x1BF5;
	[smem:$0x3FA5] =	sst s0  }
0x18: {  	s0 =	sld [smem:$0x3F88];
	_ =	swait.ge [sflag:s4], $0x0  }
0x19: {  	s7 =	sld [smem:$0x3F89]  }
0x1a: {  	s8 =	sadd.s32 $0xFFFFE003, lr  }
0x1b: {  	s9 =	sadd.s32 $0xFFFFFEF7, lr;
	s5 =	simm.s32 $0xFFFFFFFF;
	p2 =	slt.u32 s8, $0xFFFFF086  }
0x1c: {  	p1 =	slt.u32 s9, $0xF7A;
	s5 =	simm.s32 @!p2 $0x0  }
0x1d: {  	s5 =	simm.s32 @p1 $0x1;
	p0 =	seq.s32 s7, s2  }
0x1e: {  	s7 =	smul.u32 @!p0 $0xF7A, s2;
	p2 =	seq.s32 @!p0 s5, $0x0  }
0x1f: {  	s9 =	smul.u32 $0xF7A, s1;
	s8 =	simm.s32 @!p0 $0x1BF5;
	p2 =	por !p2, p0  }
0x20: {  	[sflag:s8] =	ssyncset.s32 @!p0 $0xFFFFF086;
	s6 =	sadd.s32 @!p0 s3, s7;
	s7 =	simm.s32 @!p0 $0x108  }
0x21: {  	s3 =	sadd.s32 s3, s9;
	s6 =	sadd.s32 @!p0 $0x88, s6;
	s7 =	simm.s32 @p2 $0x1082  }
0x22: {  	[simem:s7], [sflag:s8] =	dma.local @!p0 [hbm:s6], $0xF7A  }
0x23: {  	s9 =	sor.u32 $0xD0000000, s2;
	s6 =	simm.s32 $0x108;
	_ =	swait.ge @!p0 [sflag:s8], $0x0  }
0x24: {  	s3 =	sadd.s32 $0x88, s3;
	s6 =	simm.s32 @!p1 $0x1082;
	[sflag:s4] =	ssyncset.s32 $0xFFFFF086  }
0x25: {  	[simem:s6], [sflag:s4] =	dma.local [hbm:s3], $0xF7A  }
0x26: {  	[smem:$0x3F89] =	sst s1;
	(tag) =	ssettag s2;
	_ =	strace s9  }
0x27: {  	s1 =	sld [smem:$0x3F99]  }
0x28: {  	s2 =	sld [smem:$0x3F9A]  }
0x29: {  	s4 =	sld [smem:$0x3F9C]  }
0x2a: {  	p0 =	seq.s32 s5, $0x0;
	s5 =	sld [smem:$0x3F9D]  }
0x2b: {  	s6 =	sld [smem:$0x3F9E]  }
0x2c: {  	s7 =	sld [smem:$0x3F9F]  }
0x2d: {  	s3 =	simm.s32 $0x108;
	s8 =	sld [smem:$0x3FA0]  }
0x2e: {  	s3 =	simm.s32 @!p0 $0x1082;
	s9 =	sld [smem:$0x3FA1]  }
0x2f: {  	lr =	sadd.s32 s0, s3;
	s0 =	sld [smem:$0x3F98]  }
0x30: {  	s3 =	sld [smem:$0x3F9B]  }
0x31: {  	[smem:$0x3FA4] =	sst s10  }
0x32: {  	s10 =	sld [smem:$0x3FA2];
	_ =	sdelay $0x3  }
0x33: {  	p0 =	seq.s32 s10, $0x1;
	s10 =	sld [smem:$0x3FA4];
	_ =	sdelay $0x3  }
0x34: {  	[smem:$0x3FA4] =	sst s10  }
0x35: {  	s10 =	sld [smem:$0x3FA3];
	_ =	sdelay $0x3  }
0x36: {  	p1 =	seq.s32 s10, $0x1;
	s10 =	sld [smem:$0x3FA4];
	_ =	sdelay $0x3  }
0x37: {  	[smem:$0x3FA4] =	sst s10  }
0x38: {  	s10 =	sld [smem:$0x3FA5]  }
0x39: {  	_ = 	snop;
	(pc) =	sbr.ind lr, $3  }
0x3a: {  	_ = 	snop  }
0x3b: {  	_ = 	snop  }
0x3c: {  	p2 =	seq.s32 s10, $0x1;
	s10 =	sld [smem:$0x3FA4]  }
0x3d: {  	_ =	shalt  }
0x3e: {  	_ =	shalt  }
0x3f: {  	_ =	shalt  }
0x40: {  	_ =	shalt  }
0x41: {  	_ =	shalt  }
0x42: {  	_ =	shalt  }
0x43: {  	_ =	shalt  }
0x44: {  	_ =	shalt  }
0x45: {  	_ =	shalt  }
0x46: {  	_ =	shalt  }
0x47: {  	_ =	shalt  }
0x48: {  	_ =	shalt  }
0x49: {  	_ =	shalt  }
0x4a: {  	_ =	shalt  }
0x4b: {  	_ =	shalt  }
0x4c: {  	_ =	shalt  }
0x4d: {  	_ =	shalt  }
0x4e: {  	_ =	shalt  }
0x4f: {  	_ =	shalt  }
0x50: {  	_ =	shalt  }
0x51: {  	_ =	shalt  }
0x52: {  	_ =	shalt  }
0x53: {  	_ =	shalt  }
0x54: {  	_ =	shalt  }
0x55: {  	_ =	shalt  }
0x56: {  	_ =	shalt  }
0x57: {  	_ =	shalt  }
0x58: {  	_ =	shalt  }
0x59: {  	_ =	shalt  }
0x5a: {  	_ =	shalt  }
0x5b: {  	_ =	shalt  }
0x5c: {  	_ =	shalt  }
0x5d: {  	_ =	shalt  }
0x5e: {  	_ =	shalt  }
0x5f: {  	_ =	shalt  }
0x60: {  	_ =	shalt  }
0x61: {  	_ =	shalt  }
0x62: {  	_ =	shalt  }
0x63: {  	_ =	shalt  }
0x64: {  	_ =	shalt  }
0x65: {  	_ =	shalt  }
0x66: {  	_ =	shalt  }
0x67: {  	_ =	shalt  }
0x68: {  	_ =	shalt  }
0x69: {  	_ =	shalt  }
0x6a: {  	_ =	shalt  }
0x6b: {  	_ =	shalt  }
0x6c: {  	_ =	shalt  }
0x6d: {  	_ =	shalt  }
0x6e: {  	_ =	shalt  }
0x6f: {  	_ =	shalt  }
0x70: {  	_ =	shalt  }
0x71: {  	_ =	shalt  }
0x72: {  	_ =	shalt  }
0x73: {  	_ =	shalt  }
0x74: {  	_ =	shalt  }
0x75: {  	_ =	shalt  }
0x76: {  	_ =	shalt  }
0x77: {  	_ =	shalt  }
0x78: {  	_ =	shalt  }
0x79: {  	_ =	shalt  }
0x7a: {  	_ =	shalt  }
0x7b: {  	_ =	shalt  }
0x7c: {  	_ =	shalt  }
0x7d: {  	_ =	shalt  }
0x7e: {  	_ =	shalt  }
0x7f: {  	_ =	shalt  }
0x80: {  	_ =	shalt  }
0x81: {  	_ =	shalt  }
0x82: {  	_ =	shalt  }
0x83: {  	_ =	shalt  }
0x84: {  	_ =	shalt  }
0x85: {  	_ =	shalt  }
0x86: {  	_ =	shalt  }
0x87: {  	_ =	shalt  }
.Lfunc_end0:
.L_simem_size_0:
called_computation_lowered:
.L_overlay_start_0:
0x88: {  	s2 =	sld [smem:$0x3FD9]  }
0x89: {  	s3 =	sld [smem:$0x3FFE];
	_ =	sdelay $0x1  }
0x8a: {  	s1 =	srdreg.scid  }
0x8b: {  	s0 =	sand.u32 $0x1, s1  }
0x8c: {  	s17 =	sshll.u32 s0, $0xA;
	s2 =	sadd.s32 s3, s2  }
0x8d: {  	s2 =	sadd.s32 s2, s17  }
0x8e: {  	[smem:$0x3FB0] =	sst s2  }
0x8f: {  	_ = 	snop  }
0x90: {  	s18 =	sld [smem:$0x3FD0];
	(tm) =	ssettm $0x1  }
0x91: {  	s19 =	sld [smem:$0x3FFB];
	_ =	sdelay $0x3  }
0x92: {  	_ =	strace s19  }
0x93: {  	s2 =	sld [smem:$0x3FFC];
	_ =	sdelay $0x3  }
0x94: {  	_ =	strace s2  }
0x95: {  	s2 =	sld [smem:$0x3FFD];
	_ =	sdelay $0x3  }
0x96: {  	_ =	strace s2  }
0x97: {  	_ =	strace $0x8FFFFFFF  }
0x98: {  	s20 =	sld [smem:$0x3FDB];
	_ =	sdelay $0x1  }
0x99: {  	s4 =	simm.s32 $_scs_section_size  }
0x9a: {  	s5 =	simm.s32 $_size__tile_overlayer_lowered;
	s6 =	simm.s32 $_tile_overlayer_lowered  }
0x9b: {  	s7 =	simm.s32 $0x1BFF;
	s21 =	sshll.u32 s6, $0x1;
	s4 =	sadd.s32 s4, s20  }
0x9c: {  	s22 =	simm.s32 $0x0;
	s5 =	sshll.u32 s5, $0x1;
	s6 =	sadd.s32 s21, s4  }
0x9d: {  	[timem:s22], [sflag:s7] =	dma.local [hbm:s6], s5  }
0x9e: {  	_ =	swait.ge [sflag:s7], s5  }
0x9f: {  	s5 =	ssub.s32 $0x0, s5;
	[sflag:s7] =	ssyncset.done $0x0  }
0xa0: {  	[sflag:s7] =	ssyncadd.s32 s5;
	_ =	sdelay $0x1  }
0xa1: {  	s23 =	simm.s32 $0x1B8B  }
0xa2: {  	_ =	swait.ge [sflag:s23], $0x1  }
0xa3: {  	[sflag:s23] =	ssyncset.done $0x0  }
0xa4: {  	[sflag:s23] =	ssyncadd.s32 $0xFFFFFFFF  }
0xa5: {  	s5 =	sld [smem:$0x0]  }
0xa6: {  	s6 =	sand.u32 $0xFFFFFFFE, s1  }
0xa7: {  	p0 =	sne.s32 s1, s6  }
0xa8: {  	s6 =	sshll.u32 @p0 s6, $0xE  }
0xa9: {  	s6 =	sadd.s32 @p0 $0x11B8D, s6;
	s7 =	sshll.u32 @p0 s5, $0x11  }
0xaa: {  	s6 =	sor.u32 @p0 s7, s6  }
0xab: {  	[sflag:s6] =	ssyncadd.remote.s32 @p0 $0x1;
	_ =	sdelay $0x1  }
0xac: {  	s6 =	simm.s32 @p0 $0x1B8D  }
0xad: {  	_ =	swait.eq @p0 [sflag:s6], $0x1  }
0xae: {  	[sflag:s6] =	ssyncadd.s32 @p0 $0xFFFFFFFF  }
0xaf: {  	s7 =	sshll.u32 @!p0 s1, $0xE  }
0xb0: {  	s7 =	sor.u32 @!p0 $0x4000, s7;
	s6 =	simm.s32 @!p0 $0x1B8D  }
0xb1: {  	s8 =	sshll.u32 @!p0 s5, $0x11;
	s7 =	sadd.s32 @!p0 $0x11B8D, s7;
	_ =	swait.eq @!p0 [sflag:s6], $0x1  }
0xb2: {  	[sflag:s6] =	ssyncadd.s32 @!p0 $0xFFFFFFFF;
	s6 =	sor.u32 @!p0 s8, s7  }
0xb3: {  	s25 =	simm.s32 $0x1B8E;
	s24 =	sld [smem:$0x3FFE];
	[sflag:s6] =	ssyncadd.remote.s32 @!p0 $0x1  }
0xb4: {  	s26 =	simm.s32 $execute0_lowered;
	[smem:$0x3FD2] =	sst s25  }
0xb5: {  	s7 =	sshll.u32 s26, $0x1;
	_ =	strace $0x8000004C;
	[dreg:$0x1] =	wrdreg $0xFFFFFFFF  }
0xb6: {  	s28 =	simm.s32 $_size_execute0_lowered;
	s4 =	sadd.s32 s4, s7;
	[dreg:$0x0] =	wrdreg $0x0  }
0xb7: {  	s7 =	sshll.u32 s28, $0x1;
	[dreg:$0x2] =	wrdreg s4  }
0xb8: {  	[dreg:$0x3] =	wrdreg s7  }
0xb9: {  	[dreg:$0x4] =	wrdreg $0xC0  }
0xba: {  	_ =	task [dreg:s22], $0x5FFFF  }
0xbb: {  	[dreg:$0x1] =	wrdreg $0xFFFFFFFF  }
0xbc: {  	[dreg:$0x0] =	wrdreg $0x60  }
0xbd: {  	[dreg:$0x2] =	wrdreg s24  }
0xbe: {  	[dreg:$0x3] =	wrdreg s18  }
0xbf: {  	[dreg:$0x4] =	wrdreg s1  }
0xc0: {  	[dreg:$0x5] =	wrdreg s5  }
0xc1: {  	[dreg:$0x6] =	wrdreg $0x9  }
0xc2: {  	_ =	task.clear_ibuf [dreg:s22], $0x7FFFF;
	_ =	strace $0x9000004C  }
0xc3: {  	s29 =	simm.s32 $0x9;
	_ =	strace $0x8000004E  }
0xc4: {  	_ =	swait.ge [sflag:s29], $0x1  }
0xc5: {  	[sflag:s29] =	ssyncadd.s32 $0xFFFFFFFF  }
0xc6: {  	_ =	strace $0x9000004E  }
0xc7: {  	_ =	sfence  }
0xc8: {  	s30 =	sld [smem:$0x0];
	_ =	sdelay $0x2  }
0xc9: {  	s31 =	sshll.u32 s1, $0xD;
	s1 =	sshrl.u32 s1, $0x2  }
0xca: {  	s4 =	sand.u32 $0x4000, s31;
	s1 =	sadd.s32 s1, s30  }
0xcb: {  	s0 =	sor.u32 s4, s0;
	s1 =	sshll.u32 s1, $0x11  }
0xcc: {  	s0 =	sor.u32 s1, s0  }
0xcd: {  	s0 =	sadd.s32 $0x8F2B, s0  }
0xce: {  	[sflag:s0] =	ssyncadd.remote.s32 $0x1  }
0xcf: {  	_ =	sfence.sel $0xFFFF  }
0xd0: {  	[dreg:$0x0] =	wrdreg $0xFFFFFFFF;
	(pc) =	sbr.abs _section_cstart, $3  }
0xd1: {  	[dreg:$0x1] =	wrdreg $0xFFFFFFFF  }
0xd2: {  	_ =	task.clear_ibuf [dreg:s22], $0x2FFFF;
	_ =	strace $0x9FFFFFFF  }
0xd3: {  	(tm) =	ssettm $0x7FFFFFFF  }
tec
execute0_lowered:
.L_overlay_start_1:
0x0: {  	(tag) =	ssettag $0x1  }
0x1: {  	s2 =	rddreg [dreg:$0x0]  }
0x2: {  	s6 =	rddreg [dreg:$0x1]  }
0x3: {  	s3 =	rddreg [dreg:$0x2];
	_ =	strace $0x8000004D;
	s0 =	simm.s32 $0x1  }
0x4: {  	s4 =	simm.s32 $0x88;
	v0 =	vimm.s32 $0x0;
	[sflag:s0] =	ssyncpa.u1 $0x0  }
0x5: {  	s1 =	sadd.s32 $0x607000, s2;
	[tilespmem:s4+$0x30] =	vst v0  }
0x6: {  	s0 =	sadd.s32 $0x42B000, s2;
	s3 =	sand.u32 $0x1, s3;
	s14 =	sadd.s32 $0x42F000, s2;
	[tilespmem:s4+$0x20] =	vst v0  }
0x7: {  	s2 =	simm.s32 $0x40;
	[dreg:$0x5] =	wrdreg s3;
	s15 =	sshll.u32 s3, $0xD;
	[tilespmem:s4+$0x10] =	vst v0  }
.LBB2_1:
0x8: {  	s2 =	sadd.s32 $0x40, s2  }
0x9: {  	[tilespmem:s4+$0x0] =	vst v0;
	s4 =	sadd.s32 $0x40, s4;
	p0 =	slt.u32 s2, $0x5040  }
.Ltmp0:
0xa: {  	(pc) =	sbr.rel @p0 .LBB2_1-.Ltmp0, $4  }
0xb: {  	_ = 	snop  }
0xc: {  	[tilespmem:s4+$0x30] =	vst v0  }
0xd: {  	[tilespmem:s4+$0x20] =	vst v0  }
0xe: {  	[tilespmem:s4+$0x10] =	vst v0  }
0xf: {  	s9 =	stileid.u32  }
0x10: {  	s2 =	smul.u32 $0xC, s9  }
0x11: {  	s3 =	smin.u32 s9, $0xD  }
0x12: {  	s2 =	sadd.s32 s3, s2  }
0x13: {  	p0 =	slt.u32 s9, $0xD;
	s7 =	smul.u32 $0x140, s2;
	s2 =	simm.s32 $0x1040  }
0x14: {  	s2 =	simm.s32 @!p0 $0xF00  }
0x15: {  	s2 =	sadd.s32 s2, s7  }
0x16: {  	s8 =	smin.u32 s2, $0x10000  }
0x17: {  	s2 =	ssub.s32 s8, s7  }
0x18: {  	p0 =	sgt.s32 s2, $0x0  }
0x19: {  	s28 =	simm.s32 $0x2;
	s30 =	simm.s32 $0x9;
	s2 =	simm.s32 @!p0 $0x0  }
0x1a: {  	s31 =	simm.s32 $0xA;
	s11 =	simm.s32 $0xB;
	s29 =	smulhi.u32 $0x66666667, s2  }
0x1b: {  	s12 =	simm.s32 $0x1;
	s14 =	sadd.s32 s15, s14;
	s15 =	sadd.s32 s15, s0  }
0x1c: {  	s18 =	simm.s32 $0x0;
	p1 =	por $0x0, $0x0;
	s3 =	sshrl.u32 s29, $0x7  }
0x1d: {  	s19 =	simm.s32 $0xC;
	s23 =	simm.s32 $0x0;
	s5 =	smul.u32 $0x140, s3  }
.Ltmp1:
0x1e: {  	[tilespmem:s4+$0x0] =	vst v0;
	v0 =	vimm.s32 $0xFFFFFFFF;
	s20 =	simm.s32 $0x0;
	[sflag:s28] =	ssyncpa.u1 $0x0;
	(pc) =	sbr.rel .LBB2_3-.Ltmp1, $4  }
0x1f: {  	[tilespmem:$0xA108] =	vst v0;
	[sflag:s30] =	ssyncpa.u1 $0x0;
	p0 =	sne.s32 s2, s5;
	s2 =	simm.s32 $0x1  }
0x20: {  	s22 =	simm.s32 $0x0;
	[sflag:s31] =	ssyncpa.u1 $0x0;
	s2 =	simm.s32 @!p0 $0x0  }
0x21: {  	s16 =	sshll.u32 s9, $0x7;
	[sflag:s11] =	ssyncpa.u1 $0x0;
	s13 =	sadd.s32 s2, s3  }
0x22: {  	v0 =	vlaneseq.u32;
	s21 =	smov.u32 s7;
	p0 =	por $0x1, $0x1;
	s17 =	sadd.s32 $0x1, s13  }
.LBB2_24:
0x23: {  	s0 =	sshrl.u32 s0, $0x2  }
.LBB2_26:
0x24: {  	_ =	swait.ge [sflag:s19], s0  }
0x25: {  	s30 =	ssub.s32 $0x0, s0;
	v1 =	vmov s25;
	vm0 =	veq.s32 v0, $0x0;
	[sflag:s19] =	ssyncset.done $0x0  }
0x26: {  	vm15 =	veq.s32 v0, $0x2;
	v1 =	vsel vm0, s31, v1;
	[sflag:s19] =	ssyncadd.s32 s30  }
0x27: {  	v1 =	vsel vm15, s23, v1;
	[sflag:s19] =	ssyncpa.u1 $0x1  }
0x28: {  	[tilespmem:$0xA108] =	vst v1  }
.LBB2_27:
0x29: {  	s0 =	sadd.s32 $0x140, s21  }
0x2a: {  	s2 =	smov.u32 s7;
	p2 =	slt.s32 s0, s8  }
0x2b: {  	s2 =	smov.u32 @p2 s0;
	p2 =	sne.s32 s22, s17  }
.Ltmp2:
0x2c: {  	_ = 	snop;
	(pc) =	sbr.rel @!p2 .LBB2_28-.Ltmp2, $4  }
0x2d: {  	_ = 	snop  }
0x2e: {  	s23 =	smov.u32 s20  }
0x2f: {  	s31 =	sadd.s32 $0x1, s22;
	s20 =	smov.u32 s21;
	p0 =	por !p0, !p0  }
0x30: {  	p1 =	por !p1, !p1;
	s22 =	smov.u32 s31;
	s21 =	smov.u32 s2  }
.LBB2_3:
0x31: {  	p2 =	sge.u32 s22, s13  }
0x32: {  	s0 =	smulhi.u32 @!p2 $0xAAAAAAAB, s22  }
0x33: {  	s2 =	smov.u32 s21;
	p3 =	sgt.s32 @!p2 s21, $0xFEC0  }
0x34: {  	s3 =	sshra.s32 @!p2 s21, $0x1F;
	p3 =	por !p3, p2;
	s0 =	sshrl.u32 @!p2 s0, $0x1  }
0x35: {  	s3 =	sand.u32 @!p2 s3, s21;
	s2 =	simm.s32 @p3 $0xFEC0;
	s0 =	smul.u32 @!p2 $0x3, s0  }
0x36: {  	s2 =	ssub.s32 @!p2 s2, s3  }
0x37: {  	s2 =	sadd.s32 @!p2 $0xFFFF0140, s2;
	s0 =	ssub.s32 @!p2 s22, s0  }
0x38: {  	s3 =	sshll.u32 @!p2 s2, $0x2;
	p3 =	sgt.s32 @!p2 s2, $0x13F;
	s0 =	smul.u32 @!p2 $0x500, s0  }
0x39: {  	s4 =	sand.u32 @!p2 $0x7, s21;
	s2 =	ssub.s32 @!p2 $0x500, s3;
	p3 =	por !p3, p2  }
0x3a: {  	s3 =	sshrl.u32 @!p2 s21, $0x3;
	s2 =	sshrl.u32 @!p2 s2, $0x2;
	s0 =	sshrl.u32 @!p2 s0, $0x2  }
0x3b: {  	s3 =	sadd.s32 @!p2 s3, s14;
	s2 =	simm.s32 @!p3 $0x0;
	s0 =	sadd.s32 @!p2 $0xA948, s0  }
0x3c: {  	[tilespmem:s0], [sflag:$0xA] =	stream.linear.gather @!p2 [hbm4b:s3+s4], s2, $0x38;
	[tilespmem:$0x1EF88] =	vst v63  }
0x3d: {  	s4 =	sadd.s32 $0xFFFFFFFF, s22  }
0x3e: {  	p2 =	sge.u32 s4, s13  }
0x3f: {  	p3 =	sgt.s32 @!p2 s20, $0xFEC0  }
0x40: {  	s0 =	smov.u32 s20;
	s2 =	sshra.s32 @!p2 s20, $0x1F;
	p3 =	por !p3, p2  }
0x41: {  	s2 =	sand.u32 @!p2 s2, s20;
	s0 =	simm.s32 @p3 $0xFEC0  }
0x42: {  	s0 =	ssub.s32 @!p2 s0, s2  }
0x43: {  	s0 =	sadd.s32 @!p2 $0xFFFF0140, s0  }
0x44: {  	s2 =	sshll.u32 @!p2 s0, $0x2  }
0x45: {  	p3 =	sgt.s32 @!p2 s0, $0x13F;
	s0 =	ssub.s32 @!p2 $0x500, s2  }
0x46: {  	p3 =	por !p3, p2;
	s0 =	sshrl.u32 @!p2 s0, $0x2  }
0x47: {  	s3 =	simm.s32 @!p2 $0xA;
	s2 =	sand.u32 @!p2 $0x1, s4;
	s0 =	simm.s32 @!p3 $0x0  }
0x48: {  	s2 =	smul.u32 @!p2 $0x500, s2;
	_ =	swait.ge @!p2 [sflag:s3], s0  }
0x49: {  	s5 =	ssub.s32 @!p2 $0x0, s0;
	[sflag:s3] =	ssyncset.done @!p2 $0x0  }
0x4a: {  	s2 =	sshrl.u32 @!p2 s2, $0x2;
	[sflag:s3] =	ssyncadd.s32 @!p2 s5;
	s3 =	sshrl.u32 @!p2 s20, $0x3  }
0x4b: {  	s2 =	sadd.s32 @!p2 $0xAD08, s2;
	s5 =	sand.u32 @!p2 $0x7, s20;
	s3 =	sadd.s32 @!p2 s3, s15  }
0x4c: {  	[tilespmem:s2], [sflag:$0xB] =	stream.linear.gather @!p2 [hbm4b:s3+s5], s0, $0x38;
	[tilespmem:$0x1EF88] =	vst v63  }
0x4d: {  	s0 =	ssub.s32 @!p2 $0x10000, s20  }
0x4e: {  	p3 =	slt.s32 @!p2 s0, $0x1  }
0x4f: {  	p3 =	por p2, p3  }
.Ltmp3:
0x50: {  	_ = 	snop;
	(pc) =	sbr.rel @p3 .LBB2_9-.Ltmp3, $1  }
0x51: {  	_ =	sdelay $0x3  }
0x52: {  	s2 =	smulhi.u32 $0xAAAAAAAB, s4;
	_ =	sdelay $0x1  }
0x53: {  	s2 =	sshrl.u32 s2, $0x1  }
0x54: {  	s2 =	smul.u32 $0x3, s2;
	_ =	sdelay $0x1  }
0x55: {  	s2 =	ssub.s32 s4, s2  }
0x56: {  	s3 =	simm.s32 $0x1;
	s2 =	smul.u32 $0x500, s2  }
.Ltmp4:
0x57: {  	s3 =	simm.s32 @!p0 $0x0;
	(pc) =	sbr.rel .LBB2_6-.Ltmp4, $4  }
0x58: {  	s3 =	smul.u32 $0x28000, s3  }
0x59: {  	p3 =	slt.s32 @!p2 s0, $0x140;
	s2 =	sshrl.u32 s2, $0x2  }
0x5a: {  	p2 =	por !p3, p2;
	s3 =	sshrl.u32 s3, $0x2;
	s2 =	sadd.s32 $0xA948, s2  }
0x5b: {  	s24 =	simm.s32 $0x0;
	s0 =	simm.s32 @p2 $0x140;
	s4 =	sadd.s32 $0xAF88, s3;
	v1 =	vmov s2  }
.LBB2_5:
0x5c: {  	p2 =	sge.s32 s24, s0  }
.Ltmp5:
0x5d: {  	_ = 	snop;
	(pc) =	sbr.rel @p2 .LBB2_9-.Ltmp5, $2  }
0x5e: {  	_ =	sdelay $0x2  }
0x5f: {  	s4 =	sadd.s32 $0x800, s4  }
.LBB2_6:
0x60: {  	p2 =	sle.s32 s0, s24  }
.Ltmp6:
0x61: {  	_ = 	snop;
	(pc) =	sbr.rel @p2 .LBB2_5-.Ltmp6, $2  }
0x62: {  	_ =	sdelay $0x2  }
0x63: {  	s5 =	smov.u32 s24;
	s24 =	sadd.s32 $0x10, s24  }
0x64: {  	s2 =	ssub.s32 s0, s5  }
0x65: {  	p2 =	slt.s32 s2, $0x10  }
0x66: {  	s2 =	simm.s32 @!p2 $0x10  }
0x67: {  	v2 =	vmov s2  }
0x68: {  	vm0 =	vgt.s32 v2, v0;
	_ =	sdelay $0x5  }
0x69: {  	v2 =	vld.idx.msk [tilespmem:v1+s5+$0x0 ss:$0x1], vm0;
	_ =	sdelay $0x2  }
0x6a: {  	p2 =	slt.s32 s24, s0;
	s2 =	smov.u32 s0  }
0x6b: {  	s3 =	smov.u32 s4;
	s25 =	simm.s32 $0x0;
	s2 =	smov.u32 @p2 s24  }
.LBB2_8:
0x6c: {  	(v2sf) =	vpush v2, s25;
	_ =	sdelay $0xc  }
0x6d: {  	s25 =	sadd.s32 $0x1, s25  }
0x6e: {  	s31 =	sadd.s32 s25, s5  }
0x6f: {  	p2 =	slt.s32 s31, s2;
	s9 =	spop (v2sf)  }
.Ltmp7:
0x70: {  	s9 =	sshll.u32 s9, $0x4;
	(pc) =	sbr.rel @p2 .LBB2_8-.Ltmp7, $4  }
0x71: {  	s9 =	sand.u32 $0x1FFFFFF0, s9  }
0x72: {  	s9 =	sadd.s32 s6, s9  }
0x73: {  	[tilespmem:s3], [sflag:$0x9] =	stream.linear.gather [hbm4b:s9+s18], $0x40, $0x38;
	[tilespmem:$0x1EF88] =	vst v63  }
0x74: {  	s3 =	sadd.s32 $0x80, s3  }
.Ltmp8:
0x75: {  	_ = 	snop;
	(pc) =	sbr.rel .LBB2_5-.Ltmp8, $1  }
0x76: {  	_ =	sdelay $0x3  }
.LBB2_9:
0x77: {  	p2 =	slt.u32 s22, $0x2  }
.Ltmp9:
0x78: {  	_ = 	snop;
	(pc) =	sbr.rel @p2 .LBB2_27-.Ltmp9, $1  }
0x79: {  	_ =	sdelay $0x3  }
0x7a: {  	p2 =	sgt.s32 s23, $0xFEC0  }
0x7b: {  	s0 =	smov.u32 s23;
	s2 =	sshra.s32 s23, $0x1F;
	s3 =	ssub.s32 $0x10000, s23  }
0x7c: {  	s0 =	simm.s32 @!p2 $0xFEC0;
	s2 =	sand.u32 s2, s23;
	p2 =	slt.s32 s3, $0x140  }
0x7d: {  	s0 =	ssub.s32 s0, s2;
	s3 =	simm.s32 @!p2 $0x140  }
0x7e: {  	s0 =	sadd.s32 $0xFFFF0140, s0;
	s10 =	sshll.u32 s3, $0x6  }
0x7f: {  	s26 =	simm.s32 $0x9;
	s24 =	sshll.u32 s0, $0x2;
	s2 =	sand.u32 $0x3FFFFFC0, s10  }
0x80: {  	p2 =	sgt.s32 s0, $0x13F;
	s25 =	ssub.s32 $0x500, s24;
	_ =	swait.ge [sflag:s26], s2  }
0x81: {  	s2 =	ssub.s32 $0x0, s2;
	[sflag:s26] =	ssyncset.done $0x0;
	s0 =	sshrl.u32 s25, $0x2  }
0x82: {  	[sflag:s26] =	ssyncadd.s32 s2;
	s0 =	simm.s32 @p2 $0x0  }
0x83: {  	_ =	swait.ge [sflag:s11], s0  }
0x84: {  	s0 =	ssub.s32 $0x0, s0;
	[sflag:s11] =	ssyncset.done $0x0  }
0x85: {  	[sflag:s11] =	ssyncadd.s32 s0  }
0x86: {  	v1 =	vld [tilespmem:$0xA108];
	_ =	sdelay $0x4  }
0x87: {  	(v2sf) =	vpush v1, $0x0  }
0x88: {  	(v2sf) =	vpush v1, $0x1  }
0x89: {  	(v2sf) =	vpush v1, $0x2;
	_ =	sdelay $0x3  }
0x8a: {  	s0 =	sadd.s32 $0x140, s23  }
0x8b: {  	s2 =	ssub.s32 $0x20000, s23;
	p2 =	slt.s32 s8, s0  }
0x8c: {  	s0 =	smov.u32 @p2 s8;
	p2 =	sgt.s32 s2, $0x0  }
0x8d: {  	s0 =	ssub.s32 s0, s23;
	s2 =	simm.s32 @!p2 $0x0  }
0x8e: {  	p2 =	slt.s32 s2, s0  }
0x8f: {  	s0 =	smov.u32 @p2 s2  }
0x90: {  	s26 =	simm.s32 $0x1;
	p2 =	slt.s32 s0, $0x1  }
.Ltmp10:
0x91: {  	s26 =	simm.s32 @!p1 $0x0;
	(pc) =	sbr.rel @p2 .LBB2_14-.Ltmp10, $4  }
0x92: {  	s30 =	smul.u32 $0x500, s26  }
0x93: {  	s28 =	spop (v2sf)  }
0x94: {  	s31 =	sshrl.u32 s30, $0x2;
	s29 =	spop (v2sf)  }
0x95: {  	s24 =	sadd.s32 $0xAD08, s31;
	s23 =	spop (v2sf)  }
0x96: {  	s2 =	smin.u32 s0, $0x10  }
0x97: {  	v1 =	vmov s2  }
0x98: {  	p3 =	sgt.s32 s0, $0x10;
	vm1 =	vgt.u32 v1, v0  }
.Ltmp11:
0x99: {  	_ = 	snop;
	(pc) =	sbr.rel @!p3 .LBB2_13-.Ltmp11, $2  }
0x9a: {  	_ =	sdelay $0x2  }
0x9b: {  	s5 =	simm.s32 $0x10;
	s25 =	sadd.s32 $0xFFFFFFF0, s0;
	s4 =	smov.u32 s24;
	vm0 =	vmmov vm1  }
.LBB2_12:
0x9c: {  	s2 =	smin.u32 s25, $0x10;
	s5 =	sadd.s32 $0x10, s5;
	v1 =	vld.msk [tilespmem:s4+$0x0 ss:$0x1], vm1  }
0x9d: {  	v2 =	vmov s2;
	p3 =	slt.s32 s5, s0  }
0x9e: {  	vm1 =	vgt.u32 v2, v0  }
.Ltmp12:
0x9f: {  	(pc) =	sbr.rel @p3 .LBB2_12-.Ltmp12, $3  }
0xa0: {  	_ =	sdelay $0x1  }
0xa1: {  	v1 =	vshll.u32 v1, $0x4  }
0xa2: {  	s25 =	sadd.s32 $0xFFFFFFF0, s25;
	[tilespmem:s4+$0x0] =	vst.msk vm0, v1;
	s4 =	sadd.s32 $0x10, s4;
	vm0 =	vmmov vm1  }
.LBB2_13:
0xa3: {  	_ =	sdelay $0x4  }
0xa4: {  	v1 =	vld.msk [tilespmem:s4+$0x0 ss:$0x1], vm1;
	_ =	sdelay $0x4  }
0xa5: {  	v1 =	vshll.u32 v1, $0x4  }
0xa6: {  	[tilespmem:s4+$0x0] =	vst.msk vm0, v1  }
.LBB2_14:
0xa7: {  	s2 =	sand.u32 $0x1, s22  }
0xa8: {  	s2 =	smul.u32 $0x140, s2  }
0xa9: {  	p3 =	sne.s32 s29, $0xFFFFFFFF  }
0xaa: {  	v1 =	vld.msk @!p3 [tilespmem:s2+$0xAD08], $0x1;
	_ =	sdelay $0x4  }
0xab: {  	(v2sf) =	vpush @!p3 v1, $0x0;
	_ =	sdelay $0xc  }
.Ltmp13:
0xac: {  	_ = 	snop;
	(pc) =	sbr.rel @p2 .LBB2_25-.Ltmp13, $4  }
0xad: {  	_ = 	snop  }
0xae: {  	s30 =	spop @!p3 (v2sf)  }
0xaf: {  	s23 =	simm.s32 @!p3 $0x0;
	s25 =	smov.u32 s30  }
0xb0: {  	[sflag:s19] =	ssyncpa.u1 $0x0;
	s30 =	smov.u32 @p3 s28;
	s25 =	smov.u32 @p3 s29  }
0xb1: {  	v1 =	vld.msk [tilespmem:s24+$0x0], $0x1;
	_ =	sdelay $0x4  }
0xb2: {  	(v2sf) =	vpush v1, $0x0;
	_ =	sdelay $0xe  }
0xb3: {  	s2 =	smul.u32 $0x28000, s26;
	s4 =	spop (v2sf)  }
0xb4: {  	s28 =	ssub.s32 $0x0, s0;
	p2 =	seq.s32 s30, s4  }
0xb5: {  	s0 =	sadd.s32 $0x1, s28;
	s2 =	sshrl.u32 s2, $0x2;
	p3 =	sgt.s32 @!p2 s30, $0x0  }
0xb6: {  	s26 =	sadd.s32 $0xAFA8, s2;
	s2 =	smov.u32 s30;
	p3 =	por !p3, p2  }
0xb7: {  	s2 =	simm.s32 @p3 $0x0;
	p3 =	seq.s32 s0, $0x0  }
.Ltmp14:
0xb8: {  	_ = 	snop;
	(pc) =	sbr.rel @p3 .LBB2_17-.Ltmp14, $4  }
0xb9: {  	_ = 	snop  }
0xba: {  	s29 =	simm.s32 $0x0;
	s5 =	simm.s32 @!p2 $0x1;
	s3 =	smin.u32 @!p2 s2, $0x3FFFF8  }
0xbb: {  	s31 =	sadd.s32 $0x1, s24;
	s5 =	smov.u32 @p2 s29;
	s9 =	sand.u32 @!p2 $0x3FFFF8, s3  }
0xbc: {  	s2 =	simm.s32 @!p2 $0x50C8;
	s3 =	sand.u32 @!p2 $0x7, s3;
	s9 =	sadd.s32 @!p2 s1, s9  }
.LBB2_16:
0xbd: {  	s10 =	smov.u32 s5  }
0xbe: {  	[tilespmem:s2], [sflag:$0x2] =	stream.linear.gather @!p2 [hbm4b:s9+s3], $0x40, $0x38;
	[tilespmem:$0x1EF88] =	vst v63  }
0xbf: {  	s0 =	sadd.s32 $0x1, s0;
	s3 =	smov.u32 s4;
	v1 =	vld.msk [tilespmem:s31+$0x0], $0x1  }
0xc0: {  	p3 =	seq.s32 s0, $0x0;
	_ =	sdelay $0x3  }
0xc1: {  	(v2sf) =	vpush v1, $0x0;
	_ =	sdelay $0xe  }
0xc2: {  	s4 =	spop (v2sf)  }
0xc3: {  	p2 =	seq.s32 s3, s4  }
0xc4: {  	p4 =	sgt.s32 @!p2 s3, $0x0;
	s2 =	sshll.u32 @!p2 s5, $0x8;
	s5 =	sadd.s32 @!p2 $0x1, s5  }
.Ltmp15:
0xc5: {  	p4 =	por !p4, p2;
	s2 =	sshra.s32 @!p2 s2, $0x2;
	(pc) =	sbr.rel @!p3 .LBB2_16-.Ltmp15, $4  }
0xc6: {  	s5 =	smov.u32 @p2 s10;
	s3 =	simm.s32 @p4 $0x0;
	s2 =	sadd.s32 @!p2 $0x50C8, s2  }
0xc7: {  	s3 =	smin.u32 @!p2 s3, $0x3FFFF8  }
0xc8: {  	s9 =	sand.u32 @!p2 $0x3FFFF8, s3;
	s3 =	sand.u32 @!p2 $0x7, s3  }
0xc9: {  	s31 =	sadd.s32 $0x1, s31;
	s9 =	sadd.s32 @!p2 s1, s9  }
.LBB2_17:
0xca: {  	[tilespmem:s2], [sflag:$0x2] =	stream.linear.gather @!p2 [hbm4b:s9+s3], $0x40, $0x38;
	[tilespmem:$0x1EF88] =	vst v63  }
.Ltmp16:
0xcb: {  	s0 =	sshll.u32 s5, $0x6;
	(pc) =	sbr.rel .LBB2_18-.Ltmp16, $4  }
0xcc: {  	s31 =	simm.s32 $0x2;
	s0 =	sand.u32 $0x3FFFFFC0, s0  }
0xcd: {  	_ =	swait.ge [sflag:s31], s0  }
0xce: {  	s0 =	ssub.s32 $0x0, s0;
	[sflag:s31] =	ssyncset.done $0x0  }
0xcf: {  	[sflag:s31] =	ssyncadd.s32 s0;
	s0 =	simm.s32 $0x0  }
.LBB2_19:
0xd0: {  	v1 =	vld [tilespmem:s26+$0xFFFFFFE0];
	_ =	sdelay $0x4  }
0xd1: {  	[tilespmem:s4+$0x88] =	vst.add.f32.msk $0xffff, v1  }
0xd2: {  	v1 =	vld [tilespmem:s26+$0xFFFFFFF0];
	_ =	sdelay $0x4  }
0xd3: {  	[tilespmem:s4+$0x98] =	vst.add.f32.msk $0xffff, v1  }
0xd4: {  	v1 =	vld [tilespmem:s26+$0x0];
	_ =	sdelay $0x4  }
0xd5: {  	[tilespmem:s4+$0xA8] =	vst.add.f32.msk $0xffff, v1  }
0xd6: {  	v1 =	vld [tilespmem:s26+$0x10];
	_ =	sdelay $0x4  }
0xd7: {  	[tilespmem:s4+$0xB8] =	vst.add.f32.msk $0xffff, v1  }
.LBB2_23:
0xd8: {  	s28 =	sadd.s32 $0x1, s28  }
0xd9: {  	p2 =	seq.s32 s28, $0x0  }
.Ltmp17:
0xda: {  	_ = 	snop;
	(pc) =	sbr.rel @p2 .LBB2_24-.Ltmp17, $2  }
0xdb: {  	_ =	sdelay $0x2  }
0xdc: {  	s26 =	sadd.s32 $0x80, s26;
	s24 =	sadd.s32 $0x1, s24;
	s30 =	smov.u32 s31  }
.LBB2_18:
0xdd: {  	v1 =	vld.msk [tilespmem:s24+$0x0], $0x1;
	_ =	sdelay $0x4  }
0xde: {  	(v2sf) =	vpush v1, $0x0;
	_ =	sdelay $0xe  }
0xdf: {  	s31 =	spop (v2sf)  }
0xe0: {  	p2 =	sne.s32 s30, s31  }
.Ltmp18:
0xe1: {  	_ = 	snop;
	(pc) =	sbr.rel @!p2 .LBB2_19-.Ltmp18, $3  }
0xe2: {  	_ =	sdelay $0x1  }
0xe3: {  	s2 =	sshll.u32 s23, $0x8  }
0xe4: {  	s4 =	sshra.s32 s2, $0x2  }
0xe5: {  	p2 =	seq.s32 s30, s25  }
.Ltmp19:
0xe6: {  	_ = 	snop;
	(pc) =	sbr.rel @!p2 .LBB2_21-.Ltmp19, $1  }
0xe7: {  	_ =	sdelay $0x3  }
.Ltmp20:
0xe8: {  	s2 =	sadd.s32 $0x88, s4;
	(pc) =	sbr.rel .LBB2_22-.Ltmp20, $4  }
0xe9: {  	[spmem:s16] =	stream.linear.scatter [tilespmem:s2], [sflag:$0x1], $0x40, $0x38;
	[tilespmem:$0x1EF88] =	vst v63  }
0xea: {  	_ =	swait.ge [sflag:s12], $0x40  }
0xeb: {  	[sflag:s12] =	ssyncset.done $0x0  }
0xec: {  	[sflag:s12] =	ssyncadd.s32 $0xFFFFFFC0  }
.LBB2_21:
0xed: {  	s2 =	sshll.u32 s29, $0x8  }
0xee: {  	s2 =	sshra.s32 s2, $0x2  }
0xef: {  	v1 =	vld [tilespmem:s2+$0x50C8];
	_ =	sdelay $0x4  }
0xf0: {  	[tilespmem:s4+$0x88] =	vst.add.f32.msk $0xffff, v1  }
0xf1: {  	v1 =	vld [tilespmem:s2+$0x50D8];
	_ =	sdelay $0x4  }
0xf2: {  	[tilespmem:s4+$0x98] =	vst.add.f32.msk $0xffff, v1  }
0xf3: {  	v1 =	vld [tilespmem:s2+$0x50E8];
	_ =	sdelay $0x4  }
0xf4: {  	[tilespmem:s4+$0xA8] =	vst.add.f32.msk $0xffff, v1  }
0xf5: {  	v1 =	vld [tilespmem:s2+$0x50F8];
	_ =	sdelay $0x2  }
0xf6: {  	p2 =	sgt.u32 s30, $0x3FFFF8  }
0xf7: {  	s2 =	sand.u32 @!p2 $0x3FFFF8, s30  }
0xf8: {  	s3 =	sadd.s32 $0x88, s4;
	s2 =	sadd.s32 @!p2 s1, s2;
	[tilespmem:s4+$0xB8] =	vst.add.f32.msk $0xffff, v1;
	s4 =	sand.u32 @!p2 $0x7, s30  }
0xf9: {  	[hbm4b:s2+s4] =	stream.linear.scatter @!p2 [tilespmem:s3], [sflag:$0xC], $0x40, $0x38;
	[tilespmem:$0x1EF88] =	vst v63  }
0xfa: {  	s2 =	simm.s32 $0x0  }
0xfb: {  	s2 =	simm.s32 @!p2 $0x100  }
0xfc: {  	s0 =	sadd.s32 s2, s0  }
.LBB2_22:
0xfd: {  	s2 =	sadd.s32 $0x1, s23  }
0xfe: {  	s3 =	smulhi.u32 $0xCCCCCCCD, s2;
	_ =	sdelay $0x1  }
0xff: {  	v1 =	vld [tilespmem:s26+$0xFFFFFFE0];
	s3 =	sshrl.u32 s3, $0x8  }
0x100: {  	s3 =	smul.u32 $0x140, s3;
	_ =	sdelay $0x1  }
0x101: {  	s23 =	ssub.s32 s2, s3  }
0x102: {  	s2 =	sshll.u32 s23, $0x6  }
0x103: {  	[tilespmem:s2+$0x88] =	vst v1  }
0x104: {  	v1 =	vld [tilespmem:s26+$0xFFFFFFF0];
	_ =	sdelay $0x4  }
0x105: {  	[tilespmem:s2+$0x98] =	vst v1  }
0x106: {  	v1 =	vld [tilespmem:s26+$0x0];
	_ =	sdelay $0x4  }
0x107: {  	[tilespmem:s2+$0xA8] =	vst v1  }
0x108: {  	v1 =	vld [tilespmem:s26+$0x10]  }
.Ltmp21:
0x109: {  	_ = 	snop;
	(pc) =	sbr.rel .LBB2_23-.Ltmp21, $2  }
0x10a: {  	_ =	sdelay $0x2  }
0x10b: {  	s29 =	sadd.s32 $0x1, s29;
	[tilespmem:s2+$0xB8] =	vst v1  }
.LBB2_25:
.Ltmp22:
0x10c: {  	(pc) =	sbr.rel .LBB2_26-.Ltmp22, $4  }
0x10d: {  	_ = 	snop  }
0x10e: {  	s0 =	simm.s32 $0x2  }
0x10f: {  	_ =	swait.ge [sflag:s0], $0x0  }
0x110: {  	s31 =	smov.u32 s30;
	[sflag:s0] =	ssyncset.done $0x0;
	s0 =	simm.s32 $0x0  }
.LBB2_28:
0x111: {  	_ =	sfence.sel $0x180000  }
0x112: {  	s0 =	simm.s32 $0x9;
	[bflag:$0x0] =	sbarrier.arrive $0xFFFF  }
0x113: {  	s24 =	simm.s32 $0xA;
	[sflag:s0] =	ssyncpa.u1 $0x1  }
0x114: {  	s25 =	simm.s32 $0xB;
	[sflag:s24] =	ssyncpa.u1 $0x1  }
0x115: {  	s26 =	simm.s32 $0x2;
	[sflag:s25] =	ssyncpa.u1 $0x1  }
0x116: {  	[sflag:s26] =	ssyncpa.u1 $0x1  }
0x117: {  	v0 =	vld [tilespmem:$0xA108];
	_ =	sdelay $0x4  }
0x118: {  	(v2sf) =	vpush v0, $0x0  }
0x119: {  	(v2sf) =	vpush v0, $0x1;
	_ =	sdelay $0x1  }
0x11a: {  	(v2sf) =	vpush v0, $0x2;
	_ =	sdelay $0xb  }
0x11b: {  	s0 =	spop (v2sf)  }
0x11c: {  	s2 =	spop (v2sf)  }
0x11d: {  	s3 =	smov.u32 s0;
	p0 =	sne.s32 s0, s2  }
0x11e: {  	s4 =	spop (v2sf);
	s3 =	simm.s32 @!p0 $0xFFFFFFFF  }
0x11f: {  	v2 =	vimm.s32 $0x1;
	v3 =	vlaneseq.u32;
	p0 =	seq.s32 s4, $0xFFFFFFFF;
	v1 =	vmov s3  }
0x120: {  	s15 =	stileid.u32;
	v0 =	vperm.xlane v0, v2;
	p1 =	sne.s32 @!p0 s0, s2;
	v1 =	vperm.xlane v1, v3  }
0x121: {  	vm0 =	vcmask $0x3F04;
	s6 =	simm.s32 $0xA108;
	s0 =	simm.s32 @!p0 $0x1;
	p1 =	por !p1, p0  }
0x122: {  	s3 =	sshll.u32 s15, $0x1;
	s2 =	sshll.u32 @!p0 s4, $0x8;
	s0 =	simm.s32 @p1 $0x0;
	v0 =	vsel vm0, v1, v0  }
0x123: {  	s5 =	sor.u32 $0x800, s3;
	s2 =	sshra.s32 @!p0 s2, $0x2;
	s0 =	sor.u32 @!p0 s0, s3;
	[tilespmem:$0xA108] =	vst v0  }
0x124: {  	[spmem:s5] =	stream.linear.scatter [tilespmem:s6], [sflag:$0x1], $0x2, $0x38;
	[tilespmem:$0x1EF88] =	vst v63  }
0x125: {  	s2 =	sadd.s32 @!p0 $0x88, s2;
	s0 =	sshll.u32 @!p0 s0, $0x6  }
0x126: {  	[spmem:s0] =	stream.linear.scatter @!p0 [tilespmem:s2], [sflag:$0x1], $0x40, $0x38;
	[tilespmem:$0x1EF88] =	vst v63  }
0x127: {  	s0 =	simm.s32 @!p0 $0x42  }
0x128: {  	s28 =	simm.s32 $0x1;
	s0 =	simm.s32 @p0 $0x2  }
0x129: {  	_ =	swait.ge [sflag:s28], s0  }
0x12a: {  	s0 =	ssub.s32 $0x0, s0;
	[sflag:s28] =	ssyncset.done $0x0  }
0x12b: {  	p0 =	sne.s32 s15, $0x0;
	[sflag:s28] =	ssyncadd.s32 s0  }
.Ltmp23:
0x12c: {  	_ =	sfence.stream.spmem;
	(pc) =	sbr.rel @p0 .LBB2_45-.Ltmp23, $4  }
0x12d: {  	s29 =	simm.s32 $0x3;
	[bflag:$0x0] =	sbarrier.arrive $0xFFFF  }
0x12e: {  	s30 =	simm.s32 $0x4;
	[sflag:s29] =	ssyncpa.u1 $0x1  }
0x12f: {  	s31 =	simm.s32 $0x3C;
	[sflag:s30] =	ssyncpa.u1 $0x1  }
0x130: {  	s14 =	rddreg [dreg:$0x5];
	[sflag:s31] =	ssyncpa.u1 $0x1  }
0x131: {  	_ =	sfence.stream.spmem;
	s0 =	simm.s32 $0x5  }
0x132: {  	s2 =	simm.s32 $0x800;
	s3 =	simm.s32 $0xA118;
	[sflag:s0] =	ssyncpa.u1 $0x0  }
0x133: {  	[tilespmem:s3], [sflag:$0x5] =	stream.linear.gather [spmem:s2], $0x20, $0x38;
	[tilespmem:$0x1EF88] =	vst v63  }
0x134: {  	s26 =	simm.s32 $0x0;
	s28 =	simm.s32 $0xA138  }
0x135: {  	[tilespmem:s28], [sflag:$0x5] =	stream.linear.gather [spmem:s26], $0x800, $0x38;
	[tilespmem:$0x1EF88] =	vst v63  }
0x136: {  	_ =	swait.ge [sflag:s0], $0x820  }
0x137: {  	[sflag:s0] =	ssyncset.done $0x0  }
0x138: {  	s29 =	simm.s32 $0x0;
	[sflag:s0] =	ssyncadd.s32 $0xFFFFF7E0  }
0x139: {  	v0 =	vld.msk [tilespmem:s29+$0xA118], $0x1;
	_ =	sdelay $0x1  }
0x13a: {  	s30 =	simm.s32 $0x1  }
0x13b: {  	v1 =	vld.msk [tilespmem:s30+$0xA118], $0x1;
	_ =	sdelay $0x1  }
0x13c: {  	(v2sf) =	vpush v0, $0x0;
	_ =	sdelay $0x2  }
0x13d: {  	(v2sf) =	vpush v1, $0x0;
	_ =	sdelay $0x2  }
0x13e: {  	s31 =	simm.s32 $0x2  }
0x13f: {  	v0 =	vld.msk [tilespmem:s31+$0xA118], $0x1;
	_ =	sdelay $0x2  }
0x140: {  	s4 =	simm.s32 $0xFFFFFFFF;
	s2 =	simm.s32 $0xFFFFFFFF;
	s0 =	simm.s32 $0xC  }
.LBB2_30:
0x141: {  	s3 =	smov.u32 s4;
	s5 =	smov.u32 s2  }
0x142: {  	s2 =	sshra.s32 s0, $0x2;
	p1 =	sne.s32 s0, $0x7C;
	s0 =	sadd.s32 $0x4, s0;
	(v2sf) =	vpush v0, $0x0  }
0x143: {  	v0 =	vld.msk [tilespmem:s2+$0xA118], $0x1  }
.Ltmp24:
0x144: {  	(pc) =	sbr.rel @p1 .LBB2_30-.Ltmp24, $4  }
0x145: {  	s4 =	spop (v2sf)  }
0x146: {  	p2 =	sne.s32 s5, $0xFFFFFFFF;
	s2 =	smov.u32 s4  }
0x147: {  	p3 =	seq.s32 s4, $0xFFFFFFFF;
	s2 =	smov.u32 @p2 s5  }
0x148: {  	s4 =	smov.u32 @p3 s3;
	s2 =	smov.u32 @p3 s5  }
0x149: {  	(v2sf) =	vpush v0, $0x0;
	_ =	sdelay $0x8  }
0x14a: {  	s0 =	spop (v2sf)  }
0x14b: {  	p1 =	sne.s32 s2, $0xFFFFFFFF;
	s3 =	smov.u32 s0  }
0x14c: {  	s9 =	simm.s32 $0x6;
	p2 =	seq.s32 s0, $0xFFFFFFFF;
	s3 =	smov.u32 @p1 s2  }
0x14d: {  	s6 =	simm.s32 $0x0;
	s3 =	smov.u32 @p2 s2;
	s2 =	spop (v2sf)  }
0x14e: {  	s0 =	smov.u32 @p2 s4;
	p1 =	sne.s32 s3, $0xFFFFFFFF;
	s5 =	smov.u32 s2  }
.Ltmp25:
0x14f: {  	p2 =	seq.s32 s2, $0xFFFFFFFF;
	s5 =	smov.u32 @p1 s3;
	(pc) =	sbr.rel .LBB2_32-.Ltmp25, $4  }
0x150: {  	s10 =	simm.s32 $0xA0C8;
	s5 =	smov.u32 @p2 s3;
	s7 =	spop (v2sf)  }
0x151: {  	s11 =	simm.s32 $0x0;
	p1 =	sne.s32 s5, $0xFFFFFFFF;
	s8 =	smov.u32 s7  }
0x152: {  	s2 =	smov.u32 @p2 s0;
	p2 =	seq.s32 s7, $0xFFFFFFFF;
	s8 =	smov.u32 @p1 s5  }
0x153: {  	[sflag:s9] =	ssyncpa.u1 $0x0;
	s7 =	smov.u32 @p2 s2;
	s8 =	smov.u32 @p2 s5  }
.LBB2_38:
0x154: {  	p1 =	sgt.u32 s12, $0x3FFFF8  }
0x155: {  	p2 =	seq.s32 @!p1 s12, s8  }
0x156: {  	p1 =	por p1, p2  }
0x157: {  	p2 =	sne.s32 @!p1 s12, s7  }
0x158: {  	p1 =	por p1, !p2  }
0x159: {  	s0 =	sshll.u32 @p1 s11, $0x8  }
0x15a: {  	s0 =	sand.u32 @!p1 $0x3FFFF8, s12  }
0x15b: {  	s2 =	sand.u32 @!p1 $0x7, s12;
	s0 =	sadd.s32 @!p1 s1, s0  }
0x15c: {  	[tilespmem:s10], [sflag:$0x6] =	stream.linear.gather @!p1 [hbm4b:s0+s2], $0x40, $0x38;
	[tilespmem:$0x1EF88] =	vst v63  }
0x15d: {  	_ =	swait.ge @!p1 [sflag:s9], $0x40  }
0x15e: {  	[sflag:s9] =	ssyncset.done @!p1 $0x0  }
0x15f: {  	[sflag:s9] =	ssyncadd.s32 @!p1 $0xFFFFFFC0  }
0x160: {  	v1 =	vld @!p1 [tilespmem:$0xA0C8];
	_ =	sdelay $0x2  }
0x161: {  	s0 =	sshll.u32 @!p1 s11, $0x8  }
0x162: {  	s2 =	sshrl.u32 @!p1 s0, $0x2  }
0x163: {  	[tilespmem:s2+$0xA138] =	vst.add.f32.msk @!p1 $0xffff, v1  }
0x164: {  	v1 =	vld @!p1 [tilespmem:$0xA0D8];
	_ =	sdelay $0x4  }
0x165: {  	[tilespmem:s2+$0xA148] =	vst.add.f32.msk @!p1 $0xffff, v1  }
0x166: {  	v1 =	vld @!p1 [tilespmem:$0xA0E8];
	_ =	sdelay $0x4  }
0x167: {  	[tilespmem:s2+$0xA158] =	vst.add.f32.msk @!p1 $0xffff, v1  }
0x168: {  	v1 =	vld @!p1 [tilespmem:$0xA0F8];
	_ =	sdelay $0x4  }
0x169: {  	[tilespmem:s2+$0xA168] =	vst.add.f32.msk @!p1 $0xffff, v1  }
0x16a: {  	s0 =	sshrl.u32 s0, $0x2;
	[tilespmem:s6+$0xA118] =	vst.msk $0x1, v0  }
0x16b: {  	v0 =	vld [tilespmem:s0+$0xA138];
	_ =	sdelay $0x2  }
0x16c: {  	s31 =	sshll.u32 s6, $0x8  }
0x16d: {  	s2 =	sshra.s32 s31, $0x2  }
0x16e: {  	[tilespmem:s2+$0xA138] =	vst v0  }
0x16f: {  	v0 =	vld [tilespmem:s0+$0xA148];
	_ =	sdelay $0x4  }
0x170: {  	[tilespmem:s2+$0xA148] =	vst v0  }
0x171: {  	v0 =	vld [tilespmem:s0+$0xA158];
	_ =	sdelay $0x4  }
0x172: {  	[tilespmem:s2+$0xA158] =	vst v0  }
0x173: {  	v0 =	vld [tilespmem:s0+$0xA168];
	_ =	sdelay $0x4  }
0x174: {  	s6 =	sadd.s32 $0x1, s6;
	[tilespmem:s2+$0xA168] =	vst v0  }
.LBB2_39:
0x175: {  	s11 =	sadd.s32 $0x1, s11  }
0x176: {  	p1 =	sne.s32 s11, $0x20  }
.Ltmp26:
0x177: {  	_ = 	snop;
	(pc) =	sbr.rel @!p1 .LBB2_40-.Ltmp26, $1  }
0x178: {  	_ =	sdelay $0x3  }
.LBB2_32:
0x179: {  	v0 =	vld.msk [tilespmem:s11+$0xA118], $0x1;
	_ =	sdelay $0x4  }
0x17a: {  	(v2sf) =	vpush v0, $0x0;
	_ =	sdelay $0xe  }
0x17b: {  	s12 =	spop (v2sf)  }
0x17c: {  	p1 =	seq.s32 s12, $0xFFFFFFFF  }
.Ltmp27:
0x17d: {  	_ = 	snop;
	(pc) =	sbr.rel @p1 .LBB2_39-.Ltmp27, $1  }
0x17e: {  	_ =	sdelay $0x3  }
0x17f: {  	p1 =	slt.s32 s6, $0x1  }
.Ltmp28:
0x180: {  	_ = 	snop;
	(pc) =	sbr.rel @p1 .LBB2_38-.Ltmp28, $1  }
0x181: {  	_ =	sdelay $0x3  }
0x182: {  	s0 =	simm.s32 $0xA118;
	p1 =	por $0x0, $0x0  }
0x183: {  	v1 =	vld.msk @!p1 [tilespmem:s0+$0x0], $0x1;
	_ =	sdelay $0x4  }
0x184: {  	(v2sf) =	vpush @!p1 v1, $0x0;
	_ =	sdelay $0xd  }
0x185: {  	p3 =	sne.s32 s6, $0x1  }
.Ltmp29:
0x186: {  	s2 =	spop @!p1 (v2sf);
	(pc) =	sbr.rel @!p3 .LBB2_36-.Ltmp29, $4  }
0x187: {  	p2 =	seq.s32 @!p1 s12, s2  }
0x188: {  	s13 =	simm.s32 $0x0;
	p2 =	por !p2, p1  }
0x189: {  	s2 =	simm.s32 $0xFFFFFFFF;
	s13 =	simm.s32 @p2 $0xFFFFFFFF  }
0x18a: {  	s4 =	simm.s32 $0x1;
	s13 =	smov.u32 @p1 s2  }
.LBB2_35:
0x18b: {  	s2 =	smov.u32 s13;
	p1 =	sne.s32 s13, $0xFFFFFFFF  }
0x18c: {  	s0 =	sadd.s32 $0x1, s0;
	s13 =	smov.u32 s4;
	s4 =	sadd.s32 $0x1, s4  }
0x18d: {  	p2 =	sne.s32 s6, s4;
	v1 =	vld.msk @!p1 [tilespmem:s0+$0x0], $0x1;
	_ =	sdelay $0x4  }
0x18e: {  	(v2sf) =	vpush @!p1 v1, $0x0;
	_ =	sdelay $0xe  }
.Ltmp30:
0x18f: {  	s3 =	spop @!p1 (v2sf);
	(pc) =	sbr.rel @p2 .LBB2_35-.Ltmp30, $4  }
0x190: {  	p3 =	seq.s32 @!p1 s12, s3  }
0x191: {  	p3 =	por !p3, p1  }
0x192: {  	s13 =	simm.s32 @p3 $0xFFFFFFFF  }
0x193: {  	s13 =	smov.u32 @p1 s2  }
.LBB2_36:
0x194: {  	p1 =	seq.s32 s13, $0xFFFFFFFF  }
.Ltmp31:
0x195: {  	_ = 	snop;
	(pc) =	sbr.rel @p1 .LBB2_38-.Ltmp31, $1  }
0x196: {  	_ =	sdelay $0x3  }
0x197: {  	s0 =	sshll.u32 s11, $0x6  }
0x198: {  	s0 =	sand.u32 $0x3FFFFFC0, s0  }
0x199: {  	v0 =	vld [tilespmem:s0+$0xA138];
	_ =	sdelay $0x2  }
0x19a: {  	s2 =	sshll.u32 s13, $0x8  }
0x19b: {  	s2 =	sshra.s32 s2, $0x2  }
0x19c: {  	[tilespmem:s2+$0xA138] =	vst.add.f32.msk $0xffff, v0  }
0x19d: {  	v0 =	vld [tilespmem:s0+$0xA148];
	_ =	sdelay $0x4  }
0x19e: {  	[tilespmem:s2+$0xA148] =	vst.add.f32.msk $0xffff, v0  }
0x19f: {  	v0 =	vld [tilespmem:s0+$0xA158];
	_ =	sdelay $0x4  }
0x1a0: {  	[tilespmem:s2+$0xA158] =	vst.add.f32.msk $0xffff, v0  }
0x1a1: {  	v0 =	vld [tilespmem:s0+$0xA168]  }
.Ltmp32:
0x1a2: {  	_ = 	snop;
	(pc) =	sbr.rel .LBB2_39-.Ltmp32, $2  }
0x1a3: {  	_ =	sdelay $0x2  }
0x1a4: {  	[tilespmem:s2+$0xA168] =	vst.add.f32.msk $0xffff, v0  }
.LBB2_40:
0x1a5: {  	s0 =	simm.s32 $0x6;
	p1 =	seq.s32 s6, $0x0  }
0x1a6: {  	[sflag:s0] =	ssyncpa.u1 $0x1;
	v0 =	vimm.s32 @p1 $0xFFFFFFFF  }
0x1a7: {  	s0 =	sadd.s32 $0xFFFFFFFF, s6;
	[tilespmem:$0xA938] =	vst @p1 v0  }
0x1a8: {  	v0 =	vld.msk @!p1 [tilespmem:s0+$0xA118], $0x1;
	_ =	sdelay $0x1  }
0x1a9: {  	v1 =	vld.msk @!p1 [tilespmem:$0xA118], $0x1;
	_ =	sdelay $0x2  }
0x1aa: {  	p2 =	seq.s32 @!p1 s0, $0x0;
	v0 =	vbroadcast @!p1 v0, $0x0  }
0x1ab: {  	vm0 =	vmmov @!p1 $0x1;
	p2 =	por !p2, p1  }
0x1ac: {  	v1 =	vnsel @!p1 vm0, $0xFFFFFFFF, v1;
	vm0 =	vcmask @!p1 $0x308;
	v0 =	vpsel !p2, $0xFFFFFFFF, v0  }
0x1ad: {  	p2 =	sne.s32 @!p1 s8, s7;
	v0 =	vsel @!p1 vm0, v1, v0  }
0x1ae: {  	s2 =	simm.s32 @!p1 $0xA138;
	s3 =	simm.s32 @!p1 $0x0;
	p3 =	por !p2, p1;
	[tilespmem:$0xA938] =	vst @!p1 v0  }
0x1af: {  	[spmem:s3] =	stream.linear.scatter @!p1 [tilespmem:s2], [sflag:$0x1], $0x40, $0x38;
	[tilespmem:$0x1EF88] =	vst v63  }
0x1b0: {  	s2 =	sshll.u32 @!p3 s0, $0x8  }
0x1b1: {  	s2 =	sshra.s32 @!p3 s2, $0x2  }
0x1b2: {  	s3 =	simm.s32 @!p3 $0x40;
	s2 =	sadd.s32 @!p3 $0xA138, s2  }
0x1b3: {  	[spmem:s3] =	stream.linear.scatter @!p3 [tilespmem:s2], [sflag:$0x1], $0x40, $0x38;
	[tilespmem:$0x1EF88] =	vst v63  }
0x1b4: {  	s2 =	simm.s32 @!p3 $0x1  }
0x1b5: {  	_ =	swait.ge @!p3 [sflag:s2], $0x80  }
0x1b6: {  	p1 =	por p2, p1;
	[sflag:s2] =	ssyncset.done @!p3 $0x0  }
0x1b7: {  	[sflag:s2] =	ssyncadd.s32 @!p3 $0xFFFFFF80;
	s2 =	simm.s32 @!p1 $0x1  }
0x1b8: {  	_ =	swait.ge @!p1 [sflag:s2], $0x40  }
0x1b9: {  	s29 =	simm.s32 $0xA938;
	[sflag:s2] =	ssyncset.done @!p1 $0x0  }
0x1ba: {  	s30 =	simm.s32 $0x800;
	s31 =	simm.s32 $0x1;
	[sflag:s2] =	ssyncadd.s32 @!p1 $0xFFFFFFC0  }
0x1bb: {  	[spmem:s30] =	stream.linear.scatter [tilespmem:s29], [sflag:$0x1], $0x10, $0x38;
	[tilespmem:$0x1EF88] =	vst v63  }
0x1bc: {  	_ =	swait.ge [sflag:s31], $0x10  }
0x1bd: {  	[sflag:s31] =	ssyncset.done $0x0  }
0x1be: {  	p1 =	seq.s32 s14, $0x0;
	s9 =	rddreg [dreg:$0x2];
	[sflag:s31] =	ssyncadd.s32 $0xFFFFFFF0  }
0x1bf: {  	s3 =	sshll.u32 @p1 s9, $0xE;
	s8 =	rddreg [dreg:$0x3]  }
0x1c0: {  	s2 =	sadd.s32 @p1 $0x15C3C, s3;
	s3 =	sshll.u32 @p1 s8, $0x11  }
0x1c1: {  	_ =	sfence.stream.spmem;
	s2 =	sor.u32 @p1 s3, s2  }
0x1c2: {  	[sflag:s2] =	ssyncadd.remote.s32 @p1 $0x1;
	s2 =	simm.s32 @p1 $0x4  }
0x1c3: {  	s4 =	simm.s32 @!p1 $0x3C;
	s3 =	sand.u32 $0xFFFFFFFE, s9;
	_ =	swait.ge @p1 [sflag:s2], $0x12  }
0x1c4: {  	s5 =	simm.s32 @!p1 $0x0;
	s3 =	sadd.s32 @!p1 $0x4, s3;
	[sflag:s2] =	ssyncset.done @p1 $0x0  }
0x1c5: {  	s7 =	simm.s32 @!p1 $0x80;
	[sflag:s2] =	ssyncadd.s32 @p1 $0xFFFFFFEE;
	s2 =	sshll.u32 @!p1 s3, $0x1A  }
0x1c6: {  	s3 =	sshll.u32 @!p1 s3, $0xD;
	s2 =	sor.u32 @!p1 s2, s8;
	_ =	swait.eq @!p1 [sflag:s4], $0x1  }
0x1c7: {  	s3 =	sor.u32 @!p1 $0x1C04, s3;
	s4 =	simm.s32 @!p1 $0x1C03;
	s2 =	sor.u32 @!p1 $0x80004000, s2  }
0x1c8: {  	[spmem:s7], [sflag:s3] =	dma.general @!p1 [spmem:s5], [sflag:s4], length:$0x10, [dreg:$0x0], stride_count:$0x0, ici_dest:s2, dma_misc:DstOpCode:WRITE  }
0x1c9: {  	p2 =	slt.s32 s0, $0x2;
	s5 =	simm.s32 @!p1 $0x100;
	s7 =	simm.s32 @!p1 $0x102  }
0x1ca: {  	[spmem:s7], [sflag:s3] =	dma.general @!p1 [spmem:s5], [sflag:s4], length:$0x2, [dreg:$0x0], stride_count:$0x0, ici_dest:s2, dma_misc:DstOpCode:WRITE  }
.Ltmp33:
0x1cb: {  	s2 =	simm.s32 @!p1 $0x3;
	(pc) =	sbr.rel @p2 .LBB2_44-.Ltmp33, $4  }
0x1cc: {  	s3 =	sshll.u32 @!p1 s9, $0xE;
	_ =	swait.ge @!p1 [sflag:s2], $0x12  }
0x1cd: {  	s4 =	sshll.u32 @!p1 s8, $0x11;
	s3 =	sadd.s32 @!p1 $0x11C3C, s3;
	[sflag:s2] =	ssyncset.done @!p1 $0x0  }
0x1ce: {  	[sflag:s2] =	ssyncadd.s32 @!p1 $0xFFFFFFEE;
	s2 =	sor.u32 @!p1 s4, s3  }
0x1cf: {  	s0 =	simm.s32 $0x0;
	[sflag:s2] =	ssyncadd.remote.s32 @!p1 $0xFFFFFFFF  }
0x1d0: {  	s0 =	simm.s32 $0xA119  }
0x1d1: {  	v0 =	vld.msk [tilespmem:s0+$0x0], $0x1;
	_ =	sdelay $0x4  }
0x1d2: {  	(v2sf) =	vpush v0, $0x0;
	_ =	sdelay $0xd  }
0x1d3: {  	s3 =	sadd.s32 $0xFFFFFFFE, s6  }
0x1d4: {  	s4 =	sadd.s32 $0xFFFFFFFF, s3;
	s2 =	spop (v2sf)  }
0x1d5: {  	p2 =	sne.s32 s4, $0x0;
	p1 =	sgt.u32 s2, $0x3FFFF8  }
.Ltmp34:
0x1d6: {  	s5 =	sand.u32 @!p1 $0x3FFFF8, s2;
	(pc) =	sbr.rel @!p2 .LBB2_43-.Ltmp34, $4  }
0x1d7: {  	s0 =	simm.s32 $0xA178;
	s2 =	sand.u32 @!p1 $0x7, s2;
	s3 =	sadd.s32 @!p1 s1, s5  }
0x1d8: {  	[hbm4b:s3+s2] =	stream.linear.scatter @!p1 [tilespmem:s0], [sflag:$0x5], $0x40, $0x38;
	[tilespmem:$0x1EF88] =	vst v63  }
0x1d9: {  	s2 =	simm.s32 $0x0  }
0x1da: {  	s6 =	simm.s32 $0xA11A;
	s5 =	simm.s32 $0x0;
	s2 =	simm.s32 @!p1 $0x100  }
.LBB2_42:
0x1db: {  	v0 =	vld.msk [tilespmem:s6+$0x0], $0x1;
	s4 =	sadd.s32 $0xFFFFFFFF, s4;
	s5 =	sadd.s32 s5, s2  }
0x1dc: {  	p1 =	sne.s32 s4, $0x0;
	_ =	sdelay $0x3  }
0x1dd: {  	(v2sf) =	vpush v0, $0x0;
	_ =	sdelay $0xe  }
.Ltmp35:
0x1de: {  	s3 =	spop (v2sf);
	(pc) =	sbr.rel @p1 .LBB2_42-.Ltmp35, $4  }
0x1df: {  	s2 =	simm.s32 $0x0;
	p2 =	sgt.u32 s3, $0x3FFFF8  }
0x1e0: {  	s0 =	sadd.s32 $0x40, s0;
	s2 =	simm.s32 @!p2 $0x100;
	s7 =	sand.u32 @!p2 $0x3FFFF8, s3  }
0x1e1: {  	s6 =	sadd.s32 $0x1, s6;
	s3 =	sand.u32 @!p2 $0x7, s3;
	s7 =	sadd.s32 @!p2 s1, s7  }
0x1e2: {  	[hbm4b:s7+s3] =	stream.linear.scatter @!p2 [tilespmem:s0], [sflag:$0x5], $0x40, $0x38;
	[tilespmem:$0x1EF88] =	vst v63  }
.LBB2_43:
0x1e3: {  	s0 =	sadd.s32 s5, s2  }
0x1e4: {  	s0 =	sshrl.u32 s0, $0x2  }
.LBB2_44:
0x1e5: {  	s2 =	simm.s32 $0x5  }
0x1e6: {  	_ =	swait.ge [sflag:s2], s0  }
0x1e7: {  	s31 =	ssub.s32 $0x0, s0;
	[sflag:s2] =	ssyncset.done $0x0  }
0x1e8: {  	[sflag:s2] =	ssyncadd.s32 s31  }
0x1e9: {  	[sflag:s2] =	ssyncpa.u1 $0x1  }
.LBB2_45:
0x1ea: {  	s0 =	sor.u32 s14, s15  }
0x1eb: {  	p1 =	sne.s32 s0, $0x0  }
.Ltmp36:
0x1ec: {  	_ = 	snop;
	(pc) =	sbr.rel @p1 .LBB2_60-.Ltmp36, $3  }
0x1ed: {  	_ =	sdelay $0x1  }
0x1ee: {  	[bflag:$0x0] =	sbarrier.arrive $0xFFFF  }
0x1ef: {  	_ =	sfence  }
0x1f0: {  	s0 =	simm.s32 $0x7  }
0x1f1: {  	s2 =	simm.s32 $0x800;
	s3 =	simm.s32 $0xA118;
	[sflag:s0] =	ssyncpa.u1 $0x0  }
0x1f2: {  	[tilespmem:s3], [sflag:$0x7] =	stream.linear.gather [spmem:s2], $0x20, $0x38;
	[tilespmem:$0x1EF88] =	vst v63  }
0x1f3: {  	s30 =	simm.s32 $0xA138;
	s2 =	simm.s32 $0x0  }
0x1f4: {  	[tilespmem:s30], [sflag:$0x7] =	stream.linear.gather [spmem:s2], $0x800, $0x38;
	[tilespmem:$0x1EF88] =	vst v63  }
.Ltmp37:
0x1f5: {  	_ = 	snop;
	(pc) =	sbr.rel .LBB2_47-.Ltmp37, $4  }
0x1f6: {  	_ =	swait.ge [sflag:s0], $0x820  }
0x1f7: {  	[sflag:s0] =	ssyncset.done $0x0  }
0x1f8: {  	s31 =	simm.s32 $0x8;
	[sflag:s0] =	ssyncadd.s32 $0xFFFFF7E0  }
0x1f9: {  	s3 =	simm.s32 $0x0;
	[sflag:s31] =	ssyncpa.u1 $0x0  }
.LBB2_53:
0x1fa: {  	p1 =	slt.u32 s0, $0x3FFFF9  }
0x1fb: {  	s4 =	sand.u32 @p1 $0x3FFFF8, s0  }
0x1fc: {  	s0 =	sand.u32 @p1 $0x7, s0;
	s5 =	simm.s32 @p1 $0xA0C8;
	s4 =	sadd.s32 @p1 s1, s4  }
0x1fd: {  	[tilespmem:s5], [sflag:$0x8] =	stream.linear.gather @p1 [hbm4b:s4+s0], $0x40, $0x38;
	[tilespmem:$0x1EF88] =	vst v63  }
0x1fe: {  	s0 =	simm.s32 @p1 $0x8  }
0x1ff: {  	_ =	swait.ge @p1 [sflag:s0], $0x40  }
0x200: {  	[sflag:s0] =	ssyncset.done @p1 $0x0  }
0x201: {  	[sflag:s0] =	ssyncadd.s32 @p1 $0xFFFFFFC0  }
0x202: {  	v1 =	vld @p1 [tilespmem:$0xA0C8];
	_ =	sdelay $0x2  }
0x203: {  	s0 =	sshll.u32 @p1 s3, $0x8  }
0x204: {  	s4 =	sshrl.u32 @p1 s0, $0x2  }
0x205: {  	[tilespmem:s4+$0xA138] =	vst.add.f32.msk @p1 $0xffff, v1  }
0x206: {  	v1 =	vld @p1 [tilespmem:$0xA0D8];
	_ =	sdelay $0x4  }
0x207: {  	[tilespmem:s4+$0xA148] =	vst.add.f32.msk @p1 $0xffff, v1  }
0x208: {  	v1 =	vld @p1 [tilespmem:$0xA0E8];
	_ =	sdelay $0x4  }
0x209: {  	[tilespmem:s4+$0xA158] =	vst.add.f32.msk @p1 $0xffff, v1  }
0x20a: {  	v1 =	vld @p1 [tilespmem:$0xA0F8];
	_ =	sdelay $0x3  }
0x20b: {  	s5 =	sshll.u32 @!p1 s3, $0x8  }
0x20c: {  	s5 =	smov.u32 @p1 s0;
	[tilespmem:s4+$0xA168] =	vst.add.f32.msk @p1 $0xffff, v1  }
0x20d: {  	s0 =	sshrl.u32 s5, $0x2;
	[tilespmem:s2+$0xA118] =	vst.msk $0x1, v0  }
0x20e: {  	v0 =	vld [tilespmem:s0+$0xA138];
	_ =	sdelay $0x2  }
0x20f: {  	s31 =	sshll.u32 s2, $0x8  }
0x210: {  	s4 =	sshra.s32 s31, $0x2  }
0x211: {  	[tilespmem:s4+$0xA138] =	vst v0  }
0x212: {  	v0 =	vld [tilespmem:s0+$0xA148];
	_ =	sdelay $0x4  }
0x213: {  	[tilespmem:s4+$0xA148] =	vst v0  }
0x214: {  	v0 =	vld [tilespmem:s0+$0xA158];
	_ =	sdelay $0x4  }
0x215: {  	[tilespmem:s4+$0xA158] =	vst v0  }
0x216: {  	v0 =	vld [tilespmem:s0+$0xA168];
	_ =	sdelay $0x4  }
0x217: {  	s2 =	sadd.s32 $0x1, s2;
	[tilespmem:s4+$0xA168] =	vst v0  }
.LBB2_54:
0x218: {  	s3 =	sadd.s32 $0x1, s3  }
0x219: {  	p1 =	sne.s32 s3, $0x20  }
.Ltmp38:
0x21a: {  	_ = 	snop;
	(pc) =	sbr.rel @!p1 .LBB2_55-.Ltmp38, $1  }
0x21b: {  	_ =	sdelay $0x3  }
.LBB2_47:
0x21c: {  	v0 =	vld.msk [tilespmem:s3+$0xA118], $0x1;
	_ =	sdelay $0x4  }
0x21d: {  	(v2sf) =	vpush v0, $0x0;
	_ =	sdelay $0xe  }
0x21e: {  	s0 =	spop (v2sf)  }
0x21f: {  	p1 =	seq.s32 s0, $0xFFFFFFFF  }
.Ltmp39:
0x220: {  	_ = 	snop;
	(pc) =	sbr.rel @p1 .LBB2_54-.Ltmp39, $1  }
0x221: {  	_ =	sdelay $0x3  }
0x222: {  	p1 =	slt.s32 s2, $0x1  }
.Ltmp40:
0x223: {  	_ = 	snop;
	(pc) =	sbr.rel @p1 .LBB2_53-.Ltmp40, $1  }
0x224: {  	_ =	sdelay $0x3  }
0x225: {  	s4 =	simm.s32 $0xA118;
	p1 =	por $0x0, $0x0  }
0x226: {  	v1 =	vld.msk @!p1 [tilespmem:s4+$0x0], $0x1;
	_ =	sdelay $0x4  }
0x227: {  	(v2sf) =	vpush @!p1 v1, $0x0;
	_ =	sdelay $0xd  }
0x228: {  	p3 =	sne.s32 s2, $0x1  }
.Ltmp41:
0x229: {  	s5 =	spop @!p1 (v2sf);
	(pc) =	sbr.rel @!p3 .LBB2_51-.Ltmp41, $4  }
0x22a: {  	p2 =	seq.s32 @!p1 s0, s5  }
0x22b: {  	s5 =	simm.s32 $0x0;
	p2 =	por !p2, p1  }
0x22c: {  	s7 =	simm.s32 $0xFFFFFFFF;
	s5 =	simm.s32 @p2 $0xFFFFFFFF  }
0x22d: {  	s6 =	simm.s32 $0x1;
	s5 =	smov.u32 @p1 s7  }
.LBB2_50:
0x22e: {  	s7 =	smov.u32 s5;
	p1 =	sne.s32 s5, $0xFFFFFFFF  }
0x22f: {  	s4 =	sadd.s32 $0x1, s4;
	s5 =	smov.u32 s6;
	s6 =	sadd.s32 $0x1, s6  }
0x230: {  	p2 =	sne.s32 s2, s6;
	v1 =	vld.msk @!p1 [tilespmem:s4+$0x0], $0x1;
	_ =	sdelay $0x4  }
0x231: {  	(v2sf) =	vpush @!p1 v1, $0x0;
	_ =	sdelay $0xe  }
.Ltmp42:
0x232: {  	s8 =	spop @!p1 (v2sf);
	(pc) =	sbr.rel @p2 .LBB2_50-.Ltmp42, $4  }
0x233: {  	p3 =	seq.s32 @!p1 s0, s8  }
0x234: {  	p3 =	por !p3, p1  }
0x235: {  	s5 =	simm.s32 @p3 $0xFFFFFFFF  }
0x236: {  	s5 =	smov.u32 @p1 s7  }
.LBB2_51:
0x237: {  	p1 =	seq.s32 s5, $0xFFFFFFFF  }
.Ltmp43:
0x238: {  	_ = 	snop;
	(pc) =	sbr.rel @p1 .LBB2_53-.Ltmp43, $1  }
0x239: {  	_ =	sdelay $0x3  }
0x23a: {  	s0 =	sshll.u32 s3, $0x6  }
0x23b: {  	s0 =	sand.u32 $0x3FFFFFC0, s0  }
0x23c: {  	v0 =	vld [tilespmem:s0+$0xA138];
	_ =	sdelay $0x2  }
0x23d: {  	s4 =	sshll.u32 s5, $0x8  }
0x23e: {  	s4 =	sshra.s32 s4, $0x2  }
0x23f: {  	[tilespmem:s4+$0xA138] =	vst.add.f32.msk $0xffff, v0  }
0x240: {  	v0 =	vld [tilespmem:s0+$0xA148];
	_ =	sdelay $0x4  }
0x241: {  	[tilespmem:s4+$0xA148] =	vst.add.f32.msk $0xffff, v0  }
0x242: {  	v0 =	vld [tilespmem:s0+$0xA158];
	_ =	sdelay $0x4  }
0x243: {  	[tilespmem:s4+$0xA158] =	vst.add.f32.msk $0xffff, v0  }
0x244: {  	v0 =	vld [tilespmem:s0+$0xA168]  }
.Ltmp44:
0x245: {  	_ = 	snop;
	(pc) =	sbr.rel .LBB2_54-.Ltmp44, $2  }
0x246: {  	_ =	sdelay $0x2  }
0x247: {  	[tilespmem:s4+$0xA168] =	vst.add.f32.msk $0xffff, v0  }
.LBB2_55:
0x248: {  	p1 =	slt.s32 s2, $0x1  }
.Ltmp45:
0x249: {  	_ = 	snop;
	(pc) =	sbr.rel @p1 .LBB2_59-.Ltmp45, $3  }
0x24a: {  	_ =	sdelay $0x1  }
0x24b: {  	s0 =	simm.s32 $0x8  }
0x24c: {  	[sflag:s0] =	ssyncpa.u1 $0x1;
	s0 =	simm.s32 $0x0  }
0x24d: {  	s3 =	simm.s32 $0xA118  }
0x24e: {  	v0 =	vld.msk [tilespmem:s3+$0x0], $0x1;
	_ =	sdelay $0x4  }
0x24f: {  	(v2sf) =	vpush v0, $0x0;
	_ =	sdelay $0xe  }
0x250: {  	s2 =	sadd.s32 $0xFFFFFFFF, s2;
	s4 =	spop (v2sf)  }
0x251: {  	p2 =	sne.s32 s2, $0x0;
	p1 =	sgt.u32 s4, $0x3FFFF8  }
.Ltmp46:
0x252: {  	s5 =	sand.u32 @!p1 $0x3FFFF8, s4;
	(pc) =	sbr.rel @!p2 .LBB2_58-.Ltmp46, $4  }
0x253: {  	s3 =	simm.s32 $0xA138;
	s4 =	sand.u32 @!p1 $0x7, s4;
	s5 =	sadd.s32 @!p1 s1, s5  }
0x254: {  	[hbm4b:s5+s4] =	stream.linear.scatter @!p1 [tilespmem:s3], [sflag:$0x7], $0x40, $0x38;
	[tilespmem:$0x1EF88] =	vst v63  }
0x255: {  	s5 =	simm.s32 $0x0  }
0x256: {  	s4 =	simm.s32 $0xA119;
	s5 =	simm.s32 @!p1 $0x100  }
.LBB2_57:
0x257: {  	v0 =	vld.msk [tilespmem:s4+$0x0], $0x1;
	s2 =	sadd.s32 $0xFFFFFFFF, s2;
	s0 =	sadd.s32 s0, s5  }
0x258: {  	p1 =	sne.s32 s2, $0x0;
	_ =	sdelay $0x3  }
0x259: {  	(v2sf) =	vpush v0, $0x0;
	_ =	sdelay $0xe  }
.Ltmp47:
0x25a: {  	s6 =	spop (v2sf);
	(pc) =	sbr.rel @p1 .LBB2_57-.Ltmp47, $4  }
0x25b: {  	s5 =	simm.s32 $0x0;
	p2 =	sgt.u32 s6, $0x3FFFF8  }
0x25c: {  	s3 =	sadd.s32 $0x40, s3;
	s5 =	simm.s32 @!p2 $0x100;
	s7 =	sand.u32 @!p2 $0x3FFFF8, s6  }
0x25d: {  	s4 =	sadd.s32 $0x1, s4;
	s6 =	sand.u32 @!p2 $0x7, s6;
	s7 =	sadd.s32 @!p2 s1, s7  }
0x25e: {  	[hbm4b:s7+s6] =	stream.linear.scatter @!p2 [tilespmem:s3], [sflag:$0x7], $0x40, $0x38;
	[tilespmem:$0x1EF88] =	vst v63  }
.LBB2_58:
0x25f: {  	s0 =	sadd.s32 s0, s5  }
0x260: {  	s0 =	sshrl.u32 s0, $0x2  }
.LBB2_59:
0x261: {  	s1 =	simm.s32 $0x7  }
0x262: {  	_ =	swait.ge [sflag:s1], s0  }
0x263: {  	s31 =	ssub.s32 $0x0, s0;
	[sflag:s1] =	ssyncset.done $0x0  }
0x264: {  	[sflag:s1] =	ssyncadd.s32 s31  }
0x265: {  	[sflag:s1] =	ssyncpa.u1 $0x1  }
.LBB2_60:
0x266: {  	_ =	sfence;
	s0 =	simm.s32 $0x1  }
0x267: {  	[sflag:s0] =	ssyncpa.u1 $0x1  }
0x268: {  	_ =	strace $0x9000004D  }
0x269: {  	[bflag:$0x2] =	sbarrier.arrive $0xFFFF  }
0x26a: {  	s0 =	rddreg [dreg:$0x4]  }
0x26b: {  	s0 =	sadd.s32 @!p0 $0x100000, s0  }
0x26c: {  	[sflag:s0] =	ssyncadd.tile.s32 @!p0 $0x1;
	_ =	shalt  }
.Lfunc_end2:
_tile_overlayer_lowered:
.L_overlay_start_2:
0x26d: {  	(tag) =	ssettag $0x2  }
0x26e: {  	s0 =	rddreg [dreg:$0x0];
	s2 =	stileid.u32  }
0x26f: {  	s1 =	rddreg [dreg:$0x1];
	p0 =	sne.s32 s2, $0x0  }
0x270: {  	s3 =	rddreg [dreg:$0x2];
	[bflag:$0x3] =	sbarrier.arrive $0xFFFF;
	s2 =	simm.s32 @!p0 $0x1C01  }
0x271: {  	[timem:s3], [sflag:s2] =	dma.local @!p0 [hbm:s0], s1  }
0x272: {  	s0 =	simm.s32 @!p0 $0x1  }
0x273: {  	_ =	swait.ge @!p0 [sflag:s0], s1  }
0x274: {  	s1 =	ssub.s32 @!p0 $0x0, s1;
	[sflag:s0] =	ssyncset.done @!p0 $0x0  }
0x275: {  	[sflag:s0] =	ssyncadd.s32 @!p0 s1  }
0x276: {  	[bflag:$0x3] =	sbarrier.arrive $0xFFFF  }
0x277: {  	_ =	shalt  }

</sc_bundles>
